<compile_context>
chip_gen: v7x
topology: tpu7x:2x2x1
jax: 0.10.2.dev20260603
libtpu: 0.0.44.dev20260713+nightly
codegen_flags: <defaults>
</compile_context>

<pallas_src>
import functools
import jax
import jax.numpy as jnp
from jax import lax
from jax.experimental import pallas as pl
from jax.experimental.pallas import tpu as pltpu
from jax.experimental.pallas import tpu_sc as plsc

AFL = 128
NBR = 16
DF = 2 * AFL + NBR
EPS = 1e-5


def _pack_pair(lo_cols, hi_cols):
    lo = lax.shift_right_logical(lax.bitcast_convert_type(lo_cols, jnp.int32), 16)
    hi = jnp.bitwise_and(lax.bitcast_convert_type(hi_cols, jnp.int32),
                         jnp.int32(-65536))
    return jnp.bitwise_or(lo, hi)


def _qproj_body(atom_ref, w1_ref, qta_ref, qtb_ref, *, bn):
    q = jnp.dot(atom_ref[:], w1_ref[:], preferred_element_type=jnp.float32)
    qr = q.astype(jnp.bfloat16).astype(jnp.float32)
    qta_ref[:] = _pack_pair(qr[:, :AFL], qr[:, AFL:2 * AFL])
    qtb_ref[:] = _pack_pair(qr[:, 2 * AFL:2 * AFL + 8], qr[:, 2 * AFL + 8:])


def _sc_gather(table_a, table_b_flat, idx_flat):
    E = idx_flat.shape[0]
    NW = 32
    per_w = E // NW
    CH = 80
    n_ch = per_w // CH
    nb_words = table_b_flat.shape[0]
    mesh = plsc.VectorSubcoreMesh(core_axis_name="c", subcore_axis_name="s")

    @functools.partial(
        pl.kernel,
        mesh=mesh,
        compiler_params=pltpu.CompilerParams(needs_layout_passes=False),
        out_type=[
            jax.ShapeDtypeStruct((E, 128), jnp.int32),
            jax.ShapeDtypeStruct((E * 8,), jnp.int32),
        ],
        scratch_types=[
            pltpu.VMEM((per_w,), jnp.int32),
            pltpu.VMEM((CH, 128), jnp.int32),
            pltpu.VMEM((CH, 128), jnp.int32),
            pltpu.VMEM((CH * 8,), jnp.int32),
            pltpu.VMEM((nb_words,), jnp.int32),
            pltpu.SemaphoreType.DMA,
            pltpu.SemaphoreType.DMA,
        ],
    )
    def gather_kernel(ta_hbm, tb_hbm, idx_hbm, outa_hbm, outb_hbm,
                      idx_v, rows_a0, rows_a1, rows_b, tb_v, sem0, sem1):
        wid = lax.axis_index("s") * 2 + lax.axis_index("c")
        base = pl.multiple_of(wid * per_w, 8)
        pltpu.sync_copy(tb_hbm, tb_v)
        pltpu.sync_copy(idx_hbm.at[pl.ds(base, per_w)], idx_v)
        lane = lax.iota(jnp.int32, 16)
        bufs = (rows_a0, rows_a1)
        sems = (sem0, sem1)

        def start(ch, buf, sem):
            off = pl.multiple_of(ch * CH, 8)
            pltpu.async_copy(ta_hbm.at[idx_v.at[pl.ds(off, CH)]], buf, sem)

        def finish(ch, buf, sem):
            off = pl.multiple_of(ch * CH, 8)
            for e16 in range(CH // 16):
                jv = idx_v[pl.ds(off + e16 * 16, 16)] * 8
                for c in range(8):
                    v = plsc.load_gather(tb_v, [jv + c])
                    plsc.store_scatter(rows_b, [lane * 8 + (e16 * 128 + c)], v)
            pltpu.make_async_copy(
                ta_hbm.at[idx_v.at[pl.ds(off, CH)]], buf, sem).wait()
            pltpu.sync_copy(buf, outa_hbm.at[pl.ds(base + off, CH)])
            pltpu.sync_copy(rows_b, outb_hbm.at[pl.ds((base + off) * 8, CH * 8)])

        start(0, bufs[0], sems[0])

        def body(ih, carry):
            for bslot in range(2):
                ch = ih * 2 + bslot
                start(ch + 1, bufs[1 - bslot], sems[1 - bslot])
                finish(ch, bufs[bslot], sems[bslot])
            return carry

        lax.fori_loop(0, n_ch // 2, body, 0)
        finish(n_ch - 1, bufs[0], sems[0])

    return gather_kernel(table_a, table_b_flat, idx_flat)


def _unpack_pair(words):
    lo_f = lax.bitcast_convert_type(lax.shift_left(words, 16), jnp.float32)
    hi_f = lax.bitcast_convert_type(
        jnp.bitwise_and(words, jnp.int32(-65536)), jnp.float32)
    return lo_f, hi_f


def _compute_parts(atom_ref, aga_ref, agb_ref, nbr_ref, w0_ref, w2_ref, b_ref,
                   bn, m):
    sp = jnp.dot(atom_ref[:], w0_ref[:], preferred_element_type=jnp.float32)
    sp = sp + b_ref[:]
    e = jnp.dot(nbr_ref[:].reshape(m * bn, NBR), w2_ref[:],
                preferred_element_type=jnp.float32)
    qf, qc = _unpack_pair(aga_ref[:].reshape(m * bn, AFL))
    qn_lo, qn_hi = _unpack_pair(agb_ref[:].reshape(m * bn, 8))
    qn = jnp.concatenate([qn_lo, qn_hi], axis=1)

    def bcast(x):
        w = x.shape[1]
        return jnp.broadcast_to(x[None, :, :], (m, bn, w)).reshape(m * bn, w)

    f = bcast(sp[:, :AFL]) + qf + e[:, :AFL]
    c = bcast(sp[:, AFL:2 * AFL]) + qc + e[:, AFL:2 * AFL]
    nw = bcast(sp[:, 2 * AFL:]) + qn + e[:, 2 * AFL:]
    return f, c, nw


def _mm_stats_body(atom_ref, aga_ref, agb_ref, nbr_ref, w0_ref, w2_ref, b_ref,
                   s_ref, q_ref, *, bn, m):
    f, c, nw = _compute_parts(atom_ref, aga_ref, agb_ref, nbr_ref,
                              w0_ref, w2_ref, b_ref, bn, m)

    @pl.when(pl.program_id(0) == 0)
    def _():
        s_ref[:] = jnp.zeros_like(s_ref)
        q_ref[:] = jnp.zeros_like(q_ref)

    s_ref[:] += jnp.concatenate(
        [jnp.sum(f, axis=0, keepdims=True),
         jnp.sum(c, axis=0, keepdims=True),
         jnp.sum(nw, axis=0, keepdims=True)], axis=1)
    q_ref[:] += jnp.concatenate(
        [jnp.sum(f * f, axis=0, keepdims=True),
         jnp.sum(c * c, axis=0, keepdims=True),
         jnp.sum(nw * nw, axis=0, keepdims=True)], axis=1)


def _apply_body(atom_ref, aga_ref, agb_ref, nbr_ref, w0_ref, w2_ref, b_ref,
                s_ref, q_ref, g1_ref, b1_ref,
                ns_ref, nn_ref, s2_ref, q2_ref, *, bn, m, nm_total):
    f, c, nw = _compute_parts(atom_ref, aga_ref, agb_ref, nbr_ref,
                              w0_ref, w2_ref, b_ref, bn, m)

    mean = s_ref[:] / nm_total
    var = q_ref[:] / nm_total - mean * mean
    a1 = g1_ref[:] * lax.rsqrt(var + EPS)
    c1 = b1_ref[:] - mean * a1

    fb = (f * a1[:, :AFL] + c1[:, :AFL]).reshape(m, bn, AFL)
    cb = (c * a1[:, AFL:2 * AFL] + c1[:, AFL:2 * AFL]).reshape(m, bn, AFL)
    nwb = (nw * a1[:, 2 * AFL:] + c1[:, 2 * AFL:]).reshape(m, bn, NBR)

    mx = fb[0]
    for j in range(1, m):
        mx = jnp.maximum(mx, fb[j])
    z = jnp.zeros((bn, AFL), jnp.float32)
    acc = jnp.zeros((bn, AFL), jnp.float32)
    for j in range(m):
        e = jnp.exp(fb[j] - mx)
        z = z + e
        acc = acc + e * jnp.maximum(cb[j], 0.0)
    ns = acc / z
    ns_ref[:] = ns
    nn_ref[:] = nwb + nbr_ref[:]

    @pl.when(pl.program_id(0) == 0)
    def _():
        s2_ref[:] = jnp.zeros_like(s2_ref)
        q2_ref[:] = jnp.zeros_like(q2_ref)

    s2_ref[:] += jnp.sum(ns, axis=0, keepdims=True)
    q2_ref[:] += jnp.sum(ns * ns, axis=0, keepdims=True)


def _bn2_body(atom_ref, ns_ref, s2_ref, q2_ref, g2_ref, b2_ref, out_ref, *, n_total):
    mean = s2_ref[:] / n_total
    var = q2_ref[:] / n_total - mean * mean
    a2 = g2_ref[:] * lax.rsqrt(var + EPS)
    c2 = b2_ref[:] - mean * a2
    out_ref[:] = atom_ref[:] + ns_ref[:] * a2 + c2


def kernel(atom_in_fea, nbr_fea, nbr_fea_idx, W, b, g1, b1, g2, b2):
    N, M = nbr_fea_idx.shape
    E = N * M

    idx_flat = nbr_fea_idx.astype(jnp.int32).T.reshape(E)
    nbr_t = jnp.transpose(nbr_fea, (1, 0, 2))
    w0 = W[:AFL, :]
    w1 = W[AFL:2 * AFL, :]
    w2 = W[2 * AFL:, :]
    b2d = b.reshape(1, DF)

    BQ = 1000
    qta, qtb = pl.pallas_call(
        functools.partial(_qproj_body, bn=BQ),
        grid=(N // BQ,),
        in_specs=[
            pl.BlockSpec((BQ, AFL), lambda i: (i, 0)),
            pl.BlockSpec((AFL, DF), lambda i: (0, 0)),
        ],
        out_specs=[
            pl.BlockSpec((BQ, AFL), lambda i: (i, 0)),
            pl.BlockSpec((BQ, 8), lambda i: (i, 0)),
        ],
        out_shape=[
            jax.ShapeDtypeStruct((N, AFL), jnp.int32),
            jax.ShapeDtypeStruct((N, 8), jnp.int32),
        ],
    )(atom_in_fea, w1)

    aga, agb_flat = _sc_gather(qta, qtb.reshape(N * 8), idx_flat)
    aga3 = aga.reshape(M, N, AFL)
    agb3 = agb_flat.reshape(M, N, 8)

    BN = 200
    grid_a = N // BN

    dense_specs = [
        pl.BlockSpec((BN, AFL), lambda i: (i, 0)),
        pl.BlockSpec((M, BN, AFL), lambda i: (0, i, 0)),
        pl.BlockSpec((M, BN, 8), lambda i: (0, i, 0)),
        pl.BlockSpec((M, BN, NBR), lambda i: (0, i, 0)),
        pl.BlockSpec((AFL, DF), lambda i: (0, 0)),
        pl.BlockSpec((NBR, DF), lambda i: (0, 0)),
        pl.BlockSpec((1, DF), lambda i: (0, 0)),
    ]
    s, q = pl.pallas_call(
        functools.partial(_mm_stats_body, bn=BN, m=M),
        grid=(grid_a,),
        in_specs=dense_specs,
        out_specs=[
            pl.BlockSpec((1, DF), lambda i: (0, 0)),
            pl.BlockSpec((1, DF), lambda i: (0, 0)),
        ],
        out_shape=[
            jax.ShapeDtypeStruct((1, DF), jnp.float32),
            jax.ShapeDtypeStruct((1, DF), jnp.float32),
        ],
    )(atom_in_fea, aga3, agb3, nbr_t, w0, w2, b2d)

    ns, nn_t, s2, q2 = pl.pallas_call(
        functools.partial(_apply_body, bn=BN, m=M, nm_total=float(E)),
        grid=(grid_a,),
        in_specs=dense_specs + [
            pl.BlockSpec((1, DF), lambda i: (0, 0)),
            pl.BlockSpec((1, DF), lambda i: (0, 0)),
            pl.BlockSpec((1, DF), lambda i: (0, 0)),
            pl.BlockSpec((1, DF), lambda i: (0, 0)),
        ],
        out_specs=[
            pl.BlockSpec((BN, AFL), lambda i: (i, 0)),
            pl.BlockSpec((M, BN, NBR), lambda i: (0, i, 0)),
            pl.BlockSpec((1, AFL), lambda i: (0, 0)),
            pl.BlockSpec((1, AFL), lambda i: (0, 0)),
        ],
        out_shape=[
            jax.ShapeDtypeStruct((N, AFL), jnp.float32),
            jax.ShapeDtypeStruct((M, N, NBR), jnp.float32),
            jax.ShapeDtypeStruct((1, AFL), jnp.float32),
            jax.ShapeDtypeStruct((1, AFL), jnp.float32),
        ],
    )(atom_in_fea, aga3, agb3, nbr_t, w0, w2, b2d,
      s, q, g1.reshape(1, DF), b1.reshape(1, DF))
    nn = jnp.transpose(nn_t, (1, 0, 2))

    BC = 1000
    out = pl.pallas_call(
        functools.partial(_bn2_body, n_total=float(N)),
        grid=(N // BC,),
        in_specs=[
            pl.BlockSpec((BC, AFL), lambda i: (i, 0)),
            pl.BlockSpec((BC, AFL), lambda i: (i, 0)),
            pl.BlockSpec((1, AFL), lambda i: (0, 0)),
            pl.BlockSpec((1, AFL), lambda i: (0, 0)),
            pl.BlockSpec((1, AFL), lambda i: (0, 0)),
            pl.BlockSpec((1, AFL), lambda i: (0, 0)),
        ],
        out_specs=pl.BlockSpec((BC, AFL), lambda i: (i, 0)),
        out_shape=jax.ShapeDtypeStruct((N, AFL), jnp.float32),
    )(atom_in_fea, ns, s2, q2, g2.reshape(1, AFL), b2.reshape(1, AFL))

    return (out, nn)

# --- scband reference (transcript-rebuilt; emitter-appended) ---
"""Pipeline reference for scband-conv-layer-19816979104581 (READ-ONLY COPY).

The authoritative reference and input builder live on the scoring server;
editing this copy changes nothing except your own understanding.
"""

import jax, jax.numpy as jnp
import numpy as np

ATOM_FEA_LEN = 128
NBR_FEA_LEN = 16


def _batchnorm(x, gamma, beta, eps=1e-5):
    # torch nn.BatchNorm1d in training mode: normalize with batch mean and biased variance
    mean = jnp.mean(x, axis=0)
    var = jnp.mean((x - mean) ** 2, axis=0)
    return gamma * (x - mean) / jnp.sqrt(var + eps) + beta


def setup_inputs(seed: int = 0) -> dict:
    key = jax.random.key(seed)
    k1, k2, k3, k4, k5 = jax.random.split(key, 5)
    N, M = 10000, 32
    d_full = 2 * ATOM_FEA_LEN + NBR_FEA_LEN  # 272
    atom_in_fea = jax.random.normal(k1, (N, ATOM_FEA_LEN), dtype=jnp.float32)
    nbr_fea = jax.random.normal(k2, (N, M, NBR_FEA_LEN), dtype=jnp.float32)
    nbr_fea_idx = jax.random.randint(k3, (N, M), 0, N, dtype=jnp.int64 if jax.config.jax_enable_x64 else jnp.int32)
    W = jax.random.normal(k4, (d_full, d_full), dtype=jnp.float32) * (1.0 / np.sqrt(d_full))
    b = jax.random.normal(k5, (d_full,), dtype=jnp.float32) * 0.01
    g1 = jnp.ones((d_full,), dtype=jnp.float32)
    b1 = jnp.zeros((d_full,), dtype=jnp.float32)
    g2 = jnp.ones((ATOM_FEA_LEN,), dtype=jnp.float32)
    b2 = jnp.zeros((ATOM_FEA_LEN,), dtype=jnp.float32)
    return {"atom_in_fea": atom_in_fea, "nbr_fea": nbr_fea, "nbr_fea_idx": nbr_fea_idx,
            "W": W, "b": b, "g1": g1, "b1": b1, "g2": g2, "b2": b2}


def reference(atom_in_fea, nbr_fea, nbr_fea_idx, W, b, g1, b1, g2, b2):
    N, M = nbr_fea_idx.shape
    afl = atom_in_fea.shape[1]
    d_full = 2 * afl + nbr_fea.shape[2]
    # gather neighbor atom features
    atom_nbr_fea = jnp.take(atom_in_fea, nbr_fea_idx, axis=0)  # (N, M, afl)
    self_fea = jnp.broadcast_to(atom_in_fea[:, None, :], (N, M, afl))
    total_nbr_fea = jnp.concatenate([self_fea, atom_nbr_fea, nbr_fea], axis=2)  # (N, M, d_full)
    total_gated_fea = total_nbr_fea @ W + b
    flat = total_gated_fea.reshape(-1, d_full)
    flat = _batchnorm(flat, g1, b1)
    total_gated_fea = flat.reshape(N, M, d_full)
    nbr_filter = total_gated_fea[..., :afl]
    nbr_core = total_gated_fea[..., afl:2 * afl]
    new_nbr = total_gated_fea[..., 2 * afl:]
    nbr_filter = jax.nn.softmax(nbr_filter, axis=1)
    nbr_core = jax.nn.relu(nbr_core)
    nbr_sumed = jnp.sum(nbr_filter * nbr_core, axis=1)
    nbr_sumed = _batchnorm(nbr_sumed, g2, b2)
    out = atom_in_fea + nbr_sumed
    new_nbr = new_nbr + nbr_fea
    return (out, new_nbr)

if __name__ == "__main__":
    import jax
    _d = setup_inputs()
    print(jax.jit(kernel)(*tuple(_d.values())))

</pallas_src>

<mosaic_0001>
#map = affine_map<(d0, d1) -> (0, 0)>
#map1 = affine_map<(d0, d1) -> (0)>
module attributes {stable_mosaic.version = 14 : i64} {
  func.func @gather_kernel(%arg0: i32, %arg1: i32, %arg2: memref<10000x128xi32, #tpu.memory_space<hbm>>, %arg3: memref<80000xi32, #tpu.memory_space<hbm>>, %arg4: memref<320000xi32, #tpu.memory_space<hbm>>, %arg5: memref<320000x128xi32, #tpu.memory_space<hbm>>, %arg6: memref<2560000xi32, #tpu.memory_space<hbm>>, %arg7: memref<10000xi32, #tpu.memory_space<vmem>>, %arg8: memref<80x128xi32, #tpu.memory_space<vmem>>, %arg9: memref<80x128xi32, #tpu.memory_space<vmem>>, %arg10: memref<640xi32, #tpu.memory_space<vmem>>, %arg11: memref<80000xi32, #tpu.memory_space<vmem>>, %arg12: memref<!tpu.dma_semaphore, #tpu.memory_space<semaphore_mem>>, %arg13: memref<!tpu.dma_semaphore, #tpu.memory_space<semaphore_mem>>) attributes {dimension_semantics = [#tpu.dimension_semantics<core_parallel>, #tpu.dimension_semantics<subcore_parallel>], iteration_bounds = array<i64: 2, 16>, scalar_prefetch = 0 : i64, scratch_operands = 7 : i64, tpu.core_type = #tpu.core_type<sc_vector_subcore>, window_params = [{transform_indices = #map}, {transform_indices = #map1}, {transform_indices = #map1}, {transform_indices = #map}, {transform_indices = #map1}]} {
    %mul3A = arith.constant 2 : i32
    %mul3A_0 = arith.muli %arg1, %mul3A : i32
    %add3A = arith.addi %mul3A_0, %arg0 : i32
    %mul3A_1 = arith.constant 10000 : i32
    %mul3A_2 = arith.muli %add3A, %mul3A_1 : i32
    %multiple_of3A = tpu.assume_multiple %mul3A_2, 8 : i32
    "tpu.region"() ({
      %run_scoped3A = tpu.sem_alloc : memref<!tpu.dma_semaphore, #tpu.memory_space<semaphore_mem>>
      tpu.enqueue_dma source(%arg3 : memref<80000xi32, #tpu.memory_space<hbm>>) target(%arg11 : memref<80000xi32, #tpu.memory_space<vmem>>) target_semaphore(%run_scoped3A : memref<!tpu.dma_semaphore, #tpu.memory_space<semaphore_mem>>)
      tpu.wait_dma2 semaphore(%run_scoped3A : memref<!tpu.dma_semaphore, #tpu.memory_space<semaphore_mem>>) src(%arg3 : memref<80000xi32, #tpu.memory_space<hbm>>) dst(%arg11 : memref<80000xi32, #tpu.memory_space<vmem>>)
      tpu.yield
    }) : () -> ()
    "tpu.region"() ({
      %run_scoped3A = tpu.sem_alloc : memref<!tpu.dma_semaphore, #tpu.memory_space<semaphore_mem>>
      %dma_start3A_455 = tpu.memref_slice %arg4[%multiple_of3A] : memref<320000xi32, #tpu.memory_space<hbm>> -> memref<10000xi32, #tpu.memory_space<hbm>>
      %dma_start3A_456 = tpu.memref_slice %arg4[%multiple_of3A] : memref<320000xi32, #tpu.memory_space<hbm>> -> memref<10000xi32, #tpu.memory_space<hbm>>
      tpu.enqueue_dma source(%dma_start3A_456 : memref<10000xi32, #tpu.memory_space<hbm>>) target(%arg7 : memref<10000xi32, #tpu.memory_space<vmem>>) target_semaphore(%run_scoped3A : memref<!tpu.dma_semaphore, #tpu.memory_space<semaphore_mem>>)
      %dma_wait3A_457 = tpu.memref_slice %arg4[%multiple_of3A] : memref<320000xi32, #tpu.memory_space<hbm>> -> memref<10000xi32, #tpu.memory_space<hbm>>
      %dma_wait3A_458 = tpu.memref_slice %arg4[%multiple_of3A] : memref<320000xi32, #tpu.memory_space<hbm>> -> memref<10000xi32, #tpu.memory_space<hbm>>
      tpu.wait_dma2 semaphore(%run_scoped3A : memref<!tpu.dma_semaphore, #tpu.memory_space<semaphore_mem>>) src(%dma_wait3A_458 : memref<10000xi32, #tpu.memory_space<hbm>>) dst(%arg7 : memref<10000xi32, #tpu.memory_space<vmem>>)
      tpu.yield
    }) : () -> ()
    %iota3A = tpu.iota {dimensions = array<i32: 0>} : vector<16xi32>
    %multiple_of3A_3 = arith.constant 0 : i32
    %multiple_of3A_4 = tpu.assume_multiple %multiple_of3A_3, 8 : i32
    %dma_start3A = tpu.memref_slice %arg7[%multiple_of3A_4] : memref<10000xi32, #tpu.memory_space<vmem>> -> memref<80xi32, #tpu.memory_space<vmem>>
    %dma_start3A_5 = arith.constant 0 : i32
    %dma_start3A_6 = arith.constant 0 : i32
    %dma_start3A_7 = tpu.memref_slice %arg2[%dma_start3A_5, %dma_start3A_6] : memref<10000x128xi32, #tpu.memory_space<hbm>> -> memref<10000x128xi32, #tpu.memory_space<hbm>>
    tpu.enqueue_indirect_dma source(%dma_start3A_7 : memref<10000x128xi32, #tpu.memory_space<hbm>>) target(%arg8 : memref<80x128xi32, #tpu.memory_space<vmem>>) offsets(%dma_start3A : memref<80xi32, #tpu.memory_space<vmem>>) semaphore(%arg12 : memref<!tpu.dma_semaphore, #tpu.memory_space<semaphore_mem>>)
    %scan3A = arith.constant 0 : i32
    %scan3A_8 = arith.constant 0 : i32
    %scan3A_9 = arith.constant 62 : i32
    %scan3A_10 = arith.addi %scan3A_8, %scan3A_9 : i32
    %scan3A_11 = arith.constant 1 : i32
    scf.for %scan3A_455 = %scan3A_8 to %scan3A_10 step %scan3A_11  : i32 {
      %mul3A_456 = arith.constant 2 : i32
      %mul3A_457 = arith.muli %scan3A_455, %mul3A_456 : i32
      %add3A_458 = arith.constant 0 : i32
      %add3A_459 = arith.addi %mul3A_457, %add3A_458 : i32
      %add3A_460 = arith.constant 1 : i32
      %add3A_461 = arith.addi %add3A_459, %add3A_460 : i32
      %mul3A_462 = arith.constant 80 : i32
      %mul3A_463 = arith.muli %add3A_461, %mul3A_462 : i32
      %multiple_of3A_464 = tpu.assume_multiple %mul3A_463, 8 : i32
      %dma_start3A_465 = tpu.memref_slice %arg7[%multiple_of3A_464] : memref<10000xi32, #tpu.memory_space<vmem>> -> memref<80xi32, #tpu.memory_space<vmem>>
      %dma_start3A_466 = arith.constant 0 : i32
      %dma_start3A_467 = arith.constant 0 : i32
      %dma_start3A_468 = tpu.memref_slice %arg2[%dma_start3A_466, %dma_start3A_467] : memref<10000x128xi32, #tpu.memory_space<hbm>> -> memref<10000x128xi32, #tpu.memory_space<hbm>>
      tpu.enqueue_indirect_dma source(%dma_start3A_468 : memref<10000x128xi32, #tpu.memory_space<hbm>>) target(%arg9 : memref<80x128xi32, #tpu.memory_space<vmem>>) offsets(%dma_start3A_465 : memref<80xi32, #tpu.memory_space<vmem>>) semaphore(%arg13 : memref<!tpu.dma_semaphore, #tpu.memory_space<semaphore_mem>>)
      %mul3A_469 = arith.constant 80 : i32
      %mul3A_470 = arith.muli %add3A_459, %mul3A_469 : i32
      %multiple_of3A_471 = tpu.assume_multiple %mul3A_470, 8 : i32
      %add3A_472 = arith.constant 0 : i32
      %add3A_473 = arith.addi %multiple_of3A_471, %add3A_472 : i32
      %get3A_474 = arith.index_cast %add3A_473 : i32 to index
      %get3A_475 = tpu.vector_load %arg7[%get3A_474] {strides = array<i32>} : memref<10000xi32, #tpu.memory_space<vmem>>, vector<16xi32>,
      %mul3A_476 = arith.constant 8 : i32
      %mul3A_477 = vector.broadcast %mul3A_476 : i32 to vector<16xi32>
      %mul3A_478 = arith.muli %get3A_475, %mul3A_477 : vector<16xi32>
      %add3A_479 = arith.constant 0 : i32
      %add3A_480 = vector.broadcast %add3A_479 : i32 to vector<16xi32>
      %add3A_481 = arith.addi %mul3A_478, %add3A_480 : vector<16xi32>
      %gather3A_482 = tpu.vector_load_idx %arg11[%add3A_481] : memref<80000xi32, #tpu.memory_space<vmem>>[vector<16xi32>], vector<16xi32>,
      %mul3A_483 = arith.constant 8 : i32
      %mul3A_484 = vector.broadcast %mul3A_483 : i32 to vector<16xi32>
      %mul3A_485 = arith.muli %iota3A, %mul3A_484 : vector<16xi32>
      %add3A_486 = arith.constant 0 : i32
      %add3A_487 = vector.broadcast %add3A_486 : i32 to vector<16xi32>
      %add3A_488 = arith.addi %mul3A_485, %add3A_487 : vector<16xi32>
      tpu.vector_store_idx %arg10[%add3A_488], %gather3A_482 : memref<640xi32, #tpu.memory_space<vmem>>[vector<16xi32>], vector<16xi32>,
      %add3A_489 = arith.constant 1 : i32
      %add3A_490 = vector.broadcast %add3A_489 : i32 to vector<16xi32>
      %add3A_491 = arith.addi %mul3A_478, %add3A_490 : vector<16xi32>
      %gather3A_492 = tpu.vector_load_idx %arg11[%add3A_491] : memref<80000xi32, #tpu.memory_space<vmem>>[vector<16xi32>], vector<16xi32>,
      %mul3A_493 = arith.constant 8 : i32
      %mul3A_494 = vector.broadcast %mul3A_493 : i32 to vector<16xi32>
      %mul3A_495 = arith.muli %iota3A, %mul3A_494 : vector<16xi32>
      %add3A_496 = arith.constant 1 : i32
      %add3A_497 = vector.broadcast %add3A_496 : i32 to vector<16xi32>
      %add3A_498 = arith.addi %mul3A_495, %add3A_497 : vector<16xi32>
      tpu.vector_store_idx %arg10[%add3A_498], %gather3A_492 : memref<640xi32, #tpu.memory_space<vmem>>[vector<16xi32>], vector<16xi32>,
      %add3A_499 = arith.constant 2 : i32
      %add3A_500 = vector.broadcast %add3A_499 : i32 to vector<16xi32>
      %add3A_501 = arith.addi %mul3A_478, %add3A_500 : vector<16xi32>
      %gather3A_502 = tpu.vector_load_idx %arg11[%add3A_501] : memref<80000xi32, #tpu.memory_space<vmem>>[vector<16xi32>], vector<16xi32>,
      %mul3A_503 = arith.constant 8 : i32
      %mul3A_504 = vector.broadcast %mul3A_503 : i32 to vector<16xi32>
      %mul3A_505 = arith.muli %iota3A, %mul3A_504 : vector<16xi32>
      %add3A_506 = arith.constant 2 : i32
      %add3A_507 = vector.broadcast %add3A_506 : i32 to vector<16xi32>
      %add3A_508 = arith.addi %mul3A_505, %add3A_507 : vector<16xi32>
      tpu.vector_store_idx %arg10[%add3A_508], %gather3A_502 : memref<640xi32, #tpu.memory_space<vmem>>[vector<16xi32>], vector<16xi32>,
      %add3A_509 = arith.constant 3 : i32
      %add3A_510 = vector.broadcast %add3A_509 : i32 to vector<16xi32>
      %add3A_511 = arith.addi %mul3A_478, %add3A_510 : vector<16xi32>
      %gather3A_512 = tpu.vector_load_idx %arg11[%add3A_511] : memref<80000xi32, #tpu.memory_space<vmem>>[vector<16xi32>], vector<16xi32>,
      %mul3A_513 = arith.constant 8 : i32
      %mul3A_514 = vector.broadcast %mul3A_513 : i32 to vector<16xi32>
      %mul3A_515 = arith.muli %iota3A, %mul3A_514 : vector<16xi32>
      %add3A_516 = arith.constant 3 : i32
      %add3A_517 = vector.broadcast %add3A_516 : i32 to vector<16xi32>
      %add3A_518 = arith.addi %mul3A_515, %add3A_517 : vector<16xi32>
      tpu.vector_store_idx %arg10[%add3A_518], %gather3A_512 : memref<640xi32, #tpu.memory_space<vmem>>[vector<16xi32>], vector<16xi32>,
      %add3A_519 = arith.constant 4 : i32
      %add3A_520 = vector.broadcast %add3A_519 : i32 to vector<16xi32>
      %add3A_521 = arith.addi %mul3A_478, %add3A_520 : vector<16xi32>
      %gather3A_522 = tpu.vector_load_idx %arg11[%add3A_521] : memref<80000xi32, #tpu.memory_space<vmem>>[vector<16xi32>], vector<16xi32>,
      %mul3A_523 = arith.constant 8 : i32
      %mul3A_524 = vector.broadcast %mul3A_523 : i32 to vector<16xi32>
      %mul3A_525 = arith.muli %iota3A, %mul3A_524 : vector<16xi32>
      %add3A_526 = arith.constant 4 : i32
      %add3A_527 = vector.broadcast %add3A_526 : i32 to vector<16xi32>
      %add3A_528 = arith.addi %mul3A_525, %add3A_527 : vector<16xi32>
      tpu.vector_store_idx %arg10[%add3A_528], %gather3A_522 : memref<640xi32, #tpu.memory_space<vmem>>[vector<16xi32>], vector<16xi32>,
      %add3A_529 = arith.constant 5 : i32
      %add3A_530 = vector.broadcast %add3A_529 : i32 to vector<16xi32>
      %add3A_531 = arith.addi %mul3A_478, %add3A_530 : vector<16xi32>
      %gather3A_532 = tpu.vector_load_idx %arg11[%add3A_531] : memref<80000xi32, #tpu.memory_space<vmem>>[vector<16xi32>], vector<16xi32>,
      %mul3A_533 = arith.constant 8 : i32
      %mul3A_534 = vector.broadcast %mul3A_533 : i32 to vector<16xi32>
      %mul3A_535 = arith.muli %iota3A, %mul3A_534 : vector<16xi32>
      %add3A_536 = arith.constant 5 : i32
      %add3A_537 = vector.broadcast %add3A_536 : i32 to vector<16xi32>
      %add3A_538 = arith.addi %mul3A_535, %add3A_537 : vector<16xi32>
      tpu.vector_store_idx %arg10[%add3A_538], %gather3A_532 : memref<640xi32, #tpu.memory_space<vmem>>[vector<16xi32>], vector<16xi32>,
      %add3A_539 = arith.constant 6 : i32
      %add3A_540 = vector.broadcast %add3A_539 : i32 to vector<16xi32>
      %add3A_541 = arith.addi %mul3A_478, %add3A_540 : vector<16xi32>
      %gather3A_542 = tpu.vector_load_idx %arg11[%add3A_541] : memref<80000xi32, #tpu.memory_space<vmem>>[vector<16xi32>], vector<16xi32>,
      %mul3A_543 = arith.constant 8 : i32
      %mul3A_544 = vector.broadcast %mul3A_543 : i32 to vector<16xi32>
      %mul3A_545 = arith.muli %iota3A, %mul3A_544 : vector<16xi32>
      %add3A_546 = arith.constant 6 : i32
      %add3A_547 = vector.broadcast %add3A_546 : i32 to vector<16xi32>
      %add3A_548 = arith.addi %mul3A_545, %add3A_547 : vector<16xi32>
      tpu.vector_store_idx %arg10[%add3A_548], %gather3A_542 : memref<640xi32, #tpu.memory_space<vmem>>[vector<16xi32>], vector<16xi32>,
      %add3A_549 = arith.constant 7 : i32
      %add3A_550 = vector.broadcast %add3A_549 : i32 to vector<16xi32>
      %add3A_551 = arith.addi %mul3A_478, %add3A_550 : vector<16xi32>
      %gather3A_552 = tpu.vector_load_idx %arg11[%add3A_551] : memref<80000xi32, #tpu.memory_space<vmem>>[vector<16xi32>], vector<16xi32>,
      %mul3A_553 = arith.constant 8 : i32
      %mul3A_554 = vector.broadcast %mul3A_553 : i32 to vector<16xi32>
      %mul3A_555 = arith.muli %iota3A, %mul3A_554 : vector<16xi32>
      %add3A_556 = arith.constant 7 : i32
      %add3A_557 = vector.broadcast %add3A_556 : i32 to vector<16xi32>
      %add3A_558 = arith.addi %mul3A_555, %add3A_557 : vector<16xi32>
      tpu.vector_store_idx %arg10[%add3A_558], %gather3A_552 : memref<640xi32, #tpu.memory_space<vmem>>[vector<16xi32>], vector<16xi32>,
      %add3A_559 = arith.constant 16 : i32
      %add3A_560 = arith.addi %multiple_of3A_471, %add3A_559 : i32
      %get3A_561 = arith.index_cast %add3A_560 : i32 to index
      %get3A_562 = tpu.vector_load %arg7[%get3A_561] {strides = array<i32>} : memref<10000xi32, #tpu.memory_space<vmem>>, vector<16xi32>,
      %mul3A_563 = arith.constant 8 : i32
      %mul3A_564 = vector.broadcast %mul3A_563 : i32 to vector<16xi32>
      %mul3A_565 = arith.muli %get3A_562, %mul3A_564 : vector<16xi32>
      %add3A_566 = arith.constant 0 : i32
      %add3A_567 = vector.broadcast %add3A_566 : i32 to vector<16xi32>
      %add3A_568 = arith.addi %mul3A_565, %add3A_567 : vector<16xi32>
      %gather3A_569 = tpu.vector_load_idx %arg11[%add3A_568] : memref<80000xi32, #tpu.memory_space<vmem>>[vector<16xi32>], vector<16xi32>,
      %mul3A_570 = arith.constant 8 : i32
      %mul3A_571 = vector.broadcast %mul3A_570 : i32 to vector<16xi32>
      %mul3A_572 = arith.muli %iota3A, %mul3A_571 : vector<16xi32>
      %add3A_573 = arith.constant 128 : i32
      %add3A_574 = vector.broadcast %add3A_573 : i32 to vector<16xi32>
      %add3A_575 = arith.addi %mul3A_572, %add3A_574 : vector<16xi32>
      tpu.vector_store_idx %arg10[%add3A_575], %gather3A_569 : memref<640xi32, #tpu.memory_space<vmem>>[vector<16xi32>], vector<16xi32>,
      %add3A_576 = arith.constant 1 : i32
      %add3A_577 = vector.broadcast %add3A_576 : i32 to vector<16xi32>
      %add3A_578 = arith.addi %mul3A_565, %add3A_577 : vector<16xi32>
      %gather3A_579 = tpu.vector_load_idx %arg11[%add3A_578] : memref<80000xi32, #tpu.memory_space<vmem>>[vector<16xi32>], vector<16xi32>,
      %mul3A_580 = arith.constant 8 : i32
      %mul3A_581 = vector.broadcast %mul3A_580 : i32 to vector<16xi32>
      %mul3A_582 = arith.muli %iota3A, %mul3A_581 : vector<16xi32>
      %add3A_583 = arith.constant 129 : i32
      %add3A_584 = vector.broadcast %add3A_583 : i32 to vector<16xi32>
      %add3A_585 = arith.addi %mul3A_582, %add3A_584 : vector<16xi32>
      tpu.vector_store_idx %arg10[%add3A_585], %gather3A_579 : memref<640xi32, #tpu.memory_space<vmem>>[vector<16xi32>], vector<16xi32>,
      %add3A_586 = arith.constant 2 : i32
      %add3A_587 = vector.broadcast %add3A_586 : i32 to vector<16xi32>
      %add3A_588 = arith.addi %mul3A_565, %add3A_587 : vector<16xi32>
      %gather3A_589 = tpu.vector_load_idx %arg11[%add3A_588] : memref<80000xi32, #tpu.memory_space<vmem>>[vector<16xi32>], vector<16xi32>,
      %mul3A_590 = arith.constant 8 : i32
      %mul3A_591 = vector.broadcast %mul3A_590 : i32 to vector<16xi32>
      %mul3A_592 = arith.muli %iota3A, %mul3A_591 : vector<16xi32>
      %add3A_593 = arith.constant 130 : i32
      %add3A_594 = vector.broadcast %add3A_593 : i32 to vector<16xi32>
      %add3A_595 = arith.addi %mul3A_592, %add3A_594 : vector<16xi32>
      tpu.vector_store_idx %arg10[%add3A_595], %gather3A_589 : memref<640xi32, #tpu.memory_space<vmem>>[vector<16xi32>], vector<16xi32>,
      %add3A_596 = arith.constant 3 : i32
      %add3A_597 = vector.broadcast %add3A_596 : i32 to vector<16xi32>
      %add3A_598 = arith.addi %mul3A_565, %add3A_597 : vector<16xi32>
      %gather3A_599 = tpu.vector_load_idx %arg11[%add3A_598] : memref<80000xi32, #tpu.memory_space<vmem>>[vector<16xi32>], vector<16xi32>,
      %mul3A_600 = arith.constant 8 : i32
      %mul3A_601 = vector.broadcast %mul3A_600 : i32 to vector<16xi32>
      %mul3A_602 = arith.muli %iota3A, %mul3A_601 : vector<16xi32>
      %add3A_603 = arith.constant 131 : i32
      %add3A_604 = vector.broadcast %add3A_603 : i32 to vector<16xi32>
      %add3A_605 = arith.addi %mul3A_602, %add3A_604 : vector<16xi32>
      tpu.vector_store_idx %arg10[%add3A_605], %gather3A_599 : memref<640xi32, #tpu.memory_space<vmem>>[vector<16xi32>], vector<16xi32>,
      %add3A_606 = arith.constant 4 : i32
      %add3A_607 = vector.broadcast %add3A_606 : i32 to vector<16xi32>
      %add3A_608 = arith.addi %mul3A_565, %add3A_607 : vector<16xi32>
      %gather3A_609 = tpu.vector_load_idx %arg11[%add3A_608] : memref<80000xi32, #tpu.memory_space<vmem>>[vector<16xi32>], vector<16xi32>,
      %mul3A_610 = arith.constant 8 : i32
      %mul3A_611 = vector.broadcast %mul3A_610 : i32 to vector<16xi32>
      %mul3A_612 = arith.muli %iota3A, %mul3A_611 : vector<16xi32>
      %add3A_613 = arith.constant 132 : i32
      %add3A_614 = vector.broadcast %add3A_613 : i32 to vector<16xi32>
      %add3A_615 = arith.addi %mul3A_612, %add3A_614 : vector<16xi32>
      tpu.vector_store_idx %arg10[%add3A_615], %gather3A_609 : memref<640xi32, #tpu.memory_space<vmem>>[vector<16xi32>], vector<16xi32>,
      %add3A_616 = arith.constant 5 : i32
      %add3A_617 = vector.broadcast %add3A_616 : i32 to vector<16xi32>
      %add3A_618 = arith.addi %mul3A_565, %add3A_617 : vector<16xi32>
      %gather3A_619 = tpu.vector_load_idx %arg11[%add3A_618] : memref<80000xi32, #tpu.memory_space<vmem>>[vector<16xi32>], vector<16xi32>,
      %mul3A_620 = arith.constant 8 : i32
      %mul3A_621 = vector.broadcast %mul3A_620 : i32 to vector<16xi32>
      %mul3A_622 = arith.muli %iota3A, %mul3A_621 : vector<16xi32>
      %add3A_623 = arith.constant 133 : i32
      %add3A_624 = vector.broadcast %add3A_623 : i32 to vector<16xi32>
      %add3A_625 = arith.addi %mul3A_622, %add3A_624 : vector<16xi32>
      tpu.vector_store_idx %arg10[%add3A_625], %gather3A_619 : memref<640xi32, #tpu.memory_space<vmem>>[vector<16xi32>], vector<16xi32>,
      %add3A_626 = arith.constant 6 : i32
      %add3A_627 = vector.broadcast %add3A_626 : i32 to vector<16xi32>
      %add3A_628 = arith.addi %mul3A_565, %add3A_627 : vector<16xi32>
      %gather3A_629 = tpu.vector_load_idx %arg11[%add3A_628] : memref<80000xi32, #tpu.memory_space<vmem>>[vector<16xi32>], vector<16xi32>,
      %mul3A_630 = arith.constant 8 : i32
      %mul3A_631 = vector.broadcast %mul3A_630 : i32 to vector<16xi32>
      %mul3A_632 = arith.muli %iota3A, %mul3A_631 : vector<16xi32>
      %add3A_633 = arith.constant 134 : i32
      %add3A_634 = vector.broadcast %add3A_633 : i32 to vector<16xi32>
      %add3A_635 = arith.addi %mul3A_632, %add3A_634 : vector<16xi32>
      tpu.vector_store_idx %arg10[%add3A_635], %gather3A_629 : memref<640xi32, #tpu.memory_space<vmem>>[vector<16xi32>], vector<16xi32>,
      %add3A_636 = arith.constant 7 : i32
      %add3A_637 = vector.broadcast %add3A_636 : i32 to vector<16xi32>
      %add3A_638 = arith.addi %mul3A_565, %add3A_637 : vector<16xi32>
      %gather3A_639 = tpu.vector_load_idx %arg11[%add3A_638] : memref<80000xi32, #tpu.memory_space<vmem>>[vector<16xi32>], vector<16xi32>,
      %mul3A_640 = arith.constant 8 : i32
      %mul3A_641 = vector.broadcast %mul3A_640 : i32 to vector<16xi32>
      %mul3A_642 = arith.muli %iota3A, %mul3A_641 : vector<16xi32>
      %add3A_643 = arith.constant 135 : i32
      %add3A_644 = vector.broadcast %add3A_643 : i32 to vector<16xi32>
      %add3A_645 = arith.addi %mul3A_642, %add3A_644 : vector<16xi32>
      tpu.vector_store_idx %arg10[%add3A_645], %gather3A_639 : memref<640xi32, #tpu.memory_space<vmem>>[vector<16xi32>], vector<16xi32>,
      %add3A_646 = arith.constant 32 : i32
      %add3A_647 = arith.addi %multiple_of3A_471, %add3A_646 : i32
      %get3A_648 = arith.index_cast %add3A_647 : i32 to index
      %get3A_649 = tpu.vector_load %arg7[%get3A_648] {strides = array<i32>} : memref<10000xi32, #tpu.memory_space<vmem>>, vector<16xi32>,
      %mul3A_650 = arith.constant 8 : i32
      %mul3A_651 = vector.broadcast %mul3A_650 : i32 to vector<16xi32>
      %mul3A_652 = arith.muli %get3A_649, %mul3A_651 : vector<16xi32>
      %add3A_653 = arith.constant 0 : i32
      %add3A_654 = vector.broadcast %add3A_653 : i32 to vector<16xi32>
      %add3A_655 = arith.addi %mul3A_652, %add3A_654 : vector<16xi32>
      %gather3A_656 = tpu.vector_load_idx %arg11[%add3A_655] : memref<80000xi32, #tpu.memory_space<vmem>>[vector<16xi32>], vector<16xi32>,
      %mul3A_657 = arith.constant 8 : i32
      %mul3A_658 = vector.broadcast %mul3A_657 : i32 to vector<16xi32>
      %mul3A_659 = arith.muli %iota3A, %mul3A_658 : vector<16xi32>
      %add3A_660 = arith.constant 256 : i32
      %add3A_661 = vector.broadcast %add3A_660 : i32 to vector<16xi32>
      %add3A_662 = arith.addi %mul3A_659, %add3A_661 : vector<16xi32>
      tpu.vector_store_idx %arg10[%add3A_662], %gather3A_656 : memref<640xi32, #tpu.memory_space<vmem>>[vector<16xi32>], vector<16xi32>,
      %add3A_663 = arith.constant 1 : i32
      %add3A_664 = vector.broadcast %add3A_663 : i32 to vector<16xi32>
      %add3A_665 = arith.addi %mul3A_652, %add3A_664 : vector<16xi32>
      %gather3A_666 = tpu.vector_load_idx %arg11[%add3A_665] : memref<80000xi32, #tpu.memory_space<vmem>>[vector<16xi32>], vector<16xi32>,
      %mul3A_667 = arith.constant 8 : i32
      %mul3A_668 = vector.broadcast %mul3A_667 : i32 to vector<16xi32>
      %mul3A_669 = arith.muli %iota3A, %mul3A_668 : vector<16xi32>
      %add3A_670 = arith.constant 257 : i32
      %add3A_671 = vector.broadcast %add3A_670 : i32 to vector<16xi32>
      %add3A_672 = arith.addi %mul3A_669, %add3A_671 : vector<16xi32>
      tpu.vector_store_idx %arg10[%add3A_672], %gather3A_666 : memref<640xi32, #tpu.memory_space<vmem>>[vector<16xi32>], vector<16xi32>,
      %add3A_673 = arith.constant 2 : i32
      %add3A_674 = vector.broadcast %add3A_673 : i32 to vector<16xi32>
      %add3A_675 = arith.addi %mul3A_652, %add3A_674 : vector<16xi32>
      %gather3A_676 = tpu.vector_load_idx %arg11[%add3A_675] : memref<80000xi32, #tpu.memory_space<vmem>>[vector<16xi32>], vector<16xi32>,
      %mul3A_677 = arith.constant 8 : i32
      %mul3A_678 = vector.broadcast %mul3A_677 : i32 to vector<16xi32>
      %mul3A_679 = arith.muli %iota3A, %mul3A_678 : vector<16xi32>
      %add3A_680 = arith.constant 258 : i32
      %add3A_681 = vector.broadcast %add3A_680 : i32 to vector<16xi32>
      %add3A_682 = arith.addi %mul3A_679, %add3A_681 : vector<16xi32>
      tpu.vector_store_idx %arg10[%add3A_682], %gather3A_676 : memref<640xi32, #tpu.memory_space<vmem>>[vector<16xi32>], vector<16xi32>,
      %add3A_683 = arith.constant 3 : i32
      %add3A_684 = vector.broadcast %add3A_683 : i32 to vector<16xi32>
      %add3A_685 = arith.addi %mul3A_652, %add3A_684 : vector<16xi32>
      %gather3A_686 = tpu.vector_load_idx %arg11[%add3A_685] : memref<80000xi32, #tpu.memory_space<vmem>>[vector<16xi32>], vector<16xi32>,
      %mul3A_687 = arith.constant 8 : i32
      %mul3A_688 = vector.broadcast %mul3A_687 : i32 to vector<16xi32>
      %mul3A_689 = arith.muli %iota3A, %mul3A_688 : vector<16xi32>
      %add3A_690 = arith.constant 259 : i32
      %add3A_691 = vector.broadcast %add3A_690 : i32 to vector<16xi32>
      %add3A_692 = arith.addi %mul3A_689, %add3A_691 : vector<16xi32>
      tpu.vector_store_idx %arg10[%add3A_692], %gather3A_686 : memref<640xi32, #tpu.memory_space<vmem>>[vector<16xi32>], vector<16xi32>,
      %add3A_693 = arith.constant 4 : i32
      %add3A_694 = vector.broadcast %add3A_693 : i32 to vector<16xi32>
      %add3A_695 = arith.addi %mul3A_652, %add3A_694 : vector<16xi32>
      %gather3A_696 = tpu.vector_load_idx %arg11[%add3A_695] : memref<80000xi32, #tpu.memory_space<vmem>>[vector<16xi32>], vector<16xi32>,
      %mul3A_697 = arith.constant 8 : i32
      %mul3A_698 = vector.broadcast %mul3A_697 : i32 to vector<16xi32>
      %mul3A_699 = arith.muli %iota3A, %mul3A_698 : vector<16xi32>
      %add3A_700 = arith.constant 260 : i32
      %add3A_701 = vector.broadcast %add3A_700 : i32 to vector<16xi32>
      %add3A_702 = arith.addi %mul3A_699, %add3A_701 : vector<16xi32>
      tpu.vector_store_idx %arg10[%add3A_702], %gather3A_696 : memref<640xi32, #tpu.memory_space<vmem>>[vector<16xi32>], vector<16xi32>,
      %add3A_703 = arith.constant 5 : i32
      %add3A_704 = vector.broadcast %add3A_703 : i32 to vector<16xi32>
      %add3A_705 = arith.addi %mul3A_652, %add3A_704 : vector<16xi32>
      %gather3A_706 = tpu.vector_load_idx %arg11[%add3A_705] : memref<80000xi32, #tpu.memory_space<vmem>>[vector<16xi32>], vector<16xi32>,
      %mul3A_707 = arith.constant 8 : i32
      %mul3A_708 = vector.broadcast %mul3A_707 : i32 to vector<16xi32>
      %mul3A_709 = arith.muli %iota3A, %mul3A_708 : vector<16xi32>
      %add3A_710 = arith.constant 261 : i32
      %add3A_711 = vector.broadcast %add3A_710 : i32 to vector<16xi32>
      %add3A_712 = arith.addi %mul3A_709, %add3A_711 : vector<16xi32>
      tpu.vector_store_idx %arg10[%add3A_712], %gather3A_706 : memref<640xi32, #tpu.memory_space<vmem>>[vector<16xi32>], vector<16xi32>,
      %add3A_713 = arith.constant 6 : i32
      %add3A_714 = vector.broadcast %add3A_713 : i32 to vector<16xi32>
      %add3A_715 = arith.addi %mul3A_652, %add3A_714 : vector<16xi32>
      %gather3A_716 = tpu.vector_load_idx %arg11[%add3A_715] : memref<80000xi32, #tpu.memory_space<vmem>>[vector<16xi32>], vector<16xi32>,
      %mul3A_717 = arith.constant 8 : i32
      %mul3A_718 = vector.broadcast %mul3A_717 : i32 to vector<16xi32>
      %mul3A_719 = arith.muli %iota3A, %mul3A_718 : vector<16xi32>
      %add3A_720 = arith.constant 262 : i32
      %add3A_721 = vector.broadcast %add3A_720 : i32 to vector<16xi32>
      %add3A_722 = arith.addi %mul3A_719, %add3A_721 : vector<16xi32>
      tpu.vector_store_idx %arg10[%add3A_722], %gather3A_716 : memref<640xi32, #tpu.memory_space<vmem>>[vector<16xi32>], vector<16xi32>,
      %add3A_723 = arith.constant 7 : i32
      %add3A_724 = vector.broadcast %add3A_723 : i32 to vector<16xi32>
      %add3A_725 = arith.addi %mul3A_652, %add3A_724 : vector<16xi32>
      %gather3A_726 = tpu.vector_load_idx %arg11[%add3A_725] : memref<80000xi32, #tpu.memory_space<vmem>>[vector<16xi32>], vector<16xi32>,
      %mul3A_727 = arith.constant 8 : i32
      %mul3A_728 = vector.broadcast %mul3A_727 : i32 to vector<16xi32>
      %mul3A_729 = arith.muli %iota3A, %mul3A_728 : vector<16xi32>
      %add3A_730 = arith.constant 263 : i32
      %add3A_731 = vector.broadcast %add3A_730 : i32 to vector<16xi32>
      %add3A_732 = arith.addi %mul3A_729, %add3A_731 : vector<16xi32>
      tpu.vector_store_idx %arg10[%add3A_732], %gather3A_726 : memref<640xi32, #tpu.memory_space<vmem>>[vector<16xi32>], vector<16xi32>,
      %add3A_733 = arith.constant 48 : i32
      %add3A_734 = arith.addi %multiple_of3A_471, %add3A_733 : i32
      %get3A_735 = arith.index_cast %add3A_734 : i32 to index
      %get3A_736 = tpu.vector_load %arg7[%get3A_735] {strides = array<i32>} : memref<10000xi32, #tpu.memory_space<vmem>>, vector<16xi32>,
      %mul3A_737 = arith.constant 8 : i32
      %mul3A_738 = vector.broadcast %mul3A_737 : i32 to vector<16xi32>
      %mul3A_739 = arith.muli %get3A_736, %mul3A_738 : vector<16xi32>
      %add3A_740 = arith.constant 0 : i32
      %add3A_741 = vector.broadcast %add3A_740 : i32 to vector<16xi32>
      %add3A_742 = arith.addi %mul3A_739, %add3A_741 : vector<16xi32>
      %gather3A_743 = tpu.vector_load_idx %arg11[%add3A_742] : memref<80000xi32, #tpu.memory_space<vmem>>[vector<16xi32>], vector<16xi32>,
      %mul3A_744 = arith.constant 8 : i32
      %mul3A_745 = vector.broadcast %mul3A_744 : i32 to vector<16xi32>
      %mul3A_746 = arith.muli %iota3A, %mul3A_745 : vector<16xi32>
      %add3A_747 = arith.constant 384 : i32
      %add3A_748 = vector.broadcast %add3A_747 : i32 to vector<16xi32>
      %add3A_749 = arith.addi %mul3A_746, %add3A_748 : vector<16xi32>
      tpu.vector_store_idx %arg10[%add3A_749], %gather3A_743 : memref<640xi32, #tpu.memory_space<vmem>>[vector<16xi32>], vector<16xi32>,
      %add3A_750 = arith.constant 1 : i32
      %add3A_751 = vector.broadcast %add3A_750 : i32 to vector<16xi32>
      %add3A_752 = arith.addi %mul3A_739, %add3A_751 : vector<16xi32>
      %gather3A_753 = tpu.vector_load_idx %arg11[%add3A_752] : memref<80000xi32, #tpu.memory_space<vmem>>[vector<16xi32>], vector<16xi32>,
      %mul3A_754 = arith.constant 8 : i32
      %mul3A_755 = vector.broadcast %mul3A_754 : i32 to vector<16xi32>
      %mul3A_756 = arith.muli %iota3A, %mul3A_755 : vector<16xi32>
      %add3A_757 = arith.constant 385 : i32
      %add3A_758 = vector.broadcast %add3A_757 : i32 to vector<16xi32>
      %add3A_759 = arith.addi %mul3A_756, %add3A_758 : vector<16xi32>
      tpu.vector_store_idx %arg10[%add3A_759], %gather3A_753 : memref<640xi32, #tpu.memory_space<vmem>>[vector<16xi32>], vector<16xi32>,
      %add3A_760 = arith.constant 2 : i32
      %add3A_761 = vector.broadcast %add3A_760 : i32 to vector<16xi32>
      %add3A_762 = arith.addi %mul3A_739, %add3A_761 : vector<16xi32>
      %gather3A_763 = tpu.vector_load_idx %arg11[%add3A_762] : memref<80000xi32, #tpu.memory_space<vmem>>[vector<16xi32>], vector<16xi32>,
      %mul3A_764 = arith.constant 8 : i32
      %mul3A_765 = vector.broadcast %mul3A_764 : i32 to vector<16xi32>
      %mul3A_766 = arith.muli %iota3A, %mul3A_765 : vector<16xi32>
      %add3A_767 = arith.constant 386 : i32
      %add3A_768 = vector.broadcast %add3A_767 : i32 to vector<16xi32>
      %add3A_769 = arith.addi %mul3A_766, %add3A_768 : vector<16xi32>
      tpu.vector_store_idx %arg10[%add3A_769], %gather3A_763 : memref<640xi32, #tpu.memory_space<vmem>>[vector<16xi32>], vector<16xi32>,
      %add3A_770 = arith.constant 3 : i32
      %add3A_771 = vector.broadcast %add3A_770 : i32 to vector<16xi32>
      %add3A_772 = arith.addi %mul3A_739, %add3A_771 : vector<16xi32>
      %gather3A_773 = tpu.vector_load_idx %arg11[%add3A_772] : memref<80000xi32, #tpu.memory_space<vmem>>[vector<16xi32>], vector<16xi32>,
      %mul3A_774 = arith.constant 8 : i32
      %mul3A_775 = vector.broadcast %mul3A_774 : i32 to vector<16xi32>
      %mul3A_776 = arith.muli %iota3A, %mul3A_775 : vector<16xi32>
      %add3A_777 = arith.constant 387 : i32
      %add3A_778 = vector.broadcast %add3A_777 : i32 to vector<16xi32>
      %add3A_779 = arith.addi %mul3A_776, %add3A_778 : vector<16xi32>
      tpu.vector_store_idx %arg10[%add3A_779], %gather3A_773 : memref<640xi32, #tpu.memory_space<vmem>>[vector<16xi32>], vector<16xi32>,
      %add3A_780 = arith.constant 4 : i32
      %add3A_781 = vector.broadcast %add3A_780 : i32 to vector<16xi32>
      %add3A_782 = arith.addi %mul3A_739, %add3A_781 : vector<16xi32>
      %gather3A_783 = tpu.vector_load_idx %arg11[%add3A_782] : memref<80000xi32, #tpu.memory_space<vmem>>[vector<16xi32>], vector<16xi32>,
      %mul3A_784 = arith.constant 8 : i32
      %mul3A_785 = vector.broadcast %mul3A_784 : i32 to vector<16xi32>
      %mul3A_786 = arith.muli %iota3A, %mul3A_785 : vector<16xi32>
      %add3A_787 = arith.constant 388 : i32
      %add3A_788 = vector.broadcast %add3A_787 : i32 to vector<16xi32>
      %add3A_789 = arith.addi %mul3A_786, %add3A_788 : vector<16xi32>
      tpu.vector_store_idx %arg10[%add3A_789], %gather3A_783 : memref<640xi32, #tpu.memory_space<vmem>>[vector<16xi32>], vector<16xi32>,
      %add3A_790 = arith.constant 5 : i32
      %add3A_791 = vector.broadcast %add3A_790 : i32 to vector<16xi32>
      %add3A_792 = arith.addi %mul3A_739, %add3A_791 : vector<16xi32>
      %gather3A_793 = tpu.vector_load_idx %arg11[%add3A_792] : memref<80000xi32, #tpu.memory_space<vmem>>[vector<16xi32>], vector<16xi32>,
      %mul3A_794 = arith.constant 8 : i32
      %mul3A_795 = vector.broadcast %mul3A_794 : i32 to vector<16xi32>
      %mul3A_796 = arith.muli %iota3A, %mul3A_795 : vector<16xi32>
      %add3A_797 = arith.constant 389 : i32
      %add3A_798 = vector.broadcast %add3A_797 : i32 to vector<16xi32>
      %add3A_799 = arith.addi %mul3A_796, %add3A_798 : vector<16xi32>
      tpu.vector_store_idx %arg10[%add3A_799], %gather3A_793 : memref<640xi32, #tpu.memory_space<vmem>>[vector<16xi32>], vector<16xi32>,
      %add3A_800 = arith.constant 6 : i32
      %add3A_801 = vector.broadcast %add3A_800 : i32 to vector<16xi32>
      %add3A_802 = arith.addi %mul3A_739, %add3A_801 : vector<16xi32>
      %gather3A_803 = tpu.vector_load_idx %arg11[%add3A_802] : memref<80000xi32, #tpu.memory_space<vmem>>[vector<16xi32>], vector<16xi32>,
      %mul3A_804 = arith.constant 8 : i32
      %mul3A_805 = vector.broadcast %mul3A_804 : i32 to vector<16xi32>
      %mul3A_806 = arith.muli %iota3A, %mul3A_805 : vector<16xi32>
      %add3A_807 = arith.constant 390 : i32
      %add3A_808 = vector.broadcast %add3A_807 : i32 to vector<16xi32>
      %add3A_809 = arith.addi %mul3A_806, %add3A_808 : vector<16xi32>
      tpu.vector_store_idx %arg10[%add3A_809], %gather3A_803 : memref<640xi32, #tpu.memory_space<vmem>>[vector<16xi32>], vector<16xi32>,
      %add3A_810 = arith.constant 7 : i32
      %add3A_811 = vector.broadcast %add3A_810 : i32 to vector<16xi32>
      %add3A_812 = arith.addi %mul3A_739, %add3A_811 : vector<16xi32>
      %gather3A_813 = tpu.vector_load_idx %arg11[%add3A_812] : memref<80000xi32, #tpu.memory_space<vmem>>[vector<16xi32>], vector<16xi32>,
      %mul3A_814 = arith.constant 8 : i32
      %mul3A_815 = vector.broadcast %mul3A_814 : i32 to vector<16xi32>
      %mul3A_816 = arith.muli %iota3A, %mul3A_815 : vector<16xi32>
      %add3A_817 = arith.constant 391 : i32
      %add3A_818 = vector.broadcast %add3A_817 : i32 to vector<16xi32>
      %add3A_819 = arith.addi %mul3A_816, %add3A_818 : vector<16xi32>
      tpu.vector_store_idx %arg10[%add3A_819], %gather3A_813 : memref<640xi32, #tpu.memory_space<vmem>>[vector<16xi32>], vector<16xi32>,
      %add3A_820 = arith.constant 64 : i32
      %add3A_821 = arith.addi %multiple_of3A_471, %add3A_820 : i32
      %get3A_822 = arith.index_cast %add3A_821 : i32 to index
      %get3A_823 = tpu.vector_load %arg7[%get3A_822] {strides = array<i32>} : memref<10000xi32, #tpu.memory_space<vmem>>, vector<16xi32>,
      %mul3A_824 = arith.constant 8 : i32
      %mul3A_825 = vector.broadcast %mul3A_824 : i32 to vector<16xi32>
      %mul3A_826 = arith.muli %get3A_823, %mul3A_825 : vector<16xi32>
      %add3A_827 = arith.constant 0 : i32
      %add3A_828 = vector.broadcast %add3A_827 : i32 to vector<16xi32>
      %add3A_829 = arith.addi %mul3A_826, %add3A_828 : vector<16xi32>
      %gather3A_830 = tpu.vector_load_idx %arg11[%add3A_829] : memref<80000xi32, #tpu.memory_space<vmem>>[vector<16xi32>], vector<16xi32>,
      %mul3A_831 = arith.constant 8 : i32
      %mul3A_832 = vector.broadcast %mul3A_831 : i32 to vector<16xi32>
      %mul3A_833 = arith.muli %iota3A, %mul3A_832 : vector<16xi32>
      %add3A_834 = arith.constant 512 : i32
      %add3A_835 = vector.broadcast %add3A_834 : i32 to vector<16xi32>
      %add3A_836 = arith.addi %mul3A_833, %add3A_835 : vector<16xi32>
      tpu.vector_store_idx %arg10[%add3A_836], %gather3A_830 : memref<640xi32, #tpu.memory_space<vmem>>[vector<16xi32>], vector<16xi32>,
      %add3A_837 = arith.constant 1 : i32
      %add3A_838 = vector.broadcast %add3A_837 : i32 to vector<16xi32>
      %add3A_839 = arith.addi %mul3A_826, %add3A_838 : vector<16xi32>
      %gather3A_840 = tpu.vector_load_idx %arg11[%add3A_839] : memref<80000xi32, #tpu.memory_space<vmem>>[vector<16xi32>], vector<16xi32>,
      %mul3A_841 = arith.constant 8 : i32
      %mul3A_842 = vector.broadcast %mul3A_841 : i32 to vector<16xi32>
      %mul3A_843 = arith.muli %iota3A, %mul3A_842 : vector<16xi32>
      %add3A_844 = arith.constant 513 : i32
      %add3A_845 = vector.broadcast %add3A_844 : i32 to vector<16xi32>
      %add3A_846 = arith.addi %mul3A_843, %add3A_845 : vector<16xi32>
      tpu.vector_store_idx %arg10[%add3A_846], %gather3A_840 : memref<640xi32, #tpu.memory_space<vmem>>[vector<16xi32>], vector<16xi32>,
      %add3A_847 = arith.constant 2 : i32
      %add3A_848 = vector.broadcast %add3A_847 : i32 to vector<16xi32>
      %add3A_849 = arith.addi %mul3A_826, %add3A_848 : vector<16xi32>
      %gather3A_850 = tpu.vector_load_idx %arg11[%add3A_849] : memref<80000xi32, #tpu.memory_space<vmem>>[vector<16xi32>], vector<16xi32>,
      %mul3A_851 = arith.constant 8 : i32
      %mul3A_852 = vector.broadcast %mul3A_851 : i32 to vector<16xi32>
      %mul3A_853 = arith.muli %iota3A, %mul3A_852 : vector<16xi32>
      %add3A_854 = arith.constant 514 : i32
      %add3A_855 = vector.broadcast %add3A_854 : i32 to vector<16xi32>
      %add3A_856 = arith.addi %mul3A_853, %add3A_855 : vector<16xi32>
      tpu.vector_store_idx %arg10[%add3A_856], %gather3A_850 : memref<640xi32, #tpu.memory_space<vmem>>[vector<16xi32>], vector<16xi32>,
      %add3A_857 = arith.constant 3 : i32
      %add3A_858 = vector.broadcast %add3A_857 : i32 to vector<16xi32>
      %add3A_859 = arith.addi %mul3A_826, %add3A_858 : vector<16xi32>
      %gather3A_860 = tpu.vector_load_idx %arg11[%add3A_859] : memref<80000xi32, #tpu.memory_space<vmem>>[vector<16xi32>], vector<16xi32>,
      %mul3A_861 = arith.constant 8 : i32
      %mul3A_862 = vector.broadcast %mul3A_861 : i32 to vector<16xi32>
      %mul3A_863 = arith.muli %iota3A, %mul3A_862 : vector<16xi32>
      %add3A_864 = arith.constant 515 : i32
      %add3A_865 = vector.broadcast %add3A_864 : i32 to vector<16xi32>
      %add3A_866 = arith.addi %mul3A_863, %add3A_865 : vector<16xi32>
      tpu.vector_store_idx %arg10[%add3A_866], %gather3A_860 : memref<640xi32, #tpu.memory_space<vmem>>[vector<16xi32>], vector<16xi32>,
      %add3A_867 = arith.constant 4 : i32
      %add3A_868 = vector.broadcast %add3A_867 : i32 to vector<16xi32>
      %add3A_869 = arith.addi %mul3A_826, %add3A_868 : vector<16xi32>
      %gather3A_870 = tpu.vector_load_idx %arg11[%add3A_869] : memref<80000xi32, #tpu.memory_space<vmem>>[vector<16xi32>], vector<16xi32>,
      %mul3A_871 = arith.constant 8 : i32
      %mul3A_872 = vector.broadcast %mul3A_871 : i32 to vector<16xi32>
      %mul3A_873 = arith.muli %iota3A, %mul3A_872 : vector<16xi32>
      %add3A_874 = arith.constant 516 : i32
      %add3A_875 = vector.broadcast %add3A_874 : i32 to vector<16xi32>
      %add3A_876 = arith.addi %mul3A_873, %add3A_875 : vector<16xi32>
      tpu.vector_store_idx %arg10[%add3A_876], %gather3A_870 : memref<640xi32, #tpu.memory_space<vmem>>[vector<16xi32>], vector<16xi32>,
      %add3A_877 = arith.constant 5 : i32
      %add3A_878 = vector.broadcast %add3A_877 : i32 to vector<16xi32>
      %add3A_879 = arith.addi %mul3A_826, %add3A_878 : vector<16xi32>
      %gather3A_880 = tpu.vector_load_idx %arg11[%add3A_879] : memref<80000xi32, #tpu.memory_space<vmem>>[vector<16xi32>], vector<16xi32>,
      %mul3A_881 = arith.constant 8 : i32
      %mul3A_882 = vector.broadcast %mul3A_881 : i32 to vector<16xi32>
      %mul3A_883 = arith.muli %iota3A, %mul3A_882 : vector<16xi32>
      %add3A_884 = arith.constant 517 : i32
      %add3A_885 = vector.broadcast %add3A_884 : i32 to vector<16xi32>
      %add3A_886 = arith.addi %mul3A_883, %add3A_885 : vector<16xi32>
      tpu.vector_store_idx %arg10[%add3A_886], %gather3A_880 : memref<640xi32, #tpu.memory_space<vmem>>[vector<16xi32>], vector<16xi32>,
      %add3A_887 = arith.constant 6 : i32
      %add3A_888 = vector.broadcast %add3A_887 : i32 to vector<16xi32>
      %add3A_889 = arith.addi %mul3A_826, %add3A_888 : vector<16xi32>
      %gather3A_890 = tpu.vector_load_idx %arg11[%add3A_889] : memref<80000xi32, #tpu.memory_space<vmem>>[vector<16xi32>], vector<16xi32>,
      %mul3A_891 = arith.constant 8 : i32
      %mul3A_892 = vector.broadcast %mul3A_891 : i32 to vector<16xi32>
      %mul3A_893 = arith.muli %iota3A, %mul3A_892 : vector<16xi32>
      %add3A_894 = arith.constant 518 : i32
      %add3A_895 = vector.broadcast %add3A_894 : i32 to vector<16xi32>
      %add3A_896 = arith.addi %mul3A_893, %add3A_895 : vector<16xi32>
      tpu.vector_store_idx %arg10[%add3A_896], %gather3A_890 : memref<640xi32, #tpu.memory_space<vmem>>[vector<16xi32>], vector<16xi32>,
      %add3A_897 = arith.constant 7 : i32
      %add3A_898 = vector.broadcast %add3A_897 : i32 to vector<16xi32>
      %add3A_899 = arith.addi %mul3A_826, %add3A_898 : vector<16xi32>
      %gather3A_900 = tpu.vector_load_idx %arg11[%add3A_899] : memref<80000xi32, #tpu.memory_space<vmem>>[vector<16xi32>], vector<16xi32>,
      %mul3A_901 = arith.constant 8 : i32
      %mul3A_902 = vector.broadcast %mul3A_901 : i32 to vector<16xi32>
      %mul3A_903 = arith.muli %iota3A, %mul3A_902 : vector<16xi32>
      %add3A_904 = arith.constant 519 : i32
      %add3A_905 = vector.broadcast %add3A_904 : i32 to vector<16xi32>
      %add3A_906 = arith.addi %mul3A_903, %add3A_905 : vector<16xi32>
      tpu.vector_store_idx %arg10[%add3A_906], %gather3A_900 : memref<640xi32, #tpu.memory_space<vmem>>[vector<16xi32>], vector<16xi32>,
      %dma_wait3A_907 = tpu.memref_slice %arg7[%multiple_of3A_471] : memref<10000xi32, #tpu.memory_space<vmem>> -> memref<80xi32, #tpu.memory_space<vmem>>
      %dma_wait3A_908 = arith.constant 0 : i32
      %dma_wait3A_909 = arith.constant 0 : i32
      %dma_wait3A_910 = tpu.memref_slice %arg2[%dma_wait3A_908, %dma_wait3A_909] : memref<10000x128xi32, #tpu.memory_space<hbm>> -> memref<10000x128xi32, #tpu.memory_space<hbm>>
      tpu.wait_indirect_dma semaphore(%arg12 : memref<!tpu.dma_semaphore, #tpu.memory_space<semaphore_mem>>) src(%dma_wait3A_910 : memref<10000x128xi32, #tpu.memory_space<hbm>>) dst(%arg8 : memref<80x128xi32, #tpu.memory_space<vmem>>)
      %add3A_911 = arith.addi %multiple_of3A, %multiple_of3A_471 : i32
      "tpu.region"() ({
        %run_scoped3A = tpu.sem_alloc : memref<!tpu.dma_semaphore, #tpu.memory_space<semaphore_mem>>
        %dma_start3A_1374 = arith.constant 0 : i32
        %dma_start3A_1375 = tpu.memref_slice %arg5[%add3A_911, %dma_start3A_1374] : memref<320000x128xi32, #tpu.memory_space<hbm>> -> memref<80x128xi32, #tpu.memory_space<hbm>>
        %dma_start3A_1376 = arith.constant 0 : i32
        %dma_start3A_1377 = tpu.memref_slice %arg5[%add3A_911, %dma_start3A_1376] : memref<320000x128xi32, #tpu.memory_space<hbm>> -> memref<80x128xi32, #tpu.memory_space<hbm>>
        tpu.enqueue_dma source(%arg8 : memref<80x128xi32, #tpu.memory_space<vmem>>) target(%dma_start3A_1377 : memref<80x128xi32, #tpu.memory_space<hbm>>) target_semaphore(%run_scoped3A : memref<!tpu.dma_semaphore, #tpu.memory_space<semaphore_mem>>)
        %dma_wait3A_1378 = arith.constant 0 : i32
        %dma_wait3A_1379 = tpu.memref_slice %arg5[%add3A_911, %dma_wait3A_1378] : memref<320000x128xi32, #tpu.memory_space<hbm>> -> memref<80x128xi32, #tpu.memory_space<hbm>>
        %dma_wait3A_1380 = arith.constant 0 : i32
        %dma_wait3A_1381 = tpu.memref_slice %arg5[%add3A_911, %dma_wait3A_1380] : memref<320000x128xi32, #tpu.memory_space<hbm>> -> memref<80x128xi32, #tpu.memory_space<hbm>>
        tpu.wait_dma2 semaphore(%run_scoped3A : memref<!tpu.dma_semaphore, #tpu.memory_space<semaphore_mem>>) src(%arg8 : memref<80x128xi32, #tpu.memory_space<vmem>>) dst(%dma_wait3A_1381 : memref<80x128xi32, #tpu.memory_space<hbm>>)
        tpu.yield
      }) : () -> ()
      %add3A_912 = arith.addi %multiple_of3A, %multiple_of3A_471 : i32
      %mul3A_913 = arith.constant 8 : i32
      %mul3A_914 = arith.muli %add3A_912, %mul3A_913 : i32
      "tpu.region"() ({
        %run_scoped3A = tpu.sem_alloc : memref<!tpu.dma_semaphore, #tpu.memory_space<semaphore_mem>>
        %dma_start3A_1374 = tpu.memref_slice %arg6[%mul3A_914] : memref<2560000xi32, #tpu.memory_space<hbm>> -> memref<640xi32, #tpu.memory_space<hbm>>
        %dma_start3A_1375 = tpu.memref_slice %arg6[%mul3A_914] : memref<2560000xi32, #tpu.memory_space<hbm>> -> memref<640xi32, #tpu.memory_space<hbm>>
        tpu.enqueue_dma source(%arg10 : memref<640xi32, #tpu.memory_space<vmem>>) target(%dma_start3A_1375 : memref<640xi32, #tpu.memory_space<hbm>>) target_semaphore(%run_scoped3A : memref<!tpu.dma_semaphore, #tpu.memory_space<semaphore_mem>>)
        %dma_wait3A_1376 = tpu.memref_slice %arg6[%mul3A_914] : memref<2560000xi32, #tpu.memory_space<hbm>> -> memref<640xi32, #tpu.memory_space<hbm>>
        %dma_wait3A_1377 = tpu.memref_slice %arg6[%mul3A_914] : memref<2560000xi32, #tpu.memory_space<hbm>> -> memref<640xi32, #tpu.memory_space<hbm>>
        tpu.wait_dma2 semaphore(%run_scoped3A : memref<!tpu.dma_semaphore, #tpu.memory_space<semaphore_mem>>) src(%arg10 : memref<640xi32, #tpu.memory_space<vmem>>) dst(%dma_wait3A_1377 : memref<640xi32, #tpu.memory_space<hbm>>)
        tpu.yield
      }) : () -> ()
      %mul3A_915 = arith.constant 2 : i32
      %mul3A_916 = arith.muli %scan3A_455, %mul3A_915 : i32
      %add3A_917 = arith.constant 1 : i32
      %add3A_918 = arith.addi %mul3A_916, %add3A_917 : i32
      %add3A_919 = arith.constant 1 : i32
      %add3A_920 = arith.addi %add3A_918, %add3A_919 : i32
      %mul3A_921 = arith.constant 80 : i32
      %mul3A_922 = arith.muli %add3A_920, %mul3A_921 : i32
      %multiple_of3A_923 = tpu.assume_multiple %mul3A_922, 8 : i32
      %dma_start3A_924 = tpu.memref_slice %arg7[%multiple_of3A_923] : memref<10000xi32, #tpu.memory_space<vmem>> -> memref<80xi32, #tpu.memory_space<vmem>>
      %dma_start3A_925 = arith.constant 0 : i32
      %dma_start3A_926 = arith.constant 0 : i32
      %dma_start3A_927 = tpu.memref_slice %arg2[%dma_start3A_925, %dma_start3A_926] : memref<10000x128xi32, #tpu.memory_space<hbm>> -> memref<10000x128xi32, #tpu.memory_space<hbm>>
      tpu.enqueue_indirect_dma source(%dma_start3A_927 : memref<10000x128xi32, #tpu.memory_space<hbm>>) target(%arg8 : memref<80x128xi32, #tpu.memory_space<vmem>>) offsets(%dma_start3A_924 : memref<80xi32, #tpu.memory_space<vmem>>) semaphore(%arg12 : memref<!tpu.dma_semaphore, #tpu.memory_space<semaphore_mem>>)
      %mul3A_928 = arith.constant 80 : i32
      %mul3A_929 = arith.muli %add3A_918, %mul3A_928 : i32
      %multiple_of3A_930 = tpu.assume_multiple %mul3A_929, 8 : i32
      %add3A_931 = arith.constant 0 : i32
      %add3A_932 = arith.addi %multiple_of3A_930, %add3A_931 : i32
      %get3A_933 = arith.index_cast %add3A_932 : i32 to index
      %get3A_934 = tpu.vector_load %arg7[%get3A_933] {strides = array<i32>} : memref<10000xi32, #tpu.memory_space<vmem>>, vector<16xi32>,
      %mul3A_935 = arith.constant 8 : i32
      %mul3A_936 = vector.broadcast %mul3A_935 : i32 to vector<16xi32>
      %mul3A_937 = arith.muli %get3A_934, %mul3A_936 : vector<16xi32>
      %add3A_938 = arith.constant 0 : i32
      %add3A_939 = vector.broadcast %add3A_938 : i32 to vector<16xi32>
      %add3A_940 = arith.addi %mul3A_937, %add3A_939 : vector<16xi32>
      %gather3A_941 = tpu.vector_load_idx %arg11[%add3A_940] : memref<80000xi32, #tpu.memory_space<vmem>>[vector<16xi32>], vector<16xi32>,
      %mul3A_942 = arith.constant 8 : i32
      %mul3A_943 = vector.broadcast %mul3A_942 : i32 to vector<16xi32>
      %mul3A_944 = arith.muli %iota3A, %mul3A_943 : vector<16xi32>
      %add3A_945 = arith.constant 0 : i32
      %add3A_946 = vector.broadcast %add3A_945 : i32 to vector<16xi32>
      %add3A_947 = arith.addi %mul3A_944, %add3A_946 : vector<16xi32>
      tpu.vector_store_idx %arg10[%add3A_947], %gather3A_941 : memref<640xi32, #tpu.memory_space<vmem>>[vector<16xi32>], vector<16xi32>,
      %add3A_948 = arith.constant 1 : i32
      %add3A_949 = vector.broadcast %add3A_948 : i32 to vector<16xi32>
      %add3A_950 = arith.addi %mul3A_937, %add3A_949 : vector<16xi32>
      %gather3A_951 = tpu.vector_load_idx %arg11[%add3A_950] : memref<80000xi32, #tpu.memory_space<vmem>>[vector<16xi32>], vector<16xi32>,
      %mul3A_952 = arith.constant 8 : i32
      %mul3A_953 = vector.broadcast %mul3A_952 : i32 to vector<16xi32>
      %mul3A_954 = arith.muli %iota3A, %mul3A_953 : vector<16xi32>
      %add3A_955 = arith.constant 1 : i32
      %add3A_956 = vector.broadcast %add3A_955 : i32 to vector<16xi32>
      %add3A_957 = arith.addi %mul3A_954, %add3A_956 : vector<16xi32>
      tpu.vector_store_idx %arg10[%add3A_957], %gather3A_951 : memref<640xi32, #tpu.memory_space<vmem>>[vector<16xi32>], vector<16xi32>,
      %add3A_958 = arith.constant 2 : i32
      %add3A_959 = vector.broadcast %add3A_958 : i32 to vector<16xi32>
      %add3A_960 = arith.addi %mul3A_937, %add3A_959 : vector<16xi32>
      %gather3A_961 = tpu.vector_load_idx %arg11[%add3A_960] : memref<80000xi32, #tpu.memory_space<vmem>>[vector<16xi32>], vector<16xi32>,
      %mul3A_962 = arith.constant 8 : i32
      %mul3A_963 = vector.broadcast %mul3A_962 : i32 to vector<16xi32>
      %mul3A_964 = arith.muli %iota3A, %mul3A_963 : vector<16xi32>
      %add3A_965 = arith.constant 2 : i32
      %add3A_966 = vector.broadcast %add3A_965 : i32 to vector<16xi32>
      %add3A_967 = arith.addi %mul3A_964, %add3A_966 : vector<16xi32>
      tpu.vector_store_idx %arg10[%add3A_967], %gather3A_961 : memref<640xi32, #tpu.memory_space<vmem>>[vector<16xi32>], vector<16xi32>,
      %add3A_968 = arith.constant 3 : i32
      %add3A_969 = vector.broadcast %add3A_968 : i32 to vector<16xi32>
      %add3A_970 = arith.addi %mul3A_937, %add3A_969 : vector<16xi32>
      %gather3A_971 = tpu.vector_load_idx %arg11[%add3A_970] : memref<80000xi32, #tpu.memory_space<vmem>>[vector<16xi32>], vector<16xi32>,
      %mul3A_972 = arith.constant 8 : i32
      %mul3A_973 = vector.broadcast %mul3A_972 : i32 to vector<16xi32>
      %mul3A_974 = arith.muli %iota3A, %mul3A_973 : vector<16xi32>
      %add3A_975 = arith.constant 3 : i32
      %add3A_976 = vector.broadcast %add3A_975 : i32 to vector<16xi32>
      %add3A_977 = arith.addi %mul3A_974, %add3A_976 : vector<16xi32>
      tpu.vector_store_idx %arg10[%add3A_977], %gather3A_971 : memref<640xi32, #tpu.memory_space<vmem>>[vector<16xi32>], vector<16xi32>,
      %add3A_978 = arith.constant 4 : i32
      %add3A_979 = vector.broadcast %add3A_978 : i32 to vector<16xi32>
      %add3A_980 = arith.addi %mul3A_937, %add3A_979 : vector<16xi32>
      %gather3A_981 = tpu.vector_load_idx %arg11[%add3A_980] : memref<80000xi32, #tpu.memory_space<vmem>>[vector<16xi32>], vector<16xi32>,
      %mul3A_982 = arith.constant 8 : i32
      %mul3A_983 = vector.broadcast %mul3A_982 : i32 to vector<16xi32>
      %mul3A_984 = arith.muli %iota3A, %mul3A_983 : vector<16xi32>
      %add3A_985 = arith.constant 4 : i32
      %add3A_986 = vector.broadcast %add3A_985 : i32 to vector<16xi32>
      %add3A_987 = arith.addi %mul3A_984, %add3A_986 : vector<16xi32>
      tpu.vector_store_idx %arg10[%add3A_987], %gather3A_981 : memref<640xi32, #tpu.memory_space<vmem>>[vector<16xi32>], vector<16xi32>,
      %add3A_988 = arith.constant 5 : i32
      %add3A_989 = vector.broadcast %add3A_988 : i32 to vector<16xi32>
      %add3A_990 = arith.addi %mul3A_937, %add3A_989 : vector<16xi32>
      %gather3A_991 = tpu.vector_load_idx %arg11[%add3A_990] : memref<80000xi32, #tpu.memory_space<vmem>>[vector<16xi32>], vector<16xi32>,
      %mul3A_992 = arith.constant 8 : i32
      %mul3A_993 = vector.broadcast %mul3A_992 : i32 to vector<16xi32>
      %mul3A_994 = arith.muli %iota3A, %mul3A_993 : vector<16xi32>
      %add3A_995 = arith.constant 5 : i32
      %add3A_996 = vector.broadcast %add3A_995 : i32 to vector<16xi32>
      %add3A_997 = arith.addi %mul3A_994, %add3A_996 : vector<16xi32>
      tpu.vector_store_idx %arg10[%add3A_997], %gather3A_991 : memref<640xi32, #tpu.memory_space<vmem>>[vector<16xi32>], vector<16xi32>,
      %add3A_998 = arith.constant 6 : i32
      %add3A_999 = vector.broadcast %add3A_998 : i32 to vector<16xi32>
      %add3A_1000 = arith.addi %mul3A_937, %add3A_999 : vector<16xi32>
      %gather3A_1001 = tpu.vector_load_idx %arg11[%add3A_1000] : memref<80000xi32, #tpu.memory_space<vmem>>[vector<16xi32>], vector<16xi32>,
      %mul3A_1002 = arith.constant 8 : i32
      %mul3A_1003 = vector.broadcast %mul3A_1002 : i32 to vector<16xi32>
      %mul3A_1004 = arith.muli %iota3A, %mul3A_1003 : vector<16xi32>
      %add3A_1005 = arith.constant 6 : i32
      %add3A_1006 = vector.broadcast %add3A_1005 : i32 to vector<16xi32>
      %add3A_1007 = arith.addi %mul3A_1004, %add3A_1006 : vector<16xi32>
      tpu.vector_store_idx %arg10[%add3A_1007], %gather3A_1001 : memref<640xi32, #tpu.memory_space<vmem>>[vector<16xi32>], vector<16xi32>,
      %add3A_1008 = arith.constant 7 : i32
      %add3A_1009 = vector.broadcast %add3A_1008 : i32 to vector<16xi32>
      %add3A_1010 = arith.addi %mul3A_937, %add3A_1009 : vector<16xi32>
      %gather3A_1011 = tpu.vector_load_idx %arg11[%add3A_1010] : memref<80000xi32, #tpu.memory_space<vmem>>[vector<16xi32>], vector<16xi32>,
      %mul3A_1012 = arith.constant 8 : i32
      %mul3A_1013 = vector.broadcast %mul3A_1012 : i32 to vector<16xi32>
      %mul3A_1014 = arith.muli %iota3A, %mul3A_1013 : vector<16xi32>
      %add3A_1015 = arith.constant 7 : i32
      %add3A_1016 = vector.broadcast %add3A_1015 : i32 to vector<16xi32>
      %add3A_1017 = arith.addi %mul3A_1014, %add3A_1016 : vector<16xi32>
      tpu.vector_store_idx %arg10[%add3A_1017], %gather3A_1011 : memref<640xi32, #tpu.memory_space<vmem>>[vector<16xi32>], vector<16xi32>,
      %add3A_1018 = arith.constant 16 : i32
      %add3A_1019 = arith.addi %multiple_of3A_930, %add3A_1018 : i32
      %get3A_1020 = arith.index_cast %add3A_1019 : i32 to index
      %get3A_1021 = tpu.vector_load %arg7[%get3A_1020] {strides = array<i32>} : memref<10000xi32, #tpu.memory_space<vmem>>, vector<16xi32>,
      %mul3A_1022 = arith.constant 8 : i32
      %mul3A_1023 = vector.broadcast %mul3A_1022 : i32 to vector<16xi32>
      %mul3A_1024 = arith.muli %get3A_1021, %mul3A_1023 : vector<16xi32>
      %add3A_1025 = arith.constant 0 : i32
      %add3A_1026 = vector.broadcast %add3A_1025 : i32 to vector<16xi32>
      %add3A_1027 = arith.addi %mul3A_1024, %add3A_1026 : vector<16xi32>
      %gather3A_1028 = tpu.vector_load_idx %arg11[%add3A_1027] : memref<80000xi32, #tpu.memory_space<vmem>>[vector<16xi32>], vector<16xi32>,
      %mul3A_1029 = arith.constant 8 : i32
      %mul3A_1030 = vector.broadcast %mul3A_1029 : i32 to vector<16xi32>
      %mul3A_1031 = arith.muli %iota3A, %mul3A_1030 : vector<16xi32>
      %add3A_1032 = arith.constant 128 : i32
      %add3A_1033 = vector.broadcast %add3A_1032 : i32 to vector<16xi32>
      %add3A_1034 = arith.addi %mul3A_1031, %add3A_1033 : vector<16xi32>
      tpu.vector_store_idx %arg10[%add3A_1034], %gather3A_1028 : memref<640xi32, #tpu.memory_space<vmem>>[vector<16xi32>], vector<16xi32>,
      %add3A_1035 = arith.constant 1 : i32
      %add3A_1036 = vector.broadcast %add3A_1035 : i32 to vector<16xi32>
      %add3A_1037 = arith.addi %mul3A_1024, %add3A_1036 : vector<16xi32>
      %gather3A_1038 = tpu.vector_load_idx %arg11[%add3A_1037] : memref<80000xi32, #tpu.memory_space<vmem>>[vector<16xi32>], vector<16xi32>,
      %mul3A_1039 = arith.constant 8 : i32
      %mul3A_1040 = vector.broadcast %mul3A_1039 : i32 to vector<16xi32>
      %mul3A_1041 = arith.muli %iota3A, %mul3A_1040 : vector<16xi32>
      %add3A_1042 = arith.constant 129 : i32
      %add3A_1043 = vector.broadcast %add3A_1042 : i32 to vector<16xi32>
      %add3A_1044 = arith.addi %mul3A_1041, %add3A_1043 : vector<16xi32>
      tpu.vector_store_idx %arg10[%add3A_1044], %gather3A_1038 : memref<640xi32, #tpu.memory_space<vmem>>[vector<16xi32>], vector<16xi32>,
      %add3A_1045 = arith.constant 2 : i32
      %add3A_1046 = vector.broadcast %add3A_1045 : i32 to vector<16xi32>
      %add3A_1047 = arith.addi %mul3A_1024, %add3A_1046 : vector<16xi32>
      %gather3A_1048 = tpu.vector_load_idx %arg11[%add3A_1047] : memref<80000xi32, #tpu.memory_space<vmem>>[vector<16xi32>], vector<16xi32>,
      %mul3A_1049 = arith.constant 8 : i32
      %mul3A_1050 = vector.broadcast %mul3A_1049 : i32 to vector<16xi32>
      %mul3A_1051 = arith.muli %iota3A, %mul3A_1050 : vector<16xi32>
      %add3A_1052 = arith.constant 130 : i32
      %add3A_1053 = vector.broadcast %add3A_1052 : i32 to vector<16xi32>
      %add3A_1054 = arith.addi %mul3A_1051, %add3A_1053 : vector<16xi32>
      tpu.vector_store_idx %arg10[%add3A_1054], %gather3A_1048 : memref<640xi32, #tpu.memory_space<vmem>>[vector<16xi32>], vector<16xi32>,
      %add3A_1055 = arith.constant 3 : i32
      %add3A_1056 = vector.broadcast %add3A_1055 : i32 to vector<16xi32>
      %add3A_1057 = arith.addi %mul3A_1024, %add3A_1056 : vector<16xi32>
      %gather3A_1058 = tpu.vector_load_idx %arg11[%add3A_1057] : memref<80000xi32, #tpu.memory_space<vmem>>[vector<16xi32>], vector<16xi32>,
      %mul3A_1059 = arith.constant 8 : i32
      %mul3A_1060 = vector.broadcast %mul3A_1059 : i32 to vector<16xi32>
      %mul3A_1061 = arith.muli %iota3A, %mul3A_1060 : vector<16xi32>
      %add3A_1062 = arith.constant 131 : i32
      %add3A_1063 = vector.broadcast %add3A_1062 : i32 to vector<16xi32>
      %add3A_1064 = arith.addi %mul3A_1061, %add3A_1063 : vector<16xi32>
      tpu.vector_store_idx %arg10[%add3A_1064], %gather3A_1058 : memref<640xi32, #tpu.memory_space<vmem>>[vector<16xi32>], vector<16xi32>,
      %add3A_1065 = arith.constant 4 : i32
      %add3A_1066 = vector.broadcast %add3A_1065 : i32 to vector<16xi32>
      %add3A_1067 = arith.addi %mul3A_1024, %add3A_1066 : vector<16xi32>
      %gather3A_1068 = tpu.vector_load_idx %arg11[%add3A_1067] : memref<80000xi32, #tpu.memory_space<vmem>>[vector<16xi32>], vector<16xi32>,
      %mul3A_1069 = arith.constant 8 : i32
      %mul3A_1070 = vector.broadcast %mul3A_1069 : i32 to vector<16xi32>
      %mul3A_1071 = arith.muli %iota3A, %mul3A_1070 : vector<16xi32>
      %add3A_1072 = arith.constant 132 : i32
      %add3A_1073 = vector.broadcast %add3A_1072 : i32 to vector<16xi32>
      %add3A_1074 = arith.addi %mul3A_1071, %add3A_1073 : vector<16xi32>
      tpu.vector_store_idx %arg10[%add3A_1074], %gather3A_1068 : memref<640xi32, #tpu.memory_space<vmem>>[vector<16xi32>], vector<16xi32>,
      %add3A_1075 = arith.constant 5 : i32
      %add3A_1076 = vector.broadcast %add3A_1075 : i32 to vector<16xi32>
      %add3A_1077 = arith.addi %mul3A_1024, %add3A_1076 : vector<16xi32>
      %gather3A_1078 = tpu.vector_load_idx %arg11[%add3A_1077] : memref<80000xi32, #tpu.memory_space<vmem>>[vector<16xi32>], vector<16xi32>,
      %mul3A_1079 = arith.constant 8 : i32
      %mul3A_1080 = vector.broadcast %mul3A_1079 : i32 to vector<16xi32>
      %mul3A_1081 = arith.muli %iota3A, %mul3A_1080 : vector<16xi32>
      %add3A_1082 = arith.constant 133 : i32
      %add3A_1083 = vector.broadcast %add3A_1082 : i32 to vector<16xi32>
      %add3A_1084 = arith.addi %mul3A_1081, %add3A_1083 : vector<16xi32>
      tpu.vector_store_idx %arg10[%add3A_1084], %gather3A_1078 : memref<640xi32, #tpu.memory_space<vmem>>[vector<16xi32>], vector<16xi32>,
      %add3A_1085 = arith.constant 6 : i32
      %add3A_1086 = vector.broadcast %add3A_1085 : i32 to vector<16xi32>
      %add3A_1087 = arith.addi %mul3A_1024, %add3A_1086 : vector<16xi32>
      %gather3A_1088 = tpu.vector_load_idx %arg11[%add3A_1087] : memref<80000xi32, #tpu.memory_space<vmem>>[vector<16xi32>], vector<16xi32>,
      %mul3A_1089 = arith.constant 8 : i32
      %mul3A_1090 = vector.broadcast %mul3A_1089 : i32 to vector<16xi32>
      %mul3A_1091 = arith.muli %iota3A, %mul3A_1090 : vector<16xi32>
      %add3A_1092 = arith.constant 134 : i32
      %add3A_1093 = vector.broadcast %add3A_1092 : i32 to vector<16xi32>
      %add3A_1094 = arith.addi %mul3A_1091, %add3A_1093 : vector<16xi32>
      tpu.vector_store_idx %arg10[%add3A_1094], %gather3A_1088 : memref<640xi32, #tpu.memory_space<vmem>>[vector<16xi32>], vector<16xi32>,
      %add3A_1095 = arith.constant 7 : i32
      %add3A_1096 = vector.broadcast %add3A_1095 : i32 to vector<16xi32>
      %add3A_1097 = arith.addi %mul3A_1024, %add3A_1096 : vector<16xi32>
      %gather3A_1098 = tpu.vector_load_idx %arg11[%add3A_1097] : memref<80000xi32, #tpu.memory_space<vmem>>[vector<16xi32>], vector<16xi32>,
      %mul3A_1099 = arith.constant 8 : i32
      %mul3A_1100 = vector.broadcast %mul3A_1099 : i32 to vector<16xi32>
      %mul3A_1101 = arith.muli %iota3A, %mul3A_1100 : vector<16xi32>
      %add3A_1102 = arith.constant 135 : i32
      %add3A_1103 = vector.broadcast %add3A_1102 : i32 to vector<16xi32>
      %add3A_1104 = arith.addi %mul3A_1101, %add3A_1103 : vector<16xi32>
      tpu.vector_store_idx %arg10[%add3A_1104], %gather3A_1098 : memref<640xi32, #tpu.memory_space<vmem>>[vector<16xi32>], vector<16xi32>,
      %add3A_1105 = arith.constant 32 : i32
      %add3A_1106 = arith.addi %multiple_of3A_930, %add3A_1105 : i32
      %get3A_1107 = arith.index_cast %add3A_1106 : i32 to index
      %get3A_1108 = tpu.vector_load %arg7[%get3A_1107] {strides = array<i32>} : memref<10000xi32, #tpu.memory_space<vmem>>, vector<16xi32>,
      %mul3A_1109 = arith.constant 8 : i32
      %mul3A_1110 = vector.broadcast %mul3A_1109 : i32 to vector<16xi32>
      %mul3A_1111 = arith.muli %get3A_1108, %mul3A_1110 : vector<16xi32>
      %add3A_1112 = arith.constant 0 : i32
      %add3A_1113 = vector.broadcast %add3A_1112 : i32 to vector<16xi32>
      %add3A_1114 = arith.addi %mul3A_1111, %add3A_1113 : vector<16xi32>
      %gather3A_1115 = tpu.vector_load_idx %arg11[%add3A_1114] : memref<80000xi32, #tpu.memory_space<vmem>>[vector<16xi32>], vector<16xi32>,
      %mul3A_1116 = arith.constant 8 : i32
      %mul3A_1117 = vector.broadcast %mul3A_1116 : i32 to vector<16xi32>
      %mul3A_1118 = arith.muli %iota3A, %mul3A_1117 : vector<16xi32>
      %add3A_1119 = arith.constant 256 : i32
      %add3A_1120 = vector.broadcast %add3A_1119 : i32 to vector<16xi32>
      %add3A_1121 = arith.addi %mul3A_1118, %add3A_1120 : vector<16xi32>
      tpu.vector_store_idx %arg10[%add3A_1121], %gather3A_1115 : memref<640xi32, #tpu.memory_space<vmem>>[vector<16xi32>], vector<16xi32>,
      %add3A_1122 = arith.constant 1 : i32
      %add3A_1123 = vector.broadcast %add3A_1122 : i32 to vector<16xi32>
      %add3A_1124 = arith.addi %mul3A_1111, %add3A_1123 : vector<16xi32>
      %gather3A_1125 = tpu.vector_load_idx %arg11[%add3A_1124] : memref<80000xi32, #tpu.memory_space<vmem>>[vector<16xi32>], vector<16xi32>,
      %mul3A_1126 = arith.constant 8 : i32
      %mul3A_1127 = vector.broadcast %mul3A_1126 : i32 to vector<16xi32>
      %mul3A_1128 = arith.muli %iota3A, %mul3A_1127 : vector<16xi32>
      %add3A_1129 = arith.constant 257 : i32
      %add3A_1130 = vector.broadcast %add3A_1129 : i32 to vector<16xi32>
      %add3A_1131 = arith.addi %mul3A_1128, %add3A_1130 : vector<16xi32>
      tpu.vector_store_idx %arg10[%add3A_1131], %gather3A_1125 : memref<640xi32, #tpu.memory_space<vmem>>[vector<16xi32>], vector<16xi32>,
      %add3A_1132 = arith.constant 2 : i32
      %add3A_1133 = vector.broadcast %add3A_1132 : i32 to vector<16xi32>
      %add3A_1134 = arith.addi %mul3A_1111, %add3A_1133 : vector<16xi32>
      %gather3A_1135 = tpu.vector_load_idx %arg11[%add3A_1134] : memref<80000xi32, #tpu.memory_space<vmem>>[vector<16xi32>], vector<16xi32>,
      %mul3A_1136 = arith.constant 8 : i32
      %mul3A_1137 = vector.broadcast %mul3A_1136 : i32 to vector<16xi32>
      %mul3A_1138 = arith.muli %iota3A, %mul3A_1137 : vector<16xi32>
      %add3A_1139 = arith.constant 258 : i32
      %add3A_1140 = vector.broadcast %add3A_1139 : i32 to vector<16xi32>
      %add3A_1141 = arith.addi %mul3A_1138, %add3A_1140 : vector<16xi32>
      tpu.vector_store_idx %arg10[%add3A_1141], %gather3A_1135 : memref<640xi32, #tpu.memory_space<vmem>>[vector<16xi32>], vector<16xi32>,
      %add3A_1142 = arith.constant 3 : i32
      %add3A_1143 = vector.broadcast %add3A_1142 : i32 to vector<16xi32>
      %add3A_1144 = arith.addi %mul3A_1111, %add3A_1143 : vector<16xi32>
      %gather3A_1145 = tpu.vector_load_idx %arg11[%add3A_1144] : memref<80000xi32, #tpu.memory_space<vmem>>[vector<16xi32>], vector<16xi32>,
      %mul3A_1146 = arith.constant 8 : i32
      %mul3A_1147 = vector.broadcast %mul3A_1146 : i32 to vector<16xi32>
      %mul3A_1148 = arith.muli %iota3A, %mul3A_1147 : vector<16xi32>
      %add3A_1149 = arith.constant 259 : i32
      %add3A_1150 = vector.broadcast %add3A_1149 : i32 to vector<16xi32>
      %add3A_1151 = arith.addi %mul3A_1148, %add3A_1150 : vector<16xi32>
      tpu.vector_store_idx %arg10[%add3A_1151], %gather3A_1145 : memref<640xi32, #tpu.memory_space<vmem>>[vector<16xi32>], vector<16xi32>,
      %add3A_1152 = arith.constant 4 : i32
      %add3A_1153 = vector.broadcast %add3A_1152 : i32 to vector<16xi32>
      %add3A_1154 = arith.addi %mul3A_1111, %add3A_1153 : vector<16xi32>
      %gather3A_1155 = tpu.vector_load_idx %arg11[%add3A_1154] : memref<80000xi32, #tpu.memory_space<vmem>>[vector<16xi32>], vector<16xi32>,
      %mul3A_1156 = arith.constant 8 : i32
      %mul3A_1157 = vector.broadcast %mul3A_1156 : i32 to vector<16xi32>
      %mul3A_1158 = arith.muli %iota3A, %mul3A_1157 : vector<16xi32>
      %add3A_1159 = arith.constant 260 : i32
      %add3A_1160 = vector.broadcast %add3A_1159 : i32 to vector<16xi32>
      %add3A_1161 = arith.addi %mul3A_1158, %add3A_1160 : vector<16xi32>
      tpu.vector_store_idx %arg10[%add3A_1161], %gather3A_1155 : memref<640xi32, #tpu.memory_space<vmem>>[vector<16xi32>], vector<16xi32>,
      %add3A_1162 = arith.constant 5 : i32
      %add3A_1163 = vector.broadcast %add3A_1162 : i32 to vector<16xi32>
      %add3A_1164 = arith.addi %mul3A_1111, %add3A_1163 : vector<16xi32>
      %gather3A_1165 = tpu.vector_load_idx %arg11[%add3A_1164] : memref<80000xi32, #tpu.memory_space<vmem>>[vector<16xi32>], vector<16xi32>,
      %mul3A_1166 = arith.constant 8 : i32
      %mul3A_1167 = vector.broadcast %mul3A_1166 : i32 to vector<16xi32>
      %mul3A_1168 = arith.muli %iota3A, %mul3A_1167 : vector<16xi32>
      %add3A_1169 = arith.constant 261 : i32
      %add3A_1170 = vector.broadcast %add3A_1169 : i32 to vector<16xi32>
      %add3A_1171 = arith.addi %mul3A_1168, %add3A_1170 : vector<16xi32>
      tpu.vector_store_idx %arg10[%add3A_1171], %gather3A_1165 : memref<640xi32, #tpu.memory_space<vmem>>[vector<16xi32>], vector<16xi32>,
      %add3A_1172 = arith.constant 6 : i32
      %add3A_1173 = vector.broadcast %add3A_1172 : i32 to vector<16xi32>
      %add3A_1174 = arith.addi %mul3A_1111, %add3A_1173 : vector<16xi32>
      %gather3A_1175 = tpu.vector_load_idx %arg11[%add3A_1174] : memref<80000xi32, #tpu.memory_space<vmem>>[vector<16xi32>], vector<16xi32>,
      %mul3A_1176 = arith.constant 8 : i32
      %mul3A_1177 = vector.broadcast %mul3A_1176 : i32 to vector<16xi32>
      %mul3A_1178 = arith.muli %iota3A, %mul3A_1177 : vector<16xi32>
      %add3A_1179 = arith.constant 262 : i32
      %add3A_1180 = vector.broadcast %add3A_1179 : i32 to vector<16xi32>
      %add3A_1181 = arith.addi %mul3A_1178, %add3A_1180 : vector<16xi32>
      tpu.vector_store_idx %arg10[%add3A_1181], %gather3A_1175 : memref<640xi32, #tpu.memory_space<vmem>>[vector<16xi32>], vector<16xi32>,
      %add3A_1182 = arith.constant 7 : i32
      %add3A_1183 = vector.broadcast %add3A_1182 : i32 to vector<16xi32>
      %add3A_1184 = arith.addi %mul3A_1111, %add3A_1183 : vector<16xi32>
      %gather3A_1185 = tpu.vector_load_idx %arg11[%add3A_1184] : memref<80000xi32, #tpu.memory_space<vmem>>[vector<16xi32>], vector<16xi32>,
      %mul3A_1186 = arith.constant 8 : i32
      %mul3A_1187 = vector.broadcast %mul3A_1186 : i32 to vector<16xi32>
      %mul3A_1188 = arith.muli %iota3A, %mul3A_1187 : vector<16xi32>
      %add3A_1189 = arith.constant 263 : i32
      %add3A_1190 = vector.broadcast %add3A_1189 : i32 to vector<16xi32>
      %add3A_1191 = arith.addi %mul3A_1188, %add3A_1190 : vector<16xi32>
      tpu.vector_store_idx %arg10[%add3A_1191], %gather3A_1185 : memref<640xi32, #tpu.memory_space<vmem>>[vector<16xi32>], vector<16xi32>,
      %add3A_1192 = arith.constant 48 : i32
      %add3A_1193 = arith.addi %multiple_of3A_930, %add3A_1192 : i32
      %get3A_1194 = arith.index_cast %add3A_1193 : i32 to index
      %get3A_1195 = tpu.vector_load %arg7[%get3A_1194] {strides = array<i32>} : memref<10000xi32, #tpu.memory_space<vmem>>, vector<16xi32>,
      %mul3A_1196 = arith.constant 8 : i32
      %mul3A_1197 = vector.broadcast %mul3A_1196 : i32 to vector<16xi32>
      %mul3A_1198 = arith.muli %get3A_1195, %mul3A_1197 : vector<16xi32>
      %add3A_1199 = arith.constant 0 : i32
      %add3A_1200 = vector.broadcast %add3A_1199 : i32 to vector<16xi32>
      %add3A_1201 = arith.addi %mul3A_1198, %add3A_1200 : vector<16xi32>
      %gather3A_1202 = tpu.vector_load_idx %arg11[%add3A_1201] : memref<80000xi32, #tpu.memory_space<vmem>>[vector<16xi32>], vector<16xi32>,
      %mul3A_1203 = arith.constant 8 : i32
      %mul3A_1204 = vector.broadcast %mul3A_1203 : i32 to vector<16xi32>
      %mul3A_1205 = arith.muli %iota3A, %mul3A_1204 : vector<16xi32>
      %add3A_1206 = arith.constant 384 : i32
      %add3A_1207 = vector.broadcast %add3A_1206 : i32 to vector<16xi32>
      %add3A_1208 = arith.addi %mul3A_1205, %add3A_1207 : vector<16xi32>
      tpu.vector_store_idx %arg10[%add3A_1208], %gather3A_1202 : memref<640xi32, #tpu.memory_space<vmem>>[vector<16xi32>], vector<16xi32>,
      %add3A_1209 = arith.constant 1 : i32
      %add3A_1210 = vector.broadcast %add3A_1209 : i32 to vector<16xi32>
      %add3A_1211 = arith.addi %mul3A_1198, %add3A_1210 : vector<16xi32>
      %gather3A_1212 = tpu.vector_load_idx %arg11[%add3A_1211] : memref<80000xi32, #tpu.memory_space<vmem>>[vector<16xi32>], vector<16xi32>,
      %mul3A_1213 = arith.constant 8 : i32
      %mul3A_1214 = vector.broadcast %mul3A_1213 : i32 to vector<16xi32>
      %mul3A_1215 = arith.muli %iota3A, %mul3A_1214 : vector<16xi32>
      %add3A_1216 = arith.constant 385 : i32
      %add3A_1217 = vector.broadcast %add3A_1216 : i32 to vector<16xi32>
      %add3A_1218 = arith.addi %mul3A_1215, %add3A_1217 : vector<16xi32>
      tpu.vector_store_idx %arg10[%add3A_1218], %gather3A_1212 : memref<640xi32, #tpu.memory_space<vmem>>[vector<16xi32>], vector<16xi32>,
      %add3A_1219 = arith.constant 2 : i32
      %add3A_1220 = vector.broadcast %add3A_1219 : i32 to vector<16xi32>
      %add3A_1221 = arith.addi %mul3A_1198, %add3A_1220 : vector<16xi32>
      %gather3A_1222 = tpu.vector_load_idx %arg11[%add3A_1221] : memref<80000xi32, #tpu.memory_space<vmem>>[vector<16xi32>], vector<16xi32>,
      %mul3A_1223 = arith.constant 8 : i32
      %mul3A_1224 = vector.broadcast %mul3A_1223 : i32 to vector<16xi32>
      %mul3A_1225 = arith.muli %iota3A, %mul3A_1224 : vector<16xi32>
      %add3A_1226 = arith.constant 386 : i32
      %add3A_1227 = vector.broadcast %add3A_1226 : i32 to vector<16xi32>
      %add3A_1228 = arith.addi %mul3A_1225, %add3A_1227 : vector<16xi32>
      tpu.vector_store_idx %arg10[%add3A_1228], %gather3A_1222 : memref<640xi32, #tpu.memory_space<vmem>>[vector<16xi32>], vector<16xi32>,
      %add3A_1229 = arith.constant 3 : i32
      %add3A_1230 = vector.broadcast %add3A_1229 : i32 to vector<16xi32>
      %add3A_1231 = arith.addi %mul3A_1198, %add3A_1230 : vector<16xi32>
      %gather3A_1232 = tpu.vector_load_idx %arg11[%add3A_1231] : memref<80000xi32, #tpu.memory_space<vmem>>[vector<16xi32>], vector<16xi32>,
      %mul3A_1233 = arith.constant 8 : i32
      %mul3A_1234 = vector.broadcast %mul3A_1233 : i32 to vector<16xi32>
      %mul3A_1235 = arith.muli %iota3A, %mul3A_1234 : vector<16xi32>
      %add3A_1236 = arith.constant 387 : i32
      %add3A_1237 = vector.broadcast %add3A_1236 : i32 to vector<16xi32>
      %add3A_1238 = arith.addi %mul3A_1235, %add3A_1237 : vector<16xi32>
      tpu.vector_store_idx %arg10[%add3A_1238], %gather3A_1232 : memref<640xi32, #tpu.memory_space<vmem>>[vector<16xi32>], vector<16xi32>,
      %add3A_1239 = arith.constant 4 : i32
      %add3A_1240 = vector.broadcast %add3A_1239 : i32 to vector<16xi32>
      %add3A_1241 = arith.addi %mul3A_1198, %add3A_1240 : vector<16xi32>
      %gather3A_1242 = tpu.vector_load_idx %arg11[%add3A_1241] : memref<80000xi32, #tpu.memory_space<vmem>>[vector<16xi32>], vector<16xi32>,
      %mul3A_1243 = arith.constant 8 : i32
      %mul3A_1244 = vector.broadcast %mul3A_1243 : i32 to vector<16xi32>
      %mul3A_1245 = arith.muli %iota3A, %mul3A_1244 : vector<16xi32>
      %add3A_1246 = arith.constant 388 : i32
      %add3A_1247 = vector.broadcast %add3A_1246 : i32 to vector<16xi32>
      %add3A_1248 = arith.addi %mul3A_1245, %add3A_1247 : vector<16xi32>
      tpu.vector_store_idx %arg10[%add3A_1248], %gather3A_1242 : memref<640xi32, #tpu.memory_space<vmem>>[vector<16xi32>], vector<16xi32>,
      %add3A_1249 = arith.constant 5 : i32
      %add3A_1250 = vector.broadcast %add3A_1249 : i32 to vector<16xi32>
      %add3A_1251 = arith.addi %mul3A_1198, %add3A_1250 : vector<16xi32>
      %gather3A_1252 = tpu.vector_load_idx %arg11[%add3A_1251] : memref<80000xi32, #tpu.memory_space<vmem>>[vector<16xi32>], vector<16xi32>,
      %mul3A_1253 = arith.constant 8 : i32
      %mul3A_1254 = vector.broadcast %mul3A_1253 : i32 to vector<16xi32>
      %mul3A_1255 = arith.muli %iota3A, %mul3A_1254 : vector<16xi32>
      %add3A_1256 = arith.constant 389 : i32
      %add3A_1257 = vector.broadcast %add3A_1256 : i32 to vector<16xi32>
      %add3A_1258 = arith.addi %mul3A_1255, %add3A_1257 : vector<16xi32>
      tpu.vector_store_idx %arg10[%add3A_1258], %gather3A_1252 : memref<640xi32, #tpu.memory_space<vmem>>[vector<16xi32>], vector<16xi32>,
      %add3A_1259 = arith.constant 6 : i32
      %add3A_1260 = vector.broadcast %add3A_1259 : i32 to vector<16xi32>
      %add3A_1261 = arith.addi %mul3A_1198, %add3A_1260 : vector<16xi32>
      %gather3A_1262 = tpu.vector_load_idx %arg11[%add3A_1261] : memref<80000xi32, #tpu.memory_space<vmem>>[vector<16xi32>], vector<16xi32>,
      %mul3A_1263 = arith.constant 8 : i32
      %mul3A_1264 = vector.broadcast %mul3A_1263 : i32 to vector<16xi32>
      %mul3A_1265 = arith.muli %iota3A, %mul3A_1264 : vector<16xi32>
      %add3A_1266 = arith.constant 390 : i32
      %add3A_1267 = vector.broadcast %add3A_1266 : i32 to vector<16xi32>
      %add3A_1268 = arith.addi %mul3A_1265, %add3A_1267 : vector<16xi32>
      tpu.vector_store_idx %arg10[%add3A_1268], %gather3A_1262 : memref<640xi32, #tpu.memory_space<vmem>>[vector<16xi32>], vector<16xi32>,
      %add3A_1269 = arith.constant 7 : i32
      %add3A_1270 = vector.broadcast %add3A_1269 : i32 to vector<16xi32>
      %add3A_1271 = arith.addi %mul3A_1198, %add3A_1270 : vector<16xi32>
      %gather3A_1272 = tpu.vector_load_idx %arg11[%add3A_1271] : memref<80000xi32, #tpu.memory_space<vmem>>[vector<16xi32>], vector<16xi32>,
      %mul3A_1273 = arith.constant 8 : i32
      %mul3A_1274 = vector.broadcast %mul3A_1273 : i32 to vector<16xi32>
      %mul3A_1275 = arith.muli %iota3A, %mul3A_1274 : vector<16xi32>
      %add3A_1276 = arith.constant 391 : i32
      %add3A_1277 = vector.broadcast %add3A_1276 : i32 to vector<16xi32>
      %add3A_1278 = arith.addi %mul3A_1275, %add3A_1277 : vector<16xi32>
      tpu.vector_store_idx %arg10[%add3A_1278], %gather3A_1272 : memref<640xi32, #tpu.memory_space<vmem>>[vector<16xi32>], vector<16xi32>,
      %add3A_1279 = arith.constant 64 : i32
      %add3A_1280 = arith.addi %multiple_of3A_930, %add3A_1279 : i32
      %get3A_1281 = arith.index_cast %add3A_1280 : i32 to index
      %get3A_1282 = tpu.vector_load %arg7[%get3A_1281] {strides = array<i32>} : memref<10000xi32, #tpu.memory_space<vmem>>, vector<16xi32>,
      %mul3A_1283 = arith.constant 8 : i32
      %mul3A_1284 = vector.broadcast %mul3A_1283 : i32 to vector<16xi32>
      %mul3A_1285 = arith.muli %get3A_1282, %mul3A_1284 : vector<16xi32>
      %add3A_1286 = arith.constant 0 : i32
      %add3A_1287 = vector.broadcast %add3A_1286 : i32 to vector<16xi32>
      %add3A_1288 = arith.addi %mul3A_1285, %add3A_1287 : vector<16xi32>
      %gather3A_1289 = tpu.vector_load_idx %arg11[%add3A_1288] : memref<80000xi32, #tpu.memory_space<vmem>>[vector<16xi32>], vector<16xi32>,
      %mul3A_1290 = arith.constant 8 : i32
      %mul3A_1291 = vector.broadcast %mul3A_1290 : i32 to vector<16xi32>
      %mul3A_1292 = arith.muli %iota3A, %mul3A_1291 : vector<16xi32>
      %add3A_1293 = arith.constant 512 : i32
      %add3A_1294 = vector.broadcast %add3A_1293 : i32 to vector<16xi32>
      %add3A_1295 = arith.addi %mul3A_1292, %add3A_1294 : vector<16xi32>
      tpu.vector_store_idx %arg10[%add3A_1295], %gather3A_1289 : memref<640xi32, #tpu.memory_space<vmem>>[vector<16xi32>], vector<16xi32>,
      %add3A_1296 = arith.constant 1 : i32
      %add3A_1297 = vector.broadcast %add3A_1296 : i32 to vector<16xi32>
      %add3A_1298 = arith.addi %mul3A_1285, %add3A_1297 : vector<16xi32>
      %gather3A_1299 = tpu.vector_load_idx %arg11[%add3A_1298] : memref<80000xi32, #tpu.memory_space<vmem>>[vector<16xi32>], vector<16xi32>,
      %mul3A_1300 = arith.constant 8 : i32
      %mul3A_1301 = vector.broadcast %mul3A_1300 : i32 to vector<16xi32>
      %mul3A_1302 = arith.muli %iota3A, %mul3A_1301 : vector<16xi32>
      %add3A_1303 = arith.constant 513 : i32
      %add3A_1304 = vector.broadcast %add3A_1303 : i32 to vector<16xi32>
      %add3A_1305 = arith.addi %mul3A_1302, %add3A_1304 : vector<16xi32>
      tpu.vector_store_idx %arg10[%add3A_1305], %gather3A_1299 : memref<640xi32, #tpu.memory_space<vmem>>[vector<16xi32>], vector<16xi32>,
      %add3A_1306 = arith.constant 2 : i32
      %add3A_1307 = vector.broadcast %add3A_1306 : i32 to vector<16xi32>
      %add3A_1308 = arith.addi %mul3A_1285, %add3A_1307 : vector<16xi32>
      %gather3A_1309 = tpu.vector_load_idx %arg11[%add3A_1308] : memref<80000xi32, #tpu.memory_space<vmem>>[vector<16xi32>], vector<16xi32>,
      %mul3A_1310 = arith.constant 8 : i32
      %mul3A_1311 = vector.broadcast %mul3A_1310 : i32 to vector<16xi32>
      %mul3A_1312 = arith.muli %iota3A, %mul3A_1311 : vector<16xi32>
      %add3A_1313 = arith.constant 514 : i32
      %add3A_1314 = vector.broadcast %add3A_1313 : i32 to vector<16xi32>
      %add3A_1315 = arith.addi %mul3A_1312, %add3A_1314 : vector<16xi32>
      tpu.vector_store_idx %arg10[%add3A_1315], %gather3A_1309 : memref<640xi32, #tpu.memory_space<vmem>>[vector<16xi32>], vector<16xi32>,
      %add3A_1316 = arith.constant 3 : i32
      %add3A_1317 = vector.broadcast %add3A_1316 : i32 to vector<16xi32>
      %add3A_1318 = arith.addi %mul3A_1285, %add3A_1317 : vector<16xi32>
      %gather3A_1319 = tpu.vector_load_idx %arg11[%add3A_1318] : memref<80000xi32, #tpu.memory_space<vmem>>[vector<16xi32>], vector<16xi32>,
      %mul3A_1320 = arith.constant 8 : i32
      %mul3A_1321 = vector.broadcast %mul3A_1320 : i32 to vector<16xi32>
      %mul3A_1322 = arith.muli %iota3A, %mul3A_1321 : vector<16xi32>
      %add3A_1323 = arith.constant 515 : i32
      %add3A_1324 = vector.broadcast %add3A_1323 : i32 to vector<16xi32>
      %add3A_1325 = arith.addi %mul3A_1322, %add3A_1324 : vector<16xi32>
      tpu.vector_store_idx %arg10[%add3A_1325], %gather3A_1319 : memref<640xi32, #tpu.memory_space<vmem>>[vector<16xi32>], vector<16xi32>,
      %add3A_1326 = arith.constant 4 : i32
      %add3A_1327 = vector.broadcast %add3A_1326 : i32 to vector<16xi32>
      %add3A_1328 = arith.addi %mul3A_1285, %add3A_1327 : vector<16xi32>
      %gather3A_1329 = tpu.vector_load_idx %arg11[%add3A_1328] : memref<80000xi32, #tpu.memory_space<vmem>>[vector<16xi32>], vector<16xi32>,
      %mul3A_1330 = arith.constant 8 : i32
      %mul3A_1331 = vector.broadcast %mul3A_1330 : i32 to vector<16xi32>
      %mul3A_1332 = arith.muli %iota3A, %mul3A_1331 : vector<16xi32>
      %add3A_1333 = arith.constant 516 : i32
      %add3A_1334 = vector.broadcast %add3A_1333 : i32 to vector<16xi32>
      %add3A_1335 = arith.addi %mul3A_1332, %add3A_1334 : vector<16xi32>
      tpu.vector_store_idx %arg10[%add3A_1335], %gather3A_1329 : memref<640xi32, #tpu.memory_space<vmem>>[vector<16xi32>], vector<16xi32>,
      %add3A_1336 = arith.constant 5 : i32
      %add3A_1337 = vector.broadcast %add3A_1336 : i32 to vector<16xi32>
      %add3A_1338 = arith.addi %mul3A_1285, %add3A_1337 : vector<16xi32>
      %gather3A_1339 = tpu.vector_load_idx %arg11[%add3A_1338] : memref<80000xi32, #tpu.memory_space<vmem>>[vector<16xi32>], vector<16xi32>,
      %mul3A_1340 = arith.constant 8 : i32
      %mul3A_1341 = vector.broadcast %mul3A_1340 : i32 to vector<16xi32>
      %mul3A_1342 = arith.muli %iota3A, %mul3A_1341 : vector<16xi32>
      %add3A_1343 = arith.constant 517 : i32
      %add3A_1344 = vector.broadcast %add3A_1343 : i32 to vector<16xi32>
      %add3A_1345 = arith.addi %mul3A_1342, %add3A_1344 : vector<16xi32>
      tpu.vector_store_idx %arg10[%add3A_1345], %gather3A_1339 : memref<640xi32, #tpu.memory_space<vmem>>[vector<16xi32>], vector<16xi32>,
      %add3A_1346 = arith.constant 6 : i32
      %add3A_1347 = vector.broadcast %add3A_1346 : i32 to vector<16xi32>
      %add3A_1348 = arith.addi %mul3A_1285, %add3A_1347 : vector<16xi32>
      %gather3A_1349 = tpu.vector_load_idx %arg11[%add3A_1348] : memref<80000xi32, #tpu.memory_space<vmem>>[vector<16xi32>], vector<16xi32>,
      %mul3A_1350 = arith.constant 8 : i32
      %mul3A_1351 = vector.broadcast %mul3A_1350 : i32 to vector<16xi32>
      %mul3A_1352 = arith.muli %iota3A, %mul3A_1351 : vector<16xi32>
      %add3A_1353 = arith.constant 518 : i32
      %add3A_1354 = vector.broadcast %add3A_1353 : i32 to vector<16xi32>
      %add3A_1355 = arith.addi %mul3A_1352, %add3A_1354 : vector<16xi32>
      tpu.vector_store_idx %arg10[%add3A_1355], %gather3A_1349 : memref<640xi32, #tpu.memory_space<vmem>>[vector<16xi32>], vector<16xi32>,
      %add3A_1356 = arith.constant 7 : i32
      %add3A_1357 = vector.broadcast %add3A_1356 : i32 to vector<16xi32>
      %add3A_1358 = arith.addi %mul3A_1285, %add3A_1357 : vector<16xi32>
      %gather3A_1359 = tpu.vector_load_idx %arg11[%add3A_1358] : memref<80000xi32, #tpu.memory_space<vmem>>[vector<16xi32>], vector<16xi32>,
      %mul3A_1360 = arith.constant 8 : i32
      %mul3A_1361 = vector.broadcast %mul3A_1360 : i32 to vector<16xi32>
      %mul3A_1362 = arith.muli %iota3A, %mul3A_1361 : vector<16xi32>
      %add3A_1363 = arith.constant 519 : i32
      %add3A_1364 = vector.broadcast %add3A_1363 : i32 to vector<16xi32>
      %add3A_1365 = arith.addi %mul3A_1362, %add3A_1364 : vector<16xi32>
      tpu.vector_store_idx %arg10[%add3A_1365], %gather3A_1359 : memref<640xi32, #tpu.memory_space<vmem>>[vector<16xi32>], vector<16xi32>,
      %dma_wait3A_1366 = tpu.memref_slice %arg7[%multiple_of3A_930] : memref<10000xi32, #tpu.memory_space<vmem>> -> memref<80xi32, #tpu.memory_space<vmem>>
      %dma_wait3A_1367 = arith.constant 0 : i32
      %dma_wait3A_1368 = arith.constant 0 : i32
      %dma_wait3A_1369 = tpu.memref_slice %arg2[%dma_wait3A_1367, %dma_wait3A_1368] : memref<10000x128xi32, #tpu.memory_space<hbm>> -> memref<10000x128xi32, #tpu.memory_space<hbm>>
      tpu.wait_indirect_dma semaphore(%arg13 : memref<!tpu.dma_semaphore, #tpu.memory_space<semaphore_mem>>) src(%dma_wait3A_1369 : memref<10000x128xi32, #tpu.memory_space<hbm>>) dst(%arg9 : memref<80x128xi32, #tpu.memory_space<vmem>>)
      %add3A_1370 = arith.addi %multiple_of3A, %multiple_of3A_930 : i32
      "tpu.region"() ({
        %run_scoped3A = tpu.sem_alloc : memref<!tpu.dma_semaphore, #tpu.memory_space<semaphore_mem>>
        %dma_start3A_1374 = arith.constant 0 : i32
        %dma_start3A_1375 = tpu.memref_slice %arg5[%add3A_1370, %dma_start3A_1374] : memref<320000x128xi32, #tpu.memory_space<hbm>> -> memref<80x128xi32, #tpu.memory_space<hbm>>
        %dma_start3A_1376 = arith.constant 0 : i32
        %dma_start3A_1377 = tpu.memref_slice %arg5[%add3A_1370, %dma_start3A_1376] : memref<320000x128xi32, #tpu.memory_space<hbm>> -> memref<80x128xi32, #tpu.memory_space<hbm>>
        tpu.enqueue_dma source(%arg9 : memref<80x128xi32, #tpu.memory_space<vmem>>) target(%dma_start3A_1377 : memref<80x128xi32, #tpu.memory_space<hbm>>) target_semaphore(%run_scoped3A : memref<!tpu.dma_semaphore, #tpu.memory_space<semaphore_mem>>)
        %dma_wait3A_1378 = arith.constant 0 : i32
        %dma_wait3A_1379 = tpu.memref_slice %arg5[%add3A_1370, %dma_wait3A_1378] : memref<320000x128xi32, #tpu.memory_space<hbm>> -> memref<80x128xi32, #tpu.memory_space<hbm>>
        %dma_wait3A_1380 = arith.constant 0 : i32
        %dma_wait3A_1381 = tpu.memref_slice %arg5[%add3A_1370, %dma_wait3A_1380] : memref<320000x128xi32, #tpu.memory_space<hbm>> -> memref<80x128xi32, #tpu.memory_space<hbm>>
        tpu.wait_dma2 semaphore(%run_scoped3A : memref<!tpu.dma_semaphore, #tpu.memory_space<semaphore_mem>>) src(%arg9 : memref<80x128xi32, #tpu.memory_space<vmem>>) dst(%dma_wait3A_1381 : memref<80x128xi32, #tpu.memory_space<hbm>>)
        tpu.yield
      }) : () -> ()
      %add3A_1371 = arith.addi %multiple_of3A, %multiple_of3A_930 : i32
      %mul3A_1372 = arith.constant 8 : i32
      %mul3A_1373 = arith.muli %add3A_1371, %mul3A_1372 : i32
      "tpu.region"() ({
        %run_scoped3A = tpu.sem_alloc : memref<!tpu.dma_semaphore, #tpu.memory_space<semaphore_mem>>
        %dma_start3A_1374 = tpu.memref_slice %arg6[%mul3A_1373] : memref<2560000xi32, #tpu.memory_space<hbm>> -> memref<640xi32, #tpu.memory_space<hbm>>
        %dma_start3A_1375 = tpu.memref_slice %arg6[%mul3A_1373] : memref<2560000xi32, #tpu.memory_space<hbm>> -> memref<640xi32, #tpu.memory_space<hbm>>
        tpu.enqueue_dma source(%arg10 : memref<640xi32, #tpu.memory_space<vmem>>) target(%dma_start3A_1375 : memref<640xi32, #tpu.memory_space<hbm>>) target_semaphore(%run_scoped3A : memref<!tpu.dma_semaphore, #tpu.memory_space<semaphore_mem>>)
        %dma_wait3A_1376 = tpu.memref_slice %arg6[%mul3A_1373] : memref<2560000xi32, #tpu.memory_space<hbm>> -> memref<640xi32, #tpu.memory_space<hbm>>
        %dma_wait3A_1377 = tpu.memref_slice %arg6[%mul3A_1373] : memref<2560000xi32, #tpu.memory_space<hbm>> -> memref<640xi32, #tpu.memory_space<hbm>>
        tpu.wait_dma2 semaphore(%run_scoped3A : memref<!tpu.dma_semaphore, #tpu.memory_space<semaphore_mem>>) src(%arg10 : memref<640xi32, #tpu.memory_space<vmem>>) dst(%dma_wait3A_1377 : memref<640xi32, #tpu.memory_space<hbm>>)
        tpu.yield
      }) : () -> ()
    }
    %scan3A_12 = arith.constant 62 : i32
    %multiple_of3A_13 = arith.constant 9920 : i32
    %multiple_of3A_14 = tpu.assume_multiple %multiple_of3A_13, 8 : i32
    %add3A_15 = arith.constant 0 : i32
    %add3A_16 = arith.addi %multiple_of3A_14, %add3A_15 : i32
    %get3A = arith.index_cast %add3A_16 : i32 to index
    %get3A_17 = tpu.vector_load %arg7[%get3A] {strides = array<i32>} : memref<10000xi32, #tpu.memory_space<vmem>>, vector<16xi32>,
    %mul3A_18 = arith.constant 8 : i32
    %mul3A_19 = vector.broadcast %mul3A_18 : i32 to vector<16xi32>
    %mul3A_20 = arith.muli %get3A_17, %mul3A_19 : vector<16xi32>
    %add3A_21 = arith.constant 0 : i32
    %add3A_22 = vector.broadcast %add3A_21 : i32 to vector<16xi32>
    %add3A_23 = arith.addi %mul3A_20, %add3A_22 : vector<16xi32>
    %gather3A = tpu.vector_load_idx %arg11[%add3A_23] : memref<80000xi32, #tpu.memory_space<vmem>>[vector<16xi32>], vector<16xi32>,
    %mul3A_24 = arith.constant 8 : i32
    %mul3A_25 = vector.broadcast %mul3A_24 : i32 to vector<16xi32>
    %mul3A_26 = arith.muli %iota3A, %mul3A_25 : vector<16xi32>
    %add3A_27 = arith.constant 0 : i32
    %add3A_28 = vector.broadcast %add3A_27 : i32 to vector<16xi32>
    %add3A_29 = arith.addi %mul3A_26, %add3A_28 : vector<16xi32>
    tpu.vector_store_idx %arg10[%add3A_29], %gather3A : memref<640xi32, #tpu.memory_space<vmem>>[vector<16xi32>], vector<16xi32>,
    %add3A_30 = arith.constant 1 : i32
    %add3A_31 = vector.broadcast %add3A_30 : i32 to vector<16xi32>
    %add3A_32 = arith.addi %mul3A_20, %add3A_31 : vector<16xi32>
    %gather3A_33 = tpu.vector_load_idx %arg11[%add3A_32] : memref<80000xi32, #tpu.memory_space<vmem>>[vector<16xi32>], vector<16xi32>,
    %mul3A_34 = arith.constant 8 : i32
    %mul3A_35 = vector.broadcast %mul3A_34 : i32 to vector<16xi32>
    %mul3A_36 = arith.muli %iota3A, %mul3A_35 : vector<16xi32>
    %add3A_37 = arith.constant 1 : i32
    %add3A_38 = vector.broadcast %add3A_37 : i32 to vector<16xi32>
    %add3A_39 = arith.addi %mul3A_36, %add3A_38 : vector<16xi32>
    tpu.vector_store_idx %arg10[%add3A_39], %gather3A_33 : memref<640xi32, #tpu.memory_space<vmem>>[vector<16xi32>], vector<16xi32>,
    %add3A_40 = arith.constant 2 : i32
    %add3A_41 = vector.broadcast %add3A_40 : i32 to vector<16xi32>
    %add3A_42 = arith.addi %mul3A_20, %add3A_41 : vector<16xi32>
    %gather3A_43 = tpu.vector_load_idx %arg11[%add3A_42] : memref<80000xi32, #tpu.memory_space<vmem>>[vector<16xi32>], vector<16xi32>,
    %mul3A_44 = arith.constant 8 : i32
    %mul3A_45 = vector.broadcast %mul3A_44 : i32 to vector<16xi32>
    %mul3A_46 = arith.muli %iota3A, %mul3A_45 : vector<16xi32>
    %add3A_47 = arith.constant 2 : i32
    %add3A_48 = vector.broadcast %add3A_47 : i32 to vector<16xi32>
    %add3A_49 = arith.addi %mul3A_46, %add3A_48 : vector<16xi32>
    tpu.vector_store_idx %arg10[%add3A_49], %gather3A_43 : memref<640xi32, #tpu.memory_space<vmem>>[vector<16xi32>], vector<16xi32>,
    %add3A_50 = arith.constant 3 : i32
    %add3A_51 = vector.broadcast %add3A_50 : i32 to vector<16xi32>
    %add3A_52 = arith.addi %mul3A_20, %add3A_51 : vector<16xi32>
    %gather3A_53 = tpu.vector_load_idx %arg11[%add3A_52] : memref<80000xi32, #tpu.memory_space<vmem>>[vector<16xi32>], vector<16xi32>,
    %mul3A_54 = arith.constant 8 : i32
    %mul3A_55 = vector.broadcast %mul3A_54 : i32 to vector<16xi32>
    %mul3A_56 = arith.muli %iota3A, %mul3A_55 : vector<16xi32>
    %add3A_57 = arith.constant 3 : i32
    %add3A_58 = vector.broadcast %add3A_57 : i32 to vector<16xi32>
    %add3A_59 = arith.addi %mul3A_56, %add3A_58 : vector<16xi32>
    tpu.vector_store_idx %arg10[%add3A_59], %gather3A_53 : memref<640xi32, #tpu.memory_space<vmem>>[vector<16xi32>], vector<16xi32>,
    %add3A_60 = arith.constant 4 : i32
    %add3A_61 = vector.broadcast %add3A_60 : i32 to vector<16xi32>
    %add3A_62 = arith.addi %mul3A_20, %add3A_61 : vector<16xi32>
    %gather3A_63 = tpu.vector_load_idx %arg11[%add3A_62] : memref<80000xi32, #tpu.memory_space<vmem>>[vector<16xi32>], vector<16xi32>,
    %mul3A_64 = arith.constant 8 : i32
    %mul3A_65 = vector.broadcast %mul3A_64 : i32 to vector<16xi32>
    %mul3A_66 = arith.muli %iota3A, %mul3A_65 : vector<16xi32>
    %add3A_67 = arith.constant 4 : i32
    %add3A_68 = vector.broadcast %add3A_67 : i32 to vector<16xi32>
    %add3A_69 = arith.addi %mul3A_66, %add3A_68 : vector<16xi32>
    tpu.vector_store_idx %arg10[%add3A_69], %gather3A_63 : memref<640xi32, #tpu.memory_space<vmem>>[vector<16xi32>], vector<16xi32>,
    %add3A_70 = arith.constant 5 : i32
    %add3A_71 = vector.broadcast %add3A_70 : i32 to vector<16xi32>
    %add3A_72 = arith.addi %mul3A_20, %add3A_71 : vector<16xi32>
    %gather3A_73 = tpu.vector_load_idx %arg11[%add3A_72] : memref<80000xi32, #tpu.memory_space<vmem>>[vector<16xi32>], vector<16xi32>,
    %mul3A_74 = arith.constant 8 : i32
    %mul3A_75 = vector.broadcast %mul3A_74 : i32 to vector<16xi32>
    %mul3A_76 = arith.muli %iota3A, %mul3A_75 : vector<16xi32>
    %add3A_77 = arith.constant 5 : i32
    %add3A_78 = vector.broadcast %add3A_77 : i32 to vector<16xi32>
    %add3A_79 = arith.addi %mul3A_76, %add3A_78 : vector<16xi32>
    tpu.vector_store_idx %arg10[%add3A_79], %gather3A_73 : memref<640xi32, #tpu.memory_space<vmem>>[vector<16xi32>], vector<16xi32>,
    %add3A_80 = arith.constant 6 : i32
    %add3A_81 = vector.broadcast %add3A_80 : i32 to vector<16xi32>
    %add3A_82 = arith.addi %mul3A_20, %add3A_81 : vector<16xi32>
    %gather3A_83 = tpu.vector_load_idx %arg11[%add3A_82] : memref<80000xi32, #tpu.memory_space<vmem>>[vector<16xi32>], vector<16xi32>,
    %mul3A_84 = arith.constant 8 : i32
    %mul3A_85 = vector.broadcast %mul3A_84 : i32 to vector<16xi32>
    %mul3A_86 = arith.muli %iota3A, %mul3A_85 : vector<16xi32>
    %add3A_87 = arith.constant 6 : i32
    %add3A_88 = vector.broadcast %add3A_87 : i32 to vector<16xi32>
    %add3A_89 = arith.addi %mul3A_86, %add3A_88 : vector<16xi32>
    tpu.vector_store_idx %arg10[%add3A_89], %gather3A_83 : memref<640xi32, #tpu.memory_space<vmem>>[vector<16xi32>], vector<16xi32>,
    %add3A_90 = arith.constant 7 : i32
    %add3A_91 = vector.broadcast %add3A_90 : i32 to vector<16xi32>
    %add3A_92 = arith.addi %mul3A_20, %add3A_91 : vector<16xi32>
    %gather3A_93 = tpu.vector_load_idx %arg11[%add3A_92] : memref<80000xi32, #tpu.memory_space<vmem>>[vector<16xi32>], vector<16xi32>,
    %mul3A_94 = arith.constant 8 : i32
    %mul3A_95 = vector.broadcast %mul3A_94 : i32 to vector<16xi32>
    %mul3A_96 = arith.muli %iota3A, %mul3A_95 : vector<16xi32>
    %add3A_97 = arith.constant 7 : i32
    %add3A_98 = vector.broadcast %add3A_97 : i32 to vector<16xi32>
    %add3A_99 = arith.addi %mul3A_96, %add3A_98 : vector<16xi32>
    tpu.vector_store_idx %arg10[%add3A_99], %gather3A_93 : memref<640xi32, #tpu.memory_space<vmem>>[vector<16xi32>], vector<16xi32>,
    %add3A_100 = arith.constant 16 : i32
    %add3A_101 = arith.addi %multiple_of3A_14, %add3A_100 : i32
    %get3A_102 = arith.index_cast %add3A_101 : i32 to index
    %get3A_103 = tpu.vector_load %arg7[%get3A_102] {strides = array<i32>} : memref<10000xi32, #tpu.memory_space<vmem>>, vector<16xi32>,
    %mul3A_104 = arith.constant 8 : i32
    %mul3A_105 = vector.broadcast %mul3A_104 : i32 to vector<16xi32>
    %mul3A_106 = arith.muli %get3A_103, %mul3A_105 : vector<16xi32>
    %add3A_107 = arith.constant 0 : i32
    %add3A_108 = vector.broadcast %add3A_107 : i32 to vector<16xi32>
    %add3A_109 = arith.addi %mul3A_106, %add3A_108 : vector<16xi32>
    %gather3A_110 = tpu.vector_load_idx %arg11[%add3A_109] : memref<80000xi32, #tpu.memory_space<vmem>>[vector<16xi32>], vector<16xi32>,
    %mul3A_111 = arith.constant 8 : i32
    %mul3A_112 = vector.broadcast %mul3A_111 : i32 to vector<16xi32>
    %mul3A_113 = arith.muli %iota3A, %mul3A_112 : vector<16xi32>
    %add3A_114 = arith.constant 128 : i32
    %add3A_115 = vector.broadcast %add3A_114 : i32 to vector<16xi32>
    %add3A_116 = arith.addi %mul3A_113, %add3A_115 : vector<16xi32>
    tpu.vector_store_idx %arg10[%add3A_116], %gather3A_110 : memref<640xi32, #tpu.memory_space<vmem>>[vector<16xi32>], vector<16xi32>,
    %add3A_117 = arith.constant 1 : i32
    %add3A_118 = vector.broadcast %add3A_117 : i32 to vector<16xi32>
    %add3A_119 = arith.addi %mul3A_106, %add3A_118 : vector<16xi32>
    %gather3A_120 = tpu.vector_load_idx %arg11[%add3A_119] : memref<80000xi32, #tpu.memory_space<vmem>>[vector<16xi32>], vector<16xi32>,
    %mul3A_121 = arith.constant 8 : i32
    %mul3A_122 = vector.broadcast %mul3A_121 : i32 to vector<16xi32>
    %mul3A_123 = arith.muli %iota3A, %mul3A_122 : vector<16xi32>
    %add3A_124 = arith.constant 129 : i32
    %add3A_125 = vector.broadcast %add3A_124 : i32 to vector<16xi32>
    %add3A_126 = arith.addi %mul3A_123, %add3A_125 : vector<16xi32>
    tpu.vector_store_idx %arg10[%add3A_126], %gather3A_120 : memref<640xi32, #tpu.memory_space<vmem>>[vector<16xi32>], vector<16xi32>,
    %add3A_127 = arith.constant 2 : i32
    %add3A_128 = vector.broadcast %add3A_127 : i32 to vector<16xi32>
    %add3A_129 = arith.addi %mul3A_106, %add3A_128 : vector<16xi32>
    %gather3A_130 = tpu.vector_load_idx %arg11[%add3A_129] : memref<80000xi32, #tpu.memory_space<vmem>>[vector<16xi32>], vector<16xi32>,
    %mul3A_131 = arith.constant 8 : i32
    %mul3A_132 = vector.broadcast %mul3A_131 : i32 to vector<16xi32>
    %mul3A_133 = arith.muli %iota3A, %mul3A_132 : vector<16xi32>
    %add3A_134 = arith.constant 130 : i32
    %add3A_135 = vector.broadcast %add3A_134 : i32 to vector<16xi32>
    %add3A_136 = arith.addi %mul3A_133, %add3A_135 : vector<16xi32>
    tpu.vector_store_idx %arg10[%add3A_136], %gather3A_130 : memref<640xi32, #tpu.memory_space<vmem>>[vector<16xi32>], vector<16xi32>,
    %add3A_137 = arith.constant 3 : i32
    %add3A_138 = vector.broadcast %add3A_137 : i32 to vector<16xi32>
    %add3A_139 = arith.addi %mul3A_106, %add3A_138 : vector<16xi32>
    %gather3A_140 = tpu.vector_load_idx %arg11[%add3A_139] : memref<80000xi32, #tpu.memory_space<vmem>>[vector<16xi32>], vector<16xi32>,
    %mul3A_141 = arith.constant 8 : i32
    %mul3A_142 = vector.broadcast %mul3A_141 : i32 to vector<16xi32>
    %mul3A_143 = arith.muli %iota3A, %mul3A_142 : vector<16xi32>
    %add3A_144 = arith.constant 131 : i32
    %add3A_145 = vector.broadcast %add3A_144 : i32 to vector<16xi32>
    %add3A_146 = arith.addi %mul3A_143, %add3A_145 : vector<16xi32>
    tpu.vector_store_idx %arg10[%add3A_146], %gather3A_140 : memref<640xi32, #tpu.memory_space<vmem>>[vector<16xi32>], vector<16xi32>,
    %add3A_147 = arith.constant 4 : i32
    %add3A_148 = vector.broadcast %add3A_147 : i32 to vector<16xi32>
    %add3A_149 = arith.addi %mul3A_106, %add3A_148 : vector<16xi32>
    %gather3A_150 = tpu.vector_load_idx %arg11[%add3A_149] : memref<80000xi32, #tpu.memory_space<vmem>>[vector<16xi32>], vector<16xi32>,
    %mul3A_151 = arith.constant 8 : i32
    %mul3A_152 = vector.broadcast %mul3A_151 : i32 to vector<16xi32>
    %mul3A_153 = arith.muli %iota3A, %mul3A_152 : vector<16xi32>
    %add3A_154 = arith.constant 132 : i32
    %add3A_155 = vector.broadcast %add3A_154 : i32 to vector<16xi32>
    %add3A_156 = arith.addi %mul3A_153, %add3A_155 : vector<16xi32>
    tpu.vector_store_idx %arg10[%add3A_156], %gather3A_150 : memref<640xi32, #tpu.memory_space<vmem>>[vector<16xi32>], vector<16xi32>,
    %add3A_157 = arith.constant 5 : i32
    %add3A_158 = vector.broadcast %add3A_157 : i32 to vector<16xi32>
    %add3A_159 = arith.addi %mul3A_106, %add3A_158 : vector<16xi32>
    %gather3A_160 = tpu.vector_load_idx %arg11[%add3A_159] : memref<80000xi32, #tpu.memory_space<vmem>>[vector<16xi32>], vector<16xi32>,
    %mul3A_161 = arith.constant 8 : i32
    %mul3A_162 = vector.broadcast %mul3A_161 : i32 to vector<16xi32>
    %mul3A_163 = arith.muli %iota3A, %mul3A_162 : vector<16xi32>
    %add3A_164 = arith.constant 133 : i32
    %add3A_165 = vector.broadcast %add3A_164 : i32 to vector<16xi32>
    %add3A_166 = arith.addi %mul3A_163, %add3A_165 : vector<16xi32>
    tpu.vector_store_idx %arg10[%add3A_166], %gather3A_160 : memref<640xi32, #tpu.memory_space<vmem>>[vector<16xi32>], vector<16xi32>,
    %add3A_167 = arith.constant 6 : i32
    %add3A_168 = vector.broadcast %add3A_167 : i32 to vector<16xi32>
    %add3A_169 = arith.addi %mul3A_106, %add3A_168 : vector<16xi32>
    %gather3A_170 = tpu.vector_load_idx %arg11[%add3A_169] : memref<80000xi32, #tpu.memory_space<vmem>>[vector<16xi32>], vector<16xi32>,
    %mul3A_171 = arith.constant 8 : i32
    %mul3A_172 = vector.broadcast %mul3A_171 : i32 to vector<16xi32>
    %mul3A_173 = arith.muli %iota3A, %mul3A_172 : vector<16xi32>
    %add3A_174 = arith.constant 134 : i32
    %add3A_175 = vector.broadcast %add3A_174 : i32 to vector<16xi32>
    %add3A_176 = arith.addi %mul3A_173, %add3A_175 : vector<16xi32>
    tpu.vector_store_idx %arg10[%add3A_176], %gather3A_170 : memref<640xi32, #tpu.memory_space<vmem>>[vector<16xi32>], vector<16xi32>,
    %add3A_177 = arith.constant 7 : i32
    %add3A_178 = vector.broadcast %add3A_177 : i32 to vector<16xi32>
    %add3A_179 = arith.addi %mul3A_106, %add3A_178 : vector<16xi32>
    %gather3A_180 = tpu.vector_load_idx %arg11[%add3A_179] : memref<80000xi32, #tpu.memory_space<vmem>>[vector<16xi32>], vector<16xi32>,
    %mul3A_181 = arith.constant 8 : i32
    %mul3A_182 = vector.broadcast %mul3A_181 : i32 to vector<16xi32>
    %mul3A_183 = arith.muli %iota3A, %mul3A_182 : vector<16xi32>
    %add3A_184 = arith.constant 135 : i32
    %add3A_185 = vector.broadcast %add3A_184 : i32 to vector<16xi32>
    %add3A_186 = arith.addi %mul3A_183, %add3A_185 : vector<16xi32>
    tpu.vector_store_idx %arg10[%add3A_186], %gather3A_180 : memref<640xi32, #tpu.memory_space<vmem>>[vector<16xi32>], vector<16xi32>,
    %add3A_187 = arith.constant 32 : i32
    %add3A_188 = arith.addi %multiple_of3A_14, %add3A_187 : i32
    %get3A_189 = arith.index_cast %add3A_188 : i32 to index
    %get3A_190 = tpu.vector_load %arg7[%get3A_189] {strides = array<i32>} : memref<10000xi32, #tpu.memory_space<vmem>>, vector<16xi32>,
    %mul3A_191 = arith.constant 8 : i32
    %mul3A_192 = vector.broadcast %mul3A_191 : i32 to vector<16xi32>
    %mul3A_193 = arith.muli %get3A_190, %mul3A_192 : vector<16xi32>
    %add3A_194 = arith.constant 0 : i32
    %add3A_195 = vector.broadcast %add3A_194 : i32 to vector<16xi32>
    %add3A_196 = arith.addi %mul3A_193, %add3A_195 : vector<16xi32>
    %gather3A_197 = tpu.vector_load_idx %arg11[%add3A_196] : memref<80000xi32, #tpu.memory_space<vmem>>[vector<16xi32>], vector<16xi32>,
    %mul3A_198 = arith.constant 8 : i32
    %mul3A_199 = vector.broadcast %mul3A_198 : i32 to vector<16xi32>
    %mul3A_200 = arith.muli %iota3A, %mul3A_199 : vector<16xi32>
    %add3A_201 = arith.constant 256 : i32
    %add3A_202 = vector.broadcast %add3A_201 : i32 to vector<16xi32>
    %add3A_203 = arith.addi %mul3A_200, %add3A_202 : vector<16xi32>
    tpu.vector_store_idx %arg10[%add3A_203], %gather3A_197 : memref<640xi32, #tpu.memory_space<vmem>>[vector<16xi32>], vector<16xi32>,
    %add3A_204 = arith.constant 1 : i32
    %add3A_205 = vector.broadcast %add3A_204 : i32 to vector<16xi32>
    %add3A_206 = arith.addi %mul3A_193, %add3A_205 : vector<16xi32>
    %gather3A_207 = tpu.vector_load_idx %arg11[%add3A_206] : memref<80000xi32, #tpu.memory_space<vmem>>[vector<16xi32>], vector<16xi32>,
    %mul3A_208 = arith.constant 8 : i32
    %mul3A_209 = vector.broadcast %mul3A_208 : i32 to vector<16xi32>
    %mul3A_210 = arith.muli %iota3A, %mul3A_209 : vector<16xi32>
    %add3A_211 = arith.constant 257 : i32
    %add3A_212 = vector.broadcast %add3A_211 : i32 to vector<16xi32>
    %add3A_213 = arith.addi %mul3A_210, %add3A_212 : vector<16xi32>
    tpu.vector_store_idx %arg10[%add3A_213], %gather3A_207 : memref<640xi32, #tpu.memory_space<vmem>>[vector<16xi32>], vector<16xi32>,
    %add3A_214 = arith.constant 2 : i32
    %add3A_215 = vector.broadcast %add3A_214 : i32 to vector<16xi32>
    %add3A_216 = arith.addi %mul3A_193, %add3A_215 : vector<16xi32>
    %gather3A_217 = tpu.vector_load_idx %arg11[%add3A_216] : memref<80000xi32, #tpu.memory_space<vmem>>[vector<16xi32>], vector<16xi32>,
    %mul3A_218 = arith.constant 8 : i32
    %mul3A_219 = vector.broadcast %mul3A_218 : i32 to vector<16xi32>
    %mul3A_220 = arith.muli %iota3A, %mul3A_219 : vector<16xi32>
    %add3A_221 = arith.constant 258 : i32
    %add3A_222 = vector.broadcast %add3A_221 : i32 to vector<16xi32>
    %add3A_223 = arith.addi %mul3A_220, %add3A_222 : vector<16xi32>
    tpu.vector_store_idx %arg10[%add3A_223], %gather3A_217 : memref<640xi32, #tpu.memory_space<vmem>>[vector<16xi32>], vector<16xi32>,
    %add3A_224 = arith.constant 3 : i32
    %add3A_225 = vector.broadcast %add3A_224 : i32 to vector<16xi32>
    %add3A_226 = arith.addi %mul3A_193, %add3A_225 : vector<16xi32>
    %gather3A_227 = tpu.vector_load_idx %arg11[%add3A_226] : memref<80000xi32, #tpu.memory_space<vmem>>[vector<16xi32>], vector<16xi32>,
    %mul3A_228 = arith.constant 8 : i32
    %mul3A_229 = vector.broadcast %mul3A_228 : i32 to vector<16xi32>
    %mul3A_230 = arith.muli %iota3A, %mul3A_229 : vector<16xi32>
    %add3A_231 = arith.constant 259 : i32
    %add3A_232 = vector.broadcast %add3A_231 : i32 to vector<16xi32>
    %add3A_233 = arith.addi %mul3A_230, %add3A_232 : vector<16xi32>
    tpu.vector_store_idx %arg10[%add3A_233], %gather3A_227 : memref<640xi32, #tpu.memory_space<vmem>>[vector<16xi32>], vector<16xi32>,
    %add3A_234 = arith.constant 4 : i32
    %add3A_235 = vector.broadcast %add3A_234 : i32 to vector<16xi32>
    %add3A_236 = arith.addi %mul3A_193, %add3A_235 : vector<16xi32>
    %gather3A_237 = tpu.vector_load_idx %arg11[%add3A_236] : memref<80000xi32, #tpu.memory_space<vmem>>[vector<16xi32>], vector<16xi32>,
    %mul3A_238 = arith.constant 8 : i32
    %mul3A_239 = vector.broadcast %mul3A_238 : i32 to vector<16xi32>
    %mul3A_240 = arith.muli %iota3A, %mul3A_239 : vector<16xi32>
    %add3A_241 = arith.constant 260 : i32
    %add3A_242 = vector.broadcast %add3A_241 : i32 to vector<16xi32>
    %add3A_243 = arith.addi %mul3A_240, %add3A_242 : vector<16xi32>
    tpu.vector_store_idx %arg10[%add3A_243], %gather3A_237 : memref<640xi32, #tpu.memory_space<vmem>>[vector<16xi32>], vector<16xi32>,
    %add3A_244 = arith.constant 5 : i32
    %add3A_245 = vector.broadcast %add3A_244 : i32 to vector<16xi32>
    %add3A_246 = arith.addi %mul3A_193, %add3A_245 : vector<16xi32>
    %gather3A_247 = tpu.vector_load_idx %arg11[%add3A_246] : memref<80000xi32, #tpu.memory_space<vmem>>[vector<16xi32>], vector<16xi32>,
    %mul3A_248 = arith.constant 8 : i32
    %mul3A_249 = vector.broadcast %mul3A_248 : i32 to vector<16xi32>
    %mul3A_250 = arith.muli %iota3A, %mul3A_249 : vector<16xi32>
    %add3A_251 = arith.constant 261 : i32
    %add3A_252 = vector.broadcast %add3A_251 : i32 to vector<16xi32>
    %add3A_253 = arith.addi %mul3A_250, %add3A_252 : vector<16xi32>
    tpu.vector_store_idx %arg10[%add3A_253], %gather3A_247 : memref<640xi32, #tpu.memory_space<vmem>>[vector<16xi32>], vector<16xi32>,
    %add3A_254 = arith.constant 6 : i32
    %add3A_255 = vector.broadcast %add3A_254 : i32 to vector<16xi32>
    %add3A_256 = arith.addi %mul3A_193, %add3A_255 : vector<16xi32>
    %gather3A_257 = tpu.vector_load_idx %arg11[%add3A_256] : memref<80000xi32, #tpu.memory_space<vmem>>[vector<16xi32>], vector<16xi32>,
    %mul3A_258 = arith.constant 8 : i32
    %mul3A_259 = vector.broadcast %mul3A_258 : i32 to vector<16xi32>
    %mul3A_260 = arith.muli %iota3A, %mul3A_259 : vector<16xi32>
    %add3A_261 = arith.constant 262 : i32
    %add3A_262 = vector.broadcast %add3A_261 : i32 to vector<16xi32>
    %add3A_263 = arith.addi %mul3A_260, %add3A_262 : vector<16xi32>
    tpu.vector_store_idx %arg10[%add3A_263], %gather3A_257 : memref<640xi32, #tpu.memory_space<vmem>>[vector<16xi32>], vector<16xi32>,
    %add3A_264 = arith.constant 7 : i32
    %add3A_265 = vector.broadcast %add3A_264 : i32 to vector<16xi32>
    %add3A_266 = arith.addi %mul3A_193, %add3A_265 : vector<16xi32>
    %gather3A_267 = tpu.vector_load_idx %arg11[%add3A_266] : memref<80000xi32, #tpu.memory_space<vmem>>[vector<16xi32>], vector<16xi32>,
    %mul3A_268 = arith.constant 8 : i32
    %mul3A_269 = vector.broadcast %mul3A_268 : i32 to vector<16xi32>
    %mul3A_270 = arith.muli %iota3A, %mul3A_269 : vector<16xi32>
    %add3A_271 = arith.constant 263 : i32
    %add3A_272 = vector.broadcast %add3A_271 : i32 to vector<16xi32>
    %add3A_273 = arith.addi %mul3A_270, %add3A_272 : vector<16xi32>
    tpu.vector_store_idx %arg10[%add3A_273], %gather3A_267 : memref<640xi32, #tpu.memory_space<vmem>>[vector<16xi32>], vector<16xi32>,
    %add3A_274 = arith.constant 48 : i32
    %add3A_275 = arith.addi %multiple_of3A_14, %add3A_274 : i32
    %get3A_276 = arith.index_cast %add3A_275 : i32 to index
    %get3A_277 = tpu.vector_load %arg7[%get3A_276] {strides = array<i32>} : memref<10000xi32, #tpu.memory_space<vmem>>, vector<16xi32>,
    %mul3A_278 = arith.constant 8 : i32
    %mul3A_279 = vector.broadcast %mul3A_278 : i32 to vector<16xi32>
    %mul3A_280 = arith.muli %get3A_277, %mul3A_279 : vector<16xi32>
    %add3A_281 = arith.constant 0 : i32
    %add3A_282 = vector.broadcast %add3A_281 : i32 to vector<16xi32>
    %add3A_283 = arith.addi %mul3A_280, %add3A_282 : vector<16xi32>
    %gather3A_284 = tpu.vector_load_idx %arg11[%add3A_283] : memref<80000xi32, #tpu.memory_space<vmem>>[vector<16xi32>], vector<16xi32>,
    %mul3A_285 = arith.constant 8 : i32
    %mul3A_286 = vector.broadcast %mul3A_285 : i32 to vector<16xi32>
    %mul3A_287 = arith.muli %iota3A, %mul3A_286 : vector<16xi32>
    %add3A_288 = arith.constant 384 : i32
    %add3A_289 = vector.broadcast %add3A_288 : i32 to vector<16xi32>
    %add3A_290 = arith.addi %mul3A_287, %add3A_289 : vector<16xi32>
    tpu.vector_store_idx %arg10[%add3A_290], %gather3A_284 : memref<640xi32, #tpu.memory_space<vmem>>[vector<16xi32>], vector<16xi32>,
    %add3A_291 = arith.constant 1 : i32
    %add3A_292 = vector.broadcast %add3A_291 : i32 to vector<16xi32>
    %add3A_293 = arith.addi %mul3A_280, %add3A_292 : vector<16xi32>
    %gather3A_294 = tpu.vector_load_idx %arg11[%add3A_293] : memref<80000xi32, #tpu.memory_space<vmem>>[vector<16xi32>], vector<16xi32>,
    %mul3A_295 = arith.constant 8 : i32
    %mul3A_296 = vector.broadcast %mul3A_295 : i32 to vector<16xi32>
    %mul3A_297 = arith.muli %iota3A, %mul3A_296 : vector<16xi32>
    %add3A_298 = arith.constant 385 : i32
    %add3A_299 = vector.broadcast %add3A_298 : i32 to vector<16xi32>
    %add3A_300 = arith.addi %mul3A_297, %add3A_299 : vector<16xi32>
    tpu.vector_store_idx %arg10[%add3A_300], %gather3A_294 : memref<640xi32, #tpu.memory_space<vmem>>[vector<16xi32>], vector<16xi32>,
    %add3A_301 = arith.constant 2 : i32
    %add3A_302 = vector.broadcast %add3A_301 : i32 to vector<16xi32>
    %add3A_303 = arith.addi %mul3A_280, %add3A_302 : vector<16xi32>
    %gather3A_304 = tpu.vector_load_idx %arg11[%add3A_303] : memref<80000xi32, #tpu.memory_space<vmem>>[vector<16xi32>], vector<16xi32>,
    %mul3A_305 = arith.constant 8 : i32
    %mul3A_306 = vector.broadcast %mul3A_305 : i32 to vector<16xi32>
    %mul3A_307 = arith.muli %iota3A, %mul3A_306 : vector<16xi32>
    %add3A_308 = arith.constant 386 : i32
    %add3A_309 = vector.broadcast %add3A_308 : i32 to vector<16xi32>
    %add3A_310 = arith.addi %mul3A_307, %add3A_309 : vector<16xi32>
    tpu.vector_store_idx %arg10[%add3A_310], %gather3A_304 : memref<640xi32, #tpu.memory_space<vmem>>[vector<16xi32>], vector<16xi32>,
    %add3A_311 = arith.constant 3 : i32
    %add3A_312 = vector.broadcast %add3A_311 : i32 to vector<16xi32>
    %add3A_313 = arith.addi %mul3A_280, %add3A_312 : vector<16xi32>
    %gather3A_314 = tpu.vector_load_idx %arg11[%add3A_313] : memref<80000xi32, #tpu.memory_space<vmem>>[vector<16xi32>], vector<16xi32>,
    %mul3A_315 = arith.constant 8 : i32
    %mul3A_316 = vector.broadcast %mul3A_315 : i32 to vector<16xi32>
    %mul3A_317 = arith.muli %iota3A, %mul3A_316 : vector<16xi32>
    %add3A_318 = arith.constant 387 : i32
    %add3A_319 = vector.broadcast %add3A_318 : i32 to vector<16xi32>
    %add3A_320 = arith.addi %mul3A_317, %add3A_319 : vector<16xi32>
    tpu.vector_store_idx %arg10[%add3A_320], %gather3A_314 : memref<640xi32, #tpu.memory_space<vmem>>[vector<16xi32>], vector<16xi32>,
    %add3A_321 = arith.constant 4 : i32
    %add3A_322 = vector.broadcast %add3A_321 : i32 to vector<16xi32>
    %add3A_323 = arith.addi %mul3A_280, %add3A_322 : vector<16xi32>
    %gather3A_324 = tpu.vector_load_idx %arg11[%add3A_323] : memref<80000xi32, #tpu.memory_space<vmem>>[vector<16xi32>], vector<16xi32>,
    %mul3A_325 = arith.constant 8 : i32
    %mul3A_326 = vector.broadcast %mul3A_325 : i32 to vector<16xi32>
    %mul3A_327 = arith.muli %iota3A, %mul3A_326 : vector<16xi32>
    %add3A_328 = arith.constant 388 : i32
    %add3A_329 = vector.broadcast %add3A_328 : i32 to vector<16xi32>
    %add3A_330 = arith.addi %mul3A_327, %add3A_329 : vector<16xi32>
    tpu.vector_store_idx %arg10[%add3A_330], %gather3A_324 : memref<640xi32, #tpu.memory_space<vmem>>[vector<16xi32>], vector<16xi32>,
    %add3A_331 = arith.constant 5 : i32
    %add3A_332 = vector.broadcast %add3A_331 : i32 to vector<16xi32>
    %add3A_333 = arith.addi %mul3A_280, %add3A_332 : vector<16xi32>
    %gather3A_334 = tpu.vector_load_idx %arg11[%add3A_333] : memref<80000xi32, #tpu.memory_space<vmem>>[vector<16xi32>], vector<16xi32>,
    %mul3A_335 = arith.constant 8 : i32
    %mul3A_336 = vector.broadcast %mul3A_335 : i32 to vector<16xi32>
    %mul3A_337 = arith.muli %iota3A, %mul3A_336 : vector<16xi32>
    %add3A_338 = arith.constant 389 : i32
    %add3A_339 = vector.broadcast %add3A_338 : i32 to vector<16xi32>
    %add3A_340 = arith.addi %mul3A_337, %add3A_339 : vector<16xi32>
    tpu.vector_store_idx %arg10[%add3A_340], %gather3A_334 : memref<640xi32, #tpu.memory_space<vmem>>[vector<16xi32>], vector<16xi32>,
    %add3A_341 = arith.constant 6 : i32
    %add3A_342 = vector.broadcast %add3A_341 : i32 to vector<16xi32>
    %add3A_343 = arith.addi %mul3A_280, %add3A_342 : vector<16xi32>
    %gather3A_344 = tpu.vector_load_idx %arg11[%add3A_343] : memref<80000xi32, #tpu.memory_space<vmem>>[vector<16xi32>], vector<16xi32>,
    %mul3A_345 = arith.constant 8 : i32
    %mul3A_346 = vector.broadcast %mul3A_345 : i32 to vector<16xi32>
    %mul3A_347 = arith.muli %iota3A, %mul3A_346 : vector<16xi32>
    %add3A_348 = arith.constant 390 : i32
    %add3A_349 = vector.broadcast %add3A_348 : i32 to vector<16xi32>
    %add3A_350 = arith.addi %mul3A_347, %add3A_349 : vector<16xi32>
    tpu.vector_store_idx %arg10[%add3A_350], %gather3A_344 : memref<640xi32, #tpu.memory_space<vmem>>[vector<16xi32>], vector<16xi32>,
    %add3A_351 = arith.constant 7 : i32
    %add3A_352 = vector.broadcast %add3A_351 : i32 to vector<16xi32>
    %add3A_353 = arith.addi %mul3A_280, %add3A_352 : vector<16xi32>
    %gather3A_354 = tpu.vector_load_idx %arg11[%add3A_353] : memref<80000xi32, #tpu.memory_space<vmem>>[vector<16xi32>], vector<16xi32>,
    %mul3A_355 = arith.constant 8 : i32
    %mul3A_356 = vector.broadcast %mul3A_355 : i32 to vector<16xi32>
    %mul3A_357 = arith.muli %iota3A, %mul3A_356 : vector<16xi32>
    %add3A_358 = arith.constant 391 : i32
    %add3A_359 = vector.broadcast %add3A_358 : i32 to vector<16xi32>
    %add3A_360 = arith.addi %mul3A_357, %add3A_359 : vector<16xi32>
    tpu.vector_store_idx %arg10[%add3A_360], %gather3A_354 : memref<640xi32, #tpu.memory_space<vmem>>[vector<16xi32>], vector<16xi32>,
    %add3A_361 = arith.constant 64 : i32
    %add3A_362 = arith.addi %multiple_of3A_14, %add3A_361 : i32
    %get3A_363 = arith.index_cast %add3A_362 : i32 to index
    %get3A_364 = tpu.vector_load %arg7[%get3A_363] {strides = array<i32>} : memref<10000xi32, #tpu.memory_space<vmem>>, vector<16xi32>,
    %mul3A_365 = arith.constant 8 : i32
    %mul3A_366 = vector.broadcast %mul3A_365 : i32 to vector<16xi32>
    %mul3A_367 = arith.muli %get3A_364, %mul3A_366 : vector<16xi32>
    %add3A_368 = arith.constant 0 : i32
    %add3A_369 = vector.broadcast %add3A_368 : i32 to vector<16xi32>
    %add3A_370 = arith.addi %mul3A_367, %add3A_369 : vector<16xi32>
    %gather3A_371 = tpu.vector_load_idx %arg11[%add3A_370] : memref<80000xi32, #tpu.memory_space<vmem>>[vector<16xi32>], vector<16xi32>,
    %mul3A_372 = arith.constant 8 : i32
    %mul3A_373 = vector.broadcast %mul3A_372 : i32 to vector<16xi32>
    %mul3A_374 = arith.muli %iota3A, %mul3A_373 : vector<16xi32>
    %add3A_375 = arith.constant 512 : i32
    %add3A_376 = vector.broadcast %add3A_375 : i32 to vector<16xi32>
    %add3A_377 = arith.addi %mul3A_374, %add3A_376 : vector<16xi32>
    tpu.vector_store_idx %arg10[%add3A_377], %gather3A_371 : memref<640xi32, #tpu.memory_space<vmem>>[vector<16xi32>], vector<16xi32>,
    %add3A_378 = arith.constant 1 : i32
    %add3A_379 = vector.broadcast %add3A_378 : i32 to vector<16xi32>
    %add3A_380 = arith.addi %mul3A_367, %add3A_379 : vector<16xi32>
    %gather3A_381 = tpu.vector_load_idx %arg11[%add3A_380] : memref<80000xi32, #tpu.memory_space<vmem>>[vector<16xi32>], vector<16xi32>,
    %mul3A_382 = arith.constant 8 : i32
    %mul3A_383 = vector.broadcast %mul3A_382 : i32 to vector<16xi32>
    %mul3A_384 = arith.muli %iota3A, %mul3A_383 : vector<16xi32>
    %add3A_385 = arith.constant 513 : i32
    %add3A_386 = vector.broadcast %add3A_385 : i32 to vector<16xi32>
    %add3A_387 = arith.addi %mul3A_384, %add3A_386 : vector<16xi32>
    tpu.vector_store_idx %arg10[%add3A_387], %gather3A_381 : memref<640xi32, #tpu.memory_space<vmem>>[vector<16xi32>], vector<16xi32>,
    %add3A_388 = arith.constant 2 : i32
    %add3A_389 = vector.broadcast %add3A_388 : i32 to vector<16xi32>
    %add3A_390 = arith.addi %mul3A_367, %add3A_389 : vector<16xi32>
    %gather3A_391 = tpu.vector_load_idx %arg11[%add3A_390] : memref<80000xi32, #tpu.memory_space<vmem>>[vector<16xi32>], vector<16xi32>,
    %mul3A_392 = arith.constant 8 : i32
    %mul3A_393 = vector.broadcast %mul3A_392 : i32 to vector<16xi32>
    %mul3A_394 = arith.muli %iota3A, %mul3A_393 : vector<16xi32>
    %add3A_395 = arith.constant 514 : i32
    %add3A_396 = vector.broadcast %add3A_395 : i32 to vector<16xi32>
    %add3A_397 = arith.addi %mul3A_394, %add3A_396 : vector<16xi32>
    tpu.vector_store_idx %arg10[%add3A_397], %gather3A_391 : memref<640xi32, #tpu.memory_space<vmem>>[vector<16xi32>], vector<16xi32>,
    %add3A_398 = arith.constant 3 : i32
    %add3A_399 = vector.broadcast %add3A_398 : i32 to vector<16xi32>
    %add3A_400 = arith.addi %mul3A_367, %add3A_399 : vector<16xi32>
    %gather3A_401 = tpu.vector_load_idx %arg11[%add3A_400] : memref<80000xi32, #tpu.memory_space<vmem>>[vector<16xi32>], vector<16xi32>,
    %mul3A_402 = arith.constant 8 : i32
    %mul3A_403 = vector.broadcast %mul3A_402 : i32 to vector<16xi32>
    %mul3A_404 = arith.muli %iota3A, %mul3A_403 : vector<16xi32>
    %add3A_405 = arith.constant 515 : i32
    %add3A_406 = vector.broadcast %add3A_405 : i32 to vector<16xi32>
    %add3A_407 = arith.addi %mul3A_404, %add3A_406 : vector<16xi32>
    tpu.vector_store_idx %arg10[%add3A_407], %gather3A_401 : memref<640xi32, #tpu.memory_space<vmem>>[vector<16xi32>], vector<16xi32>,
    %add3A_408 = arith.constant 4 : i32
    %add3A_409 = vector.broadcast %add3A_408 : i32 to vector<16xi32>
    %add3A_410 = arith.addi %mul3A_367, %add3A_409 : vector<16xi32>
    %gather3A_411 = tpu.vector_load_idx %arg11[%add3A_410] : memref<80000xi32, #tpu.memory_space<vmem>>[vector<16xi32>], vector<16xi32>,
    %mul3A_412 = arith.constant 8 : i32
    %mul3A_413 = vector.broadcast %mul3A_412 : i32 to vector<16xi32>
    %mul3A_414 = arith.muli %iota3A, %mul3A_413 : vector<16xi32>
    %add3A_415 = arith.constant 516 : i32
    %add3A_416 = vector.broadcast %add3A_415 : i32 to vector<16xi32>
    %add3A_417 = arith.addi %mul3A_414, %add3A_416 : vector<16xi32>
    tpu.vector_store_idx %arg10[%add3A_417], %gather3A_411 : memref<640xi32, #tpu.memory_space<vmem>>[vector<16xi32>], vector<16xi32>,
    %add3A_418 = arith.constant 5 : i32
    %add3A_419 = vector.broadcast %add3A_418 : i32 to vector<16xi32>
    %add3A_420 = arith.addi %mul3A_367, %add3A_419 : vector<16xi32>
    %gather3A_421 = tpu.vector_load_idx %arg11[%add3A_420] : memref<80000xi32, #tpu.memory_space<vmem>>[vector<16xi32>], vector<16xi32>,
    %mul3A_422 = arith.constant 8 : i32
    %mul3A_423 = vector.broadcast %mul3A_422 : i32 to vector<16xi32>
    %mul3A_424 = arith.muli %iota3A, %mul3A_423 : vector<16xi32>
    %add3A_425 = arith.constant 517 : i32
    %add3A_426 = vector.broadcast %add3A_425 : i32 to vector<16xi32>
    %add3A_427 = arith.addi %mul3A_424, %add3A_426 : vector<16xi32>
    tpu.vector_store_idx %arg10[%add3A_427], %gather3A_421 : memref<640xi32, #tpu.memory_space<vmem>>[vector<16xi32>], vector<16xi32>,
    %add3A_428 = arith.constant 6 : i32
    %add3A_429 = vector.broadcast %add3A_428 : i32 to vector<16xi32>
    %add3A_430 = arith.addi %mul3A_367, %add3A_429 : vector<16xi32>
    %gather3A_431 = tpu.vector_load_idx %arg11[%add3A_430] : memref<80000xi32, #tpu.memory_space<vmem>>[vector<16xi32>], vector<16xi32>,
    %mul3A_432 = arith.constant 8 : i32
    %mul3A_433 = vector.broadcast %mul3A_432 : i32 to vector<16xi32>
    %mul3A_434 = arith.muli %iota3A, %mul3A_433 : vector<16xi32>
    %add3A_435 = arith.constant 518 : i32
    %add3A_436 = vector.broadcast %add3A_435 : i32 to vector<16xi32>
    %add3A_437 = arith.addi %mul3A_434, %add3A_436 : vector<16xi32>
    tpu.vector_store_idx %arg10[%add3A_437], %gather3A_431 : memref<640xi32, #tpu.memory_space<vmem>>[vector<16xi32>], vector<16xi32>,
    %add3A_438 = arith.constant 7 : i32
    %add3A_439 = vector.broadcast %add3A_438 : i32 to vector<16xi32>
    %add3A_440 = arith.addi %mul3A_367, %add3A_439 : vector<16xi32>
    %gather3A_441 = tpu.vector_load_idx %arg11[%add3A_440] : memref<80000xi32, #tpu.memory_space<vmem>>[vector<16xi32>], vector<16xi32>,
    %mul3A_442 = arith.constant 8 : i32
    %mul3A_443 = vector.broadcast %mul3A_442 : i32 to vector<16xi32>
    %mul3A_444 = arith.muli %iota3A, %mul3A_443 : vector<16xi32>
    %add3A_445 = arith.constant 519 : i32
    %add3A_446 = vector.broadcast %add3A_445 : i32 to vector<16xi32>
    %add3A_447 = arith.addi %mul3A_444, %add3A_446 : vector<16xi32>
    tpu.vector_store_idx %arg10[%add3A_447], %gather3A_441 : memref<640xi32, #tpu.memory_space<vmem>>[vector<16xi32>], vector<16xi32>,
    %dma_wait3A = tpu.memref_slice %arg7[%multiple_of3A_14] : memref<10000xi32, #tpu.memory_space<vmem>> -> memref<80xi32, #tpu.memory_space<vmem>>
    %dma_wait3A_448 = arith.constant 0 : i32
    %dma_wait3A_449 = arith.constant 0 : i32
    %dma_wait3A_450 = tpu.memref_slice %arg2[%dma_wait3A_448, %dma_wait3A_449] : memref<10000x128xi32, #tpu.memory_space<hbm>> -> memref<10000x128xi32, #tpu.memory_space<hbm>>
    tpu.wait_indirect_dma semaphore(%arg12 : memref<!tpu.dma_semaphore, #tpu.memory_space<semaphore_mem>>) src(%dma_wait3A_450 : memref<10000x128xi32, #tpu.memory_space<hbm>>) dst(%arg8 : memref<80x128xi32, #tpu.memory_space<vmem>>)
    %add3A_451 = arith.addi %multiple_of3A, %multiple_of3A_14 : i32
    "tpu.region"() ({
      %run_scoped3A = tpu.sem_alloc : memref<!tpu.dma_semaphore, #tpu.memory_space<semaphore_mem>>
      %dma_start3A_455 = arith.constant 0 : i32
      %dma_start3A_456 = tpu.memref_slice %arg5[%add3A_451, %dma_start3A_455] : memref<320000x128xi32, #tpu.memory_space<hbm>> -> memref<80x128xi32, #tpu.memory_space<hbm>>
      %dma_start3A_457 = arith.constant 0 : i32
      %dma_start3A_458 = tpu.memref_slice %arg5[%add3A_451, %dma_start3A_457] : memref<320000x128xi32, #tpu.memory_space<hbm>> -> memref<80x128xi32, #tpu.memory_space<hbm>>
      tpu.enqueue_dma source(%arg8 : memref<80x128xi32, #tpu.memory_space<vmem>>) target(%dma_start3A_458 : memref<80x128xi32, #tpu.memory_space<hbm>>) target_semaphore(%run_scoped3A : memref<!tpu.dma_semaphore, #tpu.memory_space<semaphore_mem>>)
      %dma_wait3A_459 = arith.constant 0 : i32
      %dma_wait3A_460 = tpu.memref_slice %arg5[%add3A_451, %dma_wait3A_459] : memref<320000x128xi32, #tpu.memory_space<hbm>> -> memref<80x128xi32, #tpu.memory_space<hbm>>
      %dma_wait3A_461 = arith.constant 0 : i32
      %dma_wait3A_462 = tpu.memref_slice %arg5[%add3A_451, %dma_wait3A_461] : memref<320000x128xi32, #tpu.memory_space<hbm>> -> memref<80x128xi32, #tpu.memory_space<hbm>>
      tpu.wait_dma2 semaphore(%run_scoped3A : memref<!tpu.dma_semaphore, #tpu.memory_space<semaphore_mem>>) src(%arg8 : memref<80x128xi32, #tpu.memory_space<vmem>>) dst(%dma_wait3A_462 : memref<80x128xi32, #tpu.memory_space<hbm>>)
      tpu.yield
    }) : () -> ()
    %add3A_452 = arith.addi %multiple_of3A, %multiple_of3A_14 : i32
    %mul3A_453 = arith.constant 8 : i32
    %mul3A_454 = arith.muli %add3A_452, %mul3A_453 : i32
    "tpu.region"() ({
      %run_scoped3A = tpu.sem_alloc : memref<!tpu.dma_semaphore, #tpu.memory_space<semaphore_mem>>
      %dma_start3A_455 = tpu.memref_slice %arg6[%mul3A_454] : memref<2560000xi32, #tpu.memory_space<hbm>> -> memref<640xi32, #tpu.memory_space<hbm>>
      %dma_start3A_456 = tpu.memref_slice %arg6[%mul3A_454] : memref<2560000xi32, #tpu.memory_space<hbm>> -> memref<640xi32, #tpu.memory_space<hbm>>
      tpu.enqueue_dma source(%arg10 : memref<640xi32, #tpu.memory_space<vmem>>) target(%dma_start3A_456 : memref<640xi32, #tpu.memory_space<hbm>>) target_semaphore(%run_scoped3A : memref<!tpu.dma_semaphore, #tpu.memory_space<semaphore_mem>>)
      %dma_wait3A_457 = tpu.memref_slice %arg6[%mul3A_454] : memref<2560000xi32, #tpu.memory_space<hbm>> -> memref<640xi32, #tpu.memory_space<hbm>>
      %dma_wait3A_458 = tpu.memref_slice %arg6[%mul3A_454] : memref<2560000xi32, #tpu.memory_space<hbm>> -> memref<640xi32, #tpu.memory_space<hbm>>
      tpu.wait_dma2 semaphore(%run_scoped3A : memref<!tpu.dma_semaphore, #tpu.memory_space<semaphore_mem>>) src(%arg10 : memref<640xi32, #tpu.memory_space<vmem>>) dst(%dma_wait3A_458 : memref<640xi32, #tpu.memory_space<hbm>>)
      tpu.yield
    }) : () -> ()
    return
  }
}

module attributes {stable_mosaic.version = 14 : i64} {
  func.func @_qproj_body(%arg0: i32, %arg1: memref<1000x128xf32, #tpu.memory_space<vmem>>, %arg2: memref<128x272xf32, #tpu.memory_space<vmem>>, %arg3: memref<1000x128xi32, #tpu.memory_space<vmem>>, %arg4: memref<1000x8xi32, #tpu.memory_space<vmem>>) attributes {dimension_semantics = [#tpu.dimension_semantics<arbitrary>], iteration_bounds = array<i64: 10>, scalar_prefetch = 0 : i64, scratch_operands = 0 : i64, tpu.core_type = #tpu.core_type<tc>, window_params = [{transform_indices = @transform_0, window_bounds = array<i64: 1000, 128>}, {pipeline_mode = #tpu.pipeline_mode<synchronous>, transform_indices = @transform_1, window_bounds = array<i64: 128, 272>}, {transform_indices = @transform_2, window_bounds = array<i64: 1000, 128>}, {transform_indices = @transform_3, window_bounds = array<i64: 1000, 8>}]} {
    %get3A = arith.constant 0 : index
    %get3A_0 = arith.constant 0 : index
    %get3A_1 = vector.load %arg1[%get3A, %get3A_0] : memref<1000x128xf32, #tpu.memory_space<vmem>>, vector<1000x128xf32>
    %get3A_2 = arith.constant 0 : index
    %get3A_3 = arith.constant 0 : index
    %get3A_4 = vector.load %arg2[%get3A_2, %get3A_3] : memref<128x272xf32, #tpu.memory_space<vmem>>, vector<128x272xf32>
    %dot_general3A = arith.constant dense<0.000000e+00> : vector<1000x272xf32>
    %dot_general3A_5 = tpu.matmul %get3A_1, %get3A_4, %dot_general3A {dimension_numbers = #tpu.dot_dimension_numbers<[1], [0], [0], [1], [0, 0, 1, 1], [], []>, transpose_lhs_hint = false} : vector<1000x128xf32>, vector<128x272xf32>, vector<1000x272xf32> -> vector<1000x272xf32>
    %convert_element_type3A = arith.truncf %dot_general3A_5 : vector<1000x272xf32> to vector<1000x272xbf16>
    %convert_element_type3A_6 = arith.extf %convert_element_type3A : vector<1000x272xbf16> to vector<1000x272xf32>
    %slice3A = vector.extract_strided_slice %convert_element_type3A_6 {offsets = [0, 0], sizes = [1000, 128], strides = [1, 1]} : vector<1000x272xf32> to vector<1000x128xf32>
    %slice3A_7 = vector.extract_strided_slice %convert_element_type3A_6 {offsets = [0, 128], sizes = [1000, 128], strides = [1, 1]} : vector<1000x272xf32> to vector<1000x128xf32>
    %bitcast_convert_type3A = tpu.bitcast %slice3A : vector<1000x128xf32> -> vector<1000x128xi32>
    %shift_right_logical3A = arith.constant 16 : i32
    %shift_right_logical3A_8 = vector.broadcast %shift_right_logical3A : i32 to vector<1000x128xi32>
    %shift_right_logical3A_9 = arith.shrui %bitcast_convert_type3A, %shift_right_logical3A_8 : vector<1000x128xi32>
    %bitcast_convert_type3A_10 = tpu.bitcast %slice3A_7 : vector<1000x128xf32> -> vector<1000x128xi32>
    %and3A = arith.constant -65536 : i32
    %and3A_11 = vector.broadcast %and3A : i32 to vector<1000x128xi32>
    %and3A_12 = arith.andi %bitcast_convert_type3A_10, %and3A_11 : vector<1000x128xi32>
    %or3A = arith.ori %shift_right_logical3A_9, %and3A_12 : vector<1000x128xi32>
    %swap3A = arith.constant 0 : index
    %swap3A_13 = arith.constant 0 : index
    %swap3A_14 = vector.load %arg3[%swap3A, %swap3A_13] : memref<1000x128xi32, #tpu.memory_space<vmem>>, vector<1000x128xi32>
    tpu.vector_store %arg3[%swap3A, %swap3A_13], %or3A {strides = array<i32>} : memref<1000x128xi32, #tpu.memory_space<vmem>>, vector<1000x128xi32>,
    %slice3A_15 = vector.extract_strided_slice %convert_element_type3A_6 {offsets = [0, 256], sizes = [1000, 8], strides = [1, 1]} : vector<1000x272xf32> to vector<1000x8xf32>
    %slice3A_16 = vector.extract_strided_slice %convert_element_type3A_6 {offsets = [0, 264], sizes = [1000, 8], strides = [1, 1]} : vector<1000x272xf32> to vector<1000x8xf32>
    %bitcast_convert_type3A_17 = tpu.bitcast %slice3A_15 : vector<1000x8xf32> -> vector<1000x8xi32>
    %shift_right_logical3A_18 = arith.constant 16 : i32
    %shift_right_logical3A_19 = vector.broadcast %shift_right_logical3A_18 : i32 to vector<1000x8xi32>
    %shift_right_logical3A_20 = arith.shrui %bitcast_convert_type3A_17, %shift_right_logical3A_19 : vector<1000x8xi32>
    %bitcast_convert_type3A_21 = tpu.bitcast %slice3A_16 : vector<1000x8xf32> -> vector<1000x8xi32>
    %and3A_22 = arith.constant -65536 : i32
    %and3A_23 = vector.broadcast %and3A_22 : i32 to vector<1000x8xi32>
    %and3A_24 = arith.andi %bitcast_convert_type3A_21, %and3A_23 : vector<1000x8xi32>
    %or3A_25 = arith.ori %shift_right_logical3A_20, %and3A_24 : vector<1000x8xi32>
    %swap3A_26 = arith.constant 0 : index
    %swap3A_27 = arith.constant 0 : index
    %swap3A_28 = vector.load %arg4[%swap3A_26, %swap3A_27] : memref<1000x8xi32, #tpu.memory_space<vmem>>, vector<1000x8xi32>
    tpu.vector_store %arg4[%swap3A_26, %swap3A_27], %or3A_25 {strides = array<i32>} : memref<1000x8xi32, #tpu.memory_space<vmem>>, vector<1000x8xi32>,
    return
  }
  func.func @transform_0(%arg0: i32) -> (i32, i32) {
    %c0_i32 = arith.constant 0 : i32
    %c0_i32_0 = arith.constant 0 : i32
    return %arg0, %c0_i32 : i32, i32
  }
  func.func @transform_1(%arg0: i32) -> (i32, i32) {
    %c0_i32 = arith.constant 0 : i32
    %c0_i32_0 = arith.constant 0 : i32
    %c0_i32_1 = arith.constant 0 : i32
    return %c0_i32, %c0_i32_0 : i32, i32
  }
  func.func @transform_2(%arg0: i32) -> (i32, i32) {
    %c0_i32 = arith.constant 0 : i32
    %c0_i32_0 = arith.constant 0 : i32
    return %arg0, %c0_i32 : i32, i32
  }
  func.func @transform_3(%arg0: i32) -> (i32, i32) {
    %c0_i32 = arith.constant 0 : i32
    %c0_i32_0 = arith.constant 0 : i32
    return %arg0, %c0_i32 : i32, i32
  }
}

module attributes {stable_mosaic.version = 14 : i64} {
  func.func @_mm_stats_body(%arg0: i32, %arg1: memref<200x128xf32, #tpu.memory_space<vmem>>, %arg2: memref<32x200x128xi32, #tpu.memory_space<vmem>>, %arg3: memref<32x200x8xi32, #tpu.memory_space<vmem>>, %arg4: memref<32x200x16xf32, #tpu.memory_space<vmem>>, %arg5: memref<128x272xf32, #tpu.memory_space<vmem>>, %arg6: memref<16x272xf32, #tpu.memory_space<vmem>>, %arg7: memref<1x272xf32, #tpu.memory_space<vmem>>, %arg8: memref<1x272xf32, #tpu.memory_space<vmem>>, %arg9: memref<1x272xf32, #tpu.memory_space<vmem>>) attributes {dimension_semantics = [#tpu.dimension_semantics<arbitrary>], iteration_bounds = array<i64: 50>, scalar_prefetch = 0 : i64, scratch_operands = 0 : i64, tpu.core_type = #tpu.core_type<tc>, window_params = [{transform_indices = @transform_0, window_bounds = array<i64: 200, 128>}, {transform_indices = @transform_1, window_bounds = array<i64: 32, 200, 128>}, {transform_indices = @transform_2, window_bounds = array<i64: 32, 200, 8>}, {transform_indices = @transform_3, window_bounds = array<i64: 32, 200, 16>}, {pipeline_mode = #tpu.pipeline_mode<synchronous>, transform_indices = @transform_4, window_bounds = array<i64: 128, 272>}, {pipeline_mode = #tpu.pipeline_mode<synchronous>, transform_indices = @transform_5, window_bounds = array<i64: 16, 272>}, {pipeline_mode = #tpu.pipeline_mode<synchronous>, transform_indices = @transform_6, window_bounds = array<i64: 1, 272>}, {pipeline_mode = #tpu.pipeline_mode<synchronous>, transform_indices = @transform_7, window_bounds = array<i64: 1, 272>}, {pipeline_mode = #tpu.pipeline_mode<synchronous>, transform_indices = @transform_8, window_bounds = array<i64: 1, 272>}]} {
    %get3A = arith.constant 0 : index
    %get3A_0 = arith.constant 0 : index
    %get3A_1 = vector.load %arg1[%get3A, %get3A_0] : memref<200x128xf32, #tpu.memory_space<vmem>>, vector<200x128xf32>
    %get3A_2 = arith.constant 0 : index
    %get3A_3 = arith.constant 0 : index
    %get3A_4 = vector.load %arg5[%get3A_2, %get3A_3] : memref<128x272xf32, #tpu.memory_space<vmem>>, vector<128x272xf32>
    %dot_general3A = arith.constant dense<0.000000e+00> : vector<200x272xf32>
    %dot_general3A_5 = tpu.matmul %get3A_1, %get3A_4, %dot_general3A {dimension_numbers = #tpu.dot_dimension_numbers<[1], [0], [0], [1], [0, 0, 1, 1], [], []>, transpose_lhs_hint = false} : vector<200x128xf32>, vector<128x272xf32>, vector<200x272xf32> -> vector<200x272xf32>
    %get3A_6 = arith.constant 0 : index
    %get3A_7 = arith.constant 0 : index
    %get3A_8 = vector.load %arg7[%get3A_6, %get3A_7] : memref<1x272xf32, #tpu.memory_space<vmem>>, vector<1x272xf32>
    %add3A = vector.broadcast %get3A_8 : vector<1x272xf32> to vector<200x272xf32>
    %add3A_9 = arith.addf %dot_general3A_5, %add3A : vector<200x272xf32>
    %get3A_10 = arith.constant 0 : index
    %get3A_11 = arith.constant 0 : index
    %get3A_12 = arith.constant 0 : index
    %get3A_13 = vector.load %arg4[%get3A_10, %get3A_11, %get3A_12] : memref<32x200x16xf32, #tpu.memory_space<vmem>>, vector<32x200x16xf32>
    %reshape3A = vector.shape_cast %get3A_13 : vector<32x200x16xf32> to vector<6400x16xf32>
    %get3A_14 = arith.constant 0 : index
    %get3A_15 = arith.constant 0 : index
    %get3A_16 = vector.load %arg6[%get3A_14, %get3A_15] : memref<16x272xf32, #tpu.memory_space<vmem>>, vector<16x272xf32>
    %dot_general3A_17 = arith.constant dense<0.000000e+00> : vector<6400x272xf32>
    %dot_general3A_18 = tpu.matmul %reshape3A, %get3A_16, %dot_general3A_17 {dimension_numbers = #tpu.dot_dimension_numbers<[1], [0], [0], [1], [0, 0, 1, 1], [], []>, transpose_lhs_hint = false} : vector<6400x16xf32>, vector<16x272xf32>, vector<6400x272xf32> -> vector<6400x272xf32>
    %get3A_19 = arith.constant 0 : index
    %get3A_20 = arith.constant 0 : index
    %get3A_21 = arith.constant 0 : index
    %get3A_22 = vector.load %arg2[%get3A_19, %get3A_20, %get3A_21] : memref<32x200x128xi32, #tpu.memory_space<vmem>>, vector<32x200x128xi32>
    %reshape3A_23 = vector.shape_cast %get3A_22 : vector<32x200x128xi32> to vector<6400x128xi32>
    %shift_left3A = arith.constant 16 : i32
    %shift_left3A_24 = vector.broadcast %shift_left3A : i32 to vector<6400x128xi32>
    %shift_left3A_25 = arith.shli %reshape3A_23, %shift_left3A_24 : vector<6400x128xi32>
    %bitcast_convert_type3A = tpu.bitcast %shift_left3A_25 : vector<6400x128xi32> -> vector<6400x128xf32>
    %and3A = arith.constant -65536 : i32
    %and3A_26 = vector.broadcast %and3A : i32 to vector<6400x128xi32>
    %and3A_27 = arith.andi %reshape3A_23, %and3A_26 : vector<6400x128xi32>
    %bitcast_convert_type3A_28 = tpu.bitcast %and3A_27 : vector<6400x128xi32> -> vector<6400x128xf32>
    %get3A_29 = arith.constant 0 : index
    %get3A_30 = arith.constant 0 : index
    %get3A_31 = arith.constant 0 : index
    %get3A_32 = vector.load %arg3[%get3A_29, %get3A_30, %get3A_31] : memref<32x200x8xi32, #tpu.memory_space<vmem>>, vector<32x200x8xi32>
    %reshape3A_33 = vector.shape_cast %get3A_32 : vector<32x200x8xi32> to vector<6400x8xi32>
    %shift_left3A_34 = arith.constant 16 : i32
    %shift_left3A_35 = vector.broadcast %shift_left3A_34 : i32 to vector<6400x8xi32>
    %shift_left3A_36 = arith.shli %reshape3A_33, %shift_left3A_35 : vector<6400x8xi32>
    %bitcast_convert_type3A_37 = tpu.bitcast %shift_left3A_36 : vector<6400x8xi32> -> vector<6400x8xf32>
    %and3A_38 = arith.constant -65536 : i32
    %and3A_39 = vector.broadcast %and3A_38 : i32 to vector<6400x8xi32>
    %and3A_40 = arith.andi %reshape3A_33, %and3A_39 : vector<6400x8xi32>
    %bitcast_convert_type3A_41 = tpu.bitcast %and3A_40 : vector<6400x8xi32> -> vector<6400x8xf32>
    %concatenate3A = tpu.concatenate %bitcast_convert_type3A_37, %bitcast_convert_type3A_41 in 1 : vector<6400x8xf32>, vector<6400x8xf32> -> vector<6400x16xf32>
    %slice3A = vector.extract_strided_slice %add3A_9 {offsets = [0, 0], sizes = [200, 128], strides = [1, 1]} : vector<200x272xf32> to vector<200x128xf32>
    %broadcast_in_dim3A = vector.shape_cast %slice3A : vector<200x128xf32> to vector<1x200x128xf32>
    %broadcast_in_dim3A_42 = vector.shape_cast %broadcast_in_dim3A : vector<1x200x128xf32> to vector<1x200x128xf32>
    %broadcast_in_dim3A_43 = vector.broadcast %broadcast_in_dim3A_42 : vector<1x200x128xf32> to vector<32x200x128xf32>
    %reshape3A_44 = vector.shape_cast %broadcast_in_dim3A_43 : vector<32x200x128xf32> to vector<6400x128xf32>
    %add3A_45 = arith.addf %reshape3A_44, %bitcast_convert_type3A : vector<6400x128xf32>
    %slice3A_46 = vector.extract_strided_slice %dot_general3A_18 {offsets = [0, 0], sizes = [6400, 128], strides = [1, 1]} : vector<6400x272xf32> to vector<6400x128xf32>
    %add3A_47 = arith.addf %add3A_45, %slice3A_46 : vector<6400x128xf32>
    %slice3A_48 = vector.extract_strided_slice %add3A_9 {offsets = [0, 128], sizes = [200, 128], strides = [1, 1]} : vector<200x272xf32> to vector<200x128xf32>
    %broadcast_in_dim3A_49 = vector.shape_cast %slice3A_48 : vector<200x128xf32> to vector<1x200x128xf32>
    %broadcast_in_dim3A_50 = vector.shape_cast %broadcast_in_dim3A_49 : vector<1x200x128xf32> to vector<1x200x128xf32>
    %broadcast_in_dim3A_51 = vector.broadcast %broadcast_in_dim3A_50 : vector<1x200x128xf32> to vector<32x200x128xf32>
    %reshape3A_52 = vector.shape_cast %broadcast_in_dim3A_51 : vector<32x200x128xf32> to vector<6400x128xf32>
    %add3A_53 = arith.addf %reshape3A_52, %bitcast_convert_type3A_28 : vector<6400x128xf32>
    %slice3A_54 = vector.extract_strided_slice %dot_general3A_18 {offsets = [0, 128], sizes = [6400, 128], strides = [1, 1]} : vector<6400x272xf32> to vector<6400x128xf32>
    %add3A_55 = arith.addf %add3A_53, %slice3A_54 : vector<6400x128xf32>
    %slice3A_56 = vector.extract_strided_slice %add3A_9 {offsets = [0, 256], sizes = [200, 16], strides = [1, 1]} : vector<200x272xf32> to vector<200x16xf32>
    %broadcast_in_dim3A_57 = vector.shape_cast %slice3A_56 : vector<200x16xf32> to vector<1x200x16xf32>
    %broadcast_in_dim3A_58 = vector.shape_cast %broadcast_in_dim3A_57 : vector<1x200x16xf32> to vector<1x200x16xf32>
    %broadcast_in_dim3A_59 = vector.broadcast %broadcast_in_dim3A_58 : vector<1x200x16xf32> to vector<32x200x16xf32>
    %reshape3A_60 = vector.shape_cast %broadcast_in_dim3A_59 : vector<32x200x16xf32> to vector<6400x16xf32>
    %add3A_61 = arith.addf %reshape3A_60, %concatenate3A : vector<6400x16xf32>
    %slice3A_62 = vector.extract_strided_slice %dot_general3A_18 {offsets = [0, 256], sizes = [6400, 16], strides = [1, 1]} : vector<6400x272xf32> to vector<6400x16xf32>
    %add3A_63 = arith.addf %add3A_61, %slice3A_62 : vector<6400x16xf32>
    %eq3A = arith.constant 0 : i32
    %eq3A_64 = arith.cmpi eq, %arg0, %eq3A : i32
    %convert_element_type3A = arith.extui %eq3A_64 : i1 to i32
    %cond3A = arith.constant 0 : i32
    %cond3A_65 = arith.cmpi ne, %convert_element_type3A, %cond3A : i32
    scf.if %cond3A_65 {
      %broadcast_in_dim3A_100 = arith.constant 0.000000e+00 : f32
      %broadcast_in_dim3A_101 = vector.broadcast %broadcast_in_dim3A_100 : f32 to vector<1x272xf32>
      %swap3A_102 = arith.constant 0 : index
      %swap3A_103 = arith.constant 0 : index
      %swap3A_104 = vector.load %arg8[%swap3A_102, %swap3A_103] : memref<1x272xf32, #tpu.memory_space<vmem>>, vector<1x272xf32>
      tpu.vector_store %arg8[%swap3A_102, %swap3A_103], %broadcast_in_dim3A_101 {strides = array<i32>} : memref<1x272xf32, #tpu.memory_space<vmem>>, vector<1x272xf32>,
      %broadcast_in_dim3A_105 = arith.constant 0.000000e+00 : f32
      %broadcast_in_dim3A_106 = vector.broadcast %broadcast_in_dim3A_105 : f32 to vector<1x272xf32>
      %swap3A_107 = arith.constant 0 : index
      %swap3A_108 = arith.constant 0 : index
      %swap3A_109 = vector.load %arg9[%swap3A_107, %swap3A_108] : memref<1x272xf32, #tpu.memory_space<vmem>>, vector<1x272xf32>
      tpu.vector_store %arg9[%swap3A_107, %swap3A_108], %broadcast_in_dim3A_106 {strides = array<i32>} : memref<1x272xf32, #tpu.memory_space<vmem>>, vector<1x272xf32>,
    } else {
    }
    %get3A_66 = arith.constant 0 : index
    %get3A_67 = arith.constant 0 : index
    %get3A_68 = vector.load %arg8[%get3A_66, %get3A_67] : memref<1x272xf32, #tpu.memory_space<vmem>>, vector<1x272xf32>
    %reduce_sum3A = arith.constant dense<0.000000e+00> : vector<128xf32>
    %reduce_sum3A_69 = vector.multi_reduction <add>, %add3A_47, %reduce_sum3A [0] : vector<6400x128xf32> to vector<128xf32>
    %broadcast_in_dim3A_70 = vector.shape_cast %reduce_sum3A_69 : vector<128xf32> to vector<1x128xf32>
    %reduce_sum3A_71 = arith.constant dense<0.000000e+00> : vector<128xf32>
    %reduce_sum3A_72 = vector.multi_reduction <add>, %add3A_55, %reduce_sum3A_71 [0] : vector<6400x128xf32> to vector<128xf32>
    %broadcast_in_dim3A_73 = vector.shape_cast %reduce_sum3A_72 : vector<128xf32> to vector<1x128xf32>
    %reduce_sum3A_74 = arith.constant dense<0.000000e+00> : vector<16xf32>
    %reduce_sum3A_75 = vector.multi_reduction <add>, %add3A_63, %reduce_sum3A_74 [0] : vector<6400x16xf32> to vector<16xf32>
    %broadcast_in_dim3A_76 = vector.shape_cast %reduce_sum3A_75 : vector<16xf32> to vector<1x16xf32>
    %concatenate3A_77 = tpu.concatenate %broadcast_in_dim3A_70, %broadcast_in_dim3A_73, %broadcast_in_dim3A_76 in 1 : vector<1x128xf32>, vector<1x128xf32>, vector<1x16xf32> -> vector<1x272xf32>
    %add3A_78 = arith.addf %get3A_68, %concatenate3A_77 : vector<1x272xf32>
    %swap3A = arith.constant 0 : index
    %swap3A_79 = arith.constant 0 : index
    %swap3A_80 = vector.load %arg8[%swap3A, %swap3A_79] : memref<1x272xf32, #tpu.memory_space<vmem>>, vector<1x272xf32>
    tpu.vector_store %arg8[%swap3A, %swap3A_79], %add3A_78 {strides = array<i32>} : memref<1x272xf32, #tpu.memory_space<vmem>>, vector<1x272xf32>,
    %get3A_81 = arith.constant 0 : index
    %get3A_82 = arith.constant 0 : index
    %get3A_83 = vector.load %arg9[%get3A_81, %get3A_82] : memref<1x272xf32, #tpu.memory_space<vmem>>, vector<1x272xf32>
    %mul3A = arith.mulf %add3A_47, %add3A_47 : vector<6400x128xf32>
    %reduce_sum3A_84 = arith.constant dense<0.000000e+00> : vector<128xf32>
    %reduce_sum3A_85 = vector.multi_reduction <add>, %mul3A, %reduce_sum3A_84 [0] : vector<6400x128xf32> to vector<128xf32>
    %broadcast_in_dim3A_86 = vector.shape_cast %reduce_sum3A_85 : vector<128xf32> to vector<1x128xf32>
    %mul3A_87 = arith.mulf %add3A_55, %add3A_55 : vector<6400x128xf32>
    %reduce_sum3A_88 = arith.constant dense<0.000000e+00> : vector<128xf32>
    %reduce_sum3A_89 = vector.multi_reduction <add>, %mul3A_87, %reduce_sum3A_88 [0] : vector<6400x128xf32> to vector<128xf32>
    %broadcast_in_dim3A_90 = vector.shape_cast %reduce_sum3A_89 : vector<128xf32> to vector<1x128xf32>
    %mul3A_91 = arith.mulf %add3A_63, %add3A_63 : vector<6400x16xf32>
    %reduce_sum3A_92 = arith.constant dense<0.000000e+00> : vector<16xf32>
    %reduce_sum3A_93 = vector.multi_reduction <add>, %mul3A_91, %reduce_sum3A_92 [0] : vector<6400x16xf32> to vector<16xf32>
    %broadcast_in_dim3A_94 = vector.shape_cast %reduce_sum3A_93 : vector<16xf32> to vector<1x16xf32>
    %concatenate3A_95 = tpu.concatenate %broadcast_in_dim3A_86, %broadcast_in_dim3A_90, %broadcast_in_dim3A_94 in 1 : vector<1x128xf32>, vector<1x128xf32>, vector<1x16xf32> -> vector<1x272xf32>
    %add3A_96 = arith.addf %get3A_83, %concatenate3A_95 : vector<1x272xf32>
    %swap3A_97 = arith.constant 0 : index
    %swap3A_98 = arith.constant 0 : index
    %swap3A_99 = vector.load %arg9[%swap3A_97, %swap3A_98] : memref<1x272xf32, #tpu.memory_space<vmem>>, vector<1x272xf32>
    tpu.vector_store %arg9[%swap3A_97, %swap3A_98], %add3A_96 {strides = array<i32>} : memref<1x272xf32, #tpu.memory_space<vmem>>, vector<1x272xf32>,
    return
  }
  func.func @transform_0(%arg0: i32) -> (i32, i32) {
    %c0_i32 = arith.constant 0 : i32
    %c0_i32_0 = arith.constant 0 : i32
    return %arg0, %c0_i32 : i32, i32
  }
  func.func @transform_1(%arg0: i32) -> (i32, i32, i32) {
    %c0_i32 = arith.constant 0 : i32
    %c0_i32_0 = arith.constant 0 : i32
    %c0_i32_1 = arith.constant 0 : i32
    return %c0_i32, %arg0, %c0_i32_0 : i32, i32, i32
  }
  func.func @transform_2(%arg0: i32) -> (i32, i32, i32) {
    %c0_i32 = arith.constant 0 : i32
    %c0_i32_0 = arith.constant 0 : i32
    %c0_i32_1 = arith.constant 0 : i32
    return %c0_i32, %arg0, %c0_i32_0 : i32, i32, i32
  }
  func.func @transform_3(%arg0: i32) -> (i32, i32, i32) {
    %c0_i32 = arith.constant 0 : i32
    %c0_i32_0 = arith.constant 0 : i32
    %c0_i32_1 = arith.constant 0 : i32
    return %c0_i32, %arg0, %c0_i32_0 : i32, i32, i32
  }
  func.func @transform_4(%arg0: i32) -> (i32, i32) {
    %c0_i32 = arith.constant 0 : i32
    %c0_i32_0 = arith.constant 0 : i32
    %c0_i32_1 = arith.constant 0 : i32
    return %c0_i32, %c0_i32_0 : i32, i32
  }
  func.func @transform_5(%arg0: i32) -> (i32, i32) {
    %c0_i32 = arith.constant 0 : i32
    %c0_i32_0 = arith.constant 0 : i32
    %c0_i32_1 = arith.constant 0 : i32
    return %c0_i32, %c0_i32_0 : i32, i32
  }
  func.func @transform_6(%arg0: i32) -> (i32, i32) {
    %c0_i32 = arith.constant 0 : i32
    %c0_i32_0 = arith.constant 0 : i32
    %c0_i32_1 = arith.constant 0 : i32
    return %c0_i32, %c0_i32_0 : i32, i32
  }
  func.func @transform_7(%arg0: i32) -> (i32, i32) {
    %c0_i32 = arith.constant 0 : i32
    %c0_i32_0 = arith.constant 0 : i32
    %c0_i32_1 = arith.constant 0 : i32
    return %c0_i32, %c0_i32_0 : i32, i32
  }
  func.func @transform_8(%arg0: i32) -> (i32, i32) {
    %c0_i32 = arith.constant 0 : i32
    %c0_i32_0 = arith.constant 0 : i32
    %c0_i32_1 = arith.constant 0 : i32
    return %c0_i32, %c0_i32_0 : i32, i32
  }
}

module attributes {stable_mosaic.version = 14 : i64} {
  func.func @_apply_body(%arg0: i32, %arg1: memref<200x128xf32, #tpu.memory_space<vmem>>, %arg2: memref<32x200x128xi32, #tpu.memory_space<vmem>>, %arg3: memref<32x200x8xi32, #tpu.memory_space<vmem>>, %arg4: memref<32x200x16xf32, #tpu.memory_space<vmem>>, %arg5: memref<128x272xf32, #tpu.memory_space<vmem>>, %arg6: memref<16x272xf32, #tpu.memory_space<vmem>>, %arg7: memref<1x272xf32, #tpu.memory_space<vmem>>, %arg8: memref<1x272xf32, #tpu.memory_space<vmem>>, %arg9: memref<1x272xf32, #tpu.memory_space<vmem>>, %arg10: memref<1x272xf32, #tpu.memory_space<vmem>>, %arg11: memref<1x272xf32, #tpu.memory_space<vmem>>, %arg12: memref<200x128xf32, #tpu.memory_space<vmem>>, %arg13: memref<32x200x16xf32, #tpu.memory_space<vmem>>, %arg14: memref<1x128xf32, #tpu.memory_space<vmem>>, %arg15: memref<1x128xf32, #tpu.memory_space<vmem>>) attributes {dimension_semantics = [#tpu.dimension_semantics<arbitrary>], iteration_bounds = array<i64: 50>, scalar_prefetch = 0 : i64, scratch_operands = 0 : i64, tpu.core_type = #tpu.core_type<tc>, window_params = [{transform_indices = @transform_0, window_bounds = array<i64: 200, 128>}, {transform_indices = @transform_1, window_bounds = array<i64: 32, 200, 128>}, {transform_indices = @transform_2, window_bounds = array<i64: 32, 200, 8>}, {transform_indices = @transform_3, window_bounds = array<i64: 32, 200, 16>}, {pipeline_mode = #tpu.pipeline_mode<synchronous>, transform_indices = @transform_4, window_bounds = array<i64: 128, 272>}, {pipeline_mode = #tpu.pipeline_mode<synchronous>, transform_indices = @transform_5, window_bounds = array<i64: 16, 272>}, {pipeline_mode = #tpu.pipeline_mode<synchronous>, transform_indices = @transform_6, window_bounds = array<i64: 1, 272>}, {pipeline_mode = #tpu.pipeline_mode<synchronous>, transform_indices = @transform_7, window_bounds = array<i64: 1, 272>}, {pipeline_mode = #tpu.pipeline_mode<synchronous>, transform_indices = @transform_8, window_bounds = array<i64: 1, 272>}, {pipeline_mode = #tpu.pipeline_mode<synchronous>, transform_indices = @transform_9, window_bounds = array<i64: 1, 272>}, {pipeline_mode = #tpu.pipeline_mode<synchronous>, transform_indices = @transform_10, window_bounds = array<i64: 1, 272>}, {transform_indices = @transform_11, window_bounds = array<i64: 200, 128>}, {transform_indices = @transform_12, window_bounds = array<i64: 32, 200, 16>}, {pipeline_mode = #tpu.pipeline_mode<synchronous>, transform_indices = @transform_13, window_bounds = array<i64: 1, 128>}, {pipeline_mode = #tpu.pipeline_mode<synchronous>, transform_indices = @transform_14, window_bounds = array<i64: 1, 128>}]} {
    %get3A = arith.constant 0 : index
    %get3A_0 = arith.constant 0 : index
    %get3A_1 = vector.load %arg1[%get3A, %get3A_0] : memref<200x128xf32, #tpu.memory_space<vmem>>, vector<200x128xf32>
    %get3A_2 = arith.constant 0 : index
    %get3A_3 = arith.constant 0 : index
    %get3A_4 = vector.load %arg5[%get3A_2, %get3A_3] : memref<128x272xf32, #tpu.memory_space<vmem>>, vector<128x272xf32>
    %dot_general3A = arith.constant dense<0.000000e+00> : vector<200x272xf32>
    %dot_general3A_5 = tpu.matmul %get3A_1, %get3A_4, %dot_general3A {dimension_numbers = #tpu.dot_dimension_numbers<[1], [0], [0], [1], [0, 0, 1, 1], [], []>, transpose_lhs_hint = false} : vector<200x128xf32>, vector<128x272xf32>, vector<200x272xf32> -> vector<200x272xf32>
    %get3A_6 = arith.constant 0 : index
    %get3A_7 = arith.constant 0 : index
    %get3A_8 = vector.load %arg7[%get3A_6, %get3A_7] : memref<1x272xf32, #tpu.memory_space<vmem>>, vector<1x272xf32>
    %add3A = vector.broadcast %get3A_8 : vector<1x272xf32> to vector<200x272xf32>
    %add3A_9 = arith.addf %dot_general3A_5, %add3A : vector<200x272xf32>
    %get3A_10 = arith.constant 0 : index
    %get3A_11 = arith.constant 0 : index
    %get3A_12 = arith.constant 0 : index
    %get3A_13 = vector.load %arg4[%get3A_10, %get3A_11, %get3A_12] : memref<32x200x16xf32, #tpu.memory_space<vmem>>, vector<32x200x16xf32>
    %reshape3A = vector.shape_cast %get3A_13 : vector<32x200x16xf32> to vector<6400x16xf32>
    %get3A_14 = arith.constant 0 : index
    %get3A_15 = arith.constant 0 : index
    %get3A_16 = vector.load %arg6[%get3A_14, %get3A_15] : memref<16x272xf32, #tpu.memory_space<vmem>>, vector<16x272xf32>
    %dot_general3A_17 = arith.constant dense<0.000000e+00> : vector<6400x272xf32>
    %dot_general3A_18 = tpu.matmul %reshape3A, %get3A_16, %dot_general3A_17 {dimension_numbers = #tpu.dot_dimension_numbers<[1], [0], [0], [1], [0, 0, 1, 1], [], []>, transpose_lhs_hint = false} : vector<6400x16xf32>, vector<16x272xf32>, vector<6400x272xf32> -> vector<6400x272xf32>
    %get3A_19 = arith.constant 0 : index
    %get3A_20 = arith.constant 0 : index
    %get3A_21 = arith.constant 0 : index
    %get3A_22 = vector.load %arg2[%get3A_19, %get3A_20, %get3A_21] : memref<32x200x128xi32, #tpu.memory_space<vmem>>, vector<32x200x128xi32>
    %reshape3A_23 = vector.shape_cast %get3A_22 : vector<32x200x128xi32> to vector<6400x128xi32>
    %shift_left3A = arith.constant 16 : i32
    %shift_left3A_24 = vector.broadcast %shift_left3A : i32 to vector<6400x128xi32>
    %shift_left3A_25 = arith.shli %reshape3A_23, %shift_left3A_24 : vector<6400x128xi32>
    %bitcast_convert_type3A = tpu.bitcast %shift_left3A_25 : vector<6400x128xi32> -> vector<6400x128xf32>
    %and3A = arith.constant -65536 : i32
    %and3A_26 = vector.broadcast %and3A : i32 to vector<6400x128xi32>
    %and3A_27 = arith.andi %reshape3A_23, %and3A_26 : vector<6400x128xi32>
    %bitcast_convert_type3A_28 = tpu.bitcast %and3A_27 : vector<6400x128xi32> -> vector<6400x128xf32>
    %get3A_29 = arith.constant 0 : index
    %get3A_30 = arith.constant 0 : index
    %get3A_31 = arith.constant 0 : index
    %get3A_32 = vector.load %arg3[%get3A_29, %get3A_30, %get3A_31] : memref<32x200x8xi32, #tpu.memory_space<vmem>>, vector<32x200x8xi32>
    %reshape3A_33 = vector.shape_cast %get3A_32 : vector<32x200x8xi32> to vector<6400x8xi32>
    %shift_left3A_34 = arith.constant 16 : i32
    %shift_left3A_35 = vector.broadcast %shift_left3A_34 : i32 to vector<6400x8xi32>
    %shift_left3A_36 = arith.shli %reshape3A_33, %shift_left3A_35 : vector<6400x8xi32>
    %bitcast_convert_type3A_37 = tpu.bitcast %shift_left3A_36 : vector<6400x8xi32> -> vector<6400x8xf32>
    %and3A_38 = arith.constant -65536 : i32
    %and3A_39 = vector.broadcast %and3A_38 : i32 to vector<6400x8xi32>
    %and3A_40 = arith.andi %reshape3A_33, %and3A_39 : vector<6400x8xi32>
    %bitcast_convert_type3A_41 = tpu.bitcast %and3A_40 : vector<6400x8xi32> -> vector<6400x8xf32>
    %concatenate3A = tpu.concatenate %bitcast_convert_type3A_37, %bitcast_convert_type3A_41 in 1 : vector<6400x8xf32>, vector<6400x8xf32> -> vector<6400x16xf32>
    %slice3A = vector.extract_strided_slice %add3A_9 {offsets = [0, 0], sizes = [200, 128], strides = [1, 1]} : vector<200x272xf32> to vector<200x128xf32>
    %broadcast_in_dim3A = vector.shape_cast %slice3A : vector<200x128xf32> to vector<1x200x128xf32>
    %broadcast_in_dim3A_42 = vector.shape_cast %broadcast_in_dim3A : vector<1x200x128xf32> to vector<1x200x128xf32>
    %broadcast_in_dim3A_43 = vector.broadcast %broadcast_in_dim3A_42 : vector<1x200x128xf32> to vector<32x200x128xf32>
    %reshape3A_44 = vector.shape_cast %broadcast_in_dim3A_43 : vector<32x200x128xf32> to vector<6400x128xf32>
    %add3A_45 = arith.addf %reshape3A_44, %bitcast_convert_type3A : vector<6400x128xf32>
    %slice3A_46 = vector.extract_strided_slice %dot_general3A_18 {offsets = [0, 0], sizes = [6400, 128], strides = [1, 1]} : vector<6400x272xf32> to vector<6400x128xf32>
    %add3A_47 = arith.addf %add3A_45, %slice3A_46 : vector<6400x128xf32>
    %slice3A_48 = vector.extract_strided_slice %add3A_9 {offsets = [0, 128], sizes = [200, 128], strides = [1, 1]} : vector<200x272xf32> to vector<200x128xf32>
    %broadcast_in_dim3A_49 = vector.shape_cast %slice3A_48 : vector<200x128xf32> to vector<1x200x128xf32>
    %broadcast_in_dim3A_50 = vector.shape_cast %broadcast_in_dim3A_49 : vector<1x200x128xf32> to vector<1x200x128xf32>
    %broadcast_in_dim3A_51 = vector.broadcast %broadcast_in_dim3A_50 : vector<1x200x128xf32> to vector<32x200x128xf32>
    %reshape3A_52 = vector.shape_cast %broadcast_in_dim3A_51 : vector<32x200x128xf32> to vector<6400x128xf32>
    %add3A_53 = arith.addf %reshape3A_52, %bitcast_convert_type3A_28 : vector<6400x128xf32>
    %slice3A_54 = vector.extract_strided_slice %dot_general3A_18 {offsets = [0, 128], sizes = [6400, 128], strides = [1, 1]} : vector<6400x272xf32> to vector<6400x128xf32>
    %add3A_55 = arith.addf %add3A_53, %slice3A_54 : vector<6400x128xf32>
    %slice3A_56 = vector.extract_strided_slice %add3A_9 {offsets = [0, 256], sizes = [200, 16], strides = [1, 1]} : vector<200x272xf32> to vector<200x16xf32>
    %broadcast_in_dim3A_57 = vector.shape_cast %slice3A_56 : vector<200x16xf32> to vector<1x200x16xf32>
    %broadcast_in_dim3A_58 = vector.shape_cast %broadcast_in_dim3A_57 : vector<1x200x16xf32> to vector<1x200x16xf32>
    %broadcast_in_dim3A_59 = vector.broadcast %broadcast_in_dim3A_58 : vector<1x200x16xf32> to vector<32x200x16xf32>
    %reshape3A_60 = vector.shape_cast %broadcast_in_dim3A_59 : vector<32x200x16xf32> to vector<6400x16xf32>
    %add3A_61 = arith.addf %reshape3A_60, %concatenate3A : vector<6400x16xf32>
    %slice3A_62 = vector.extract_strided_slice %dot_general3A_18 {offsets = [0, 256], sizes = [6400, 16], strides = [1, 1]} : vector<6400x272xf32> to vector<6400x16xf32>
    %add3A_63 = arith.addf %add3A_61, %slice3A_62 : vector<6400x16xf32>
    %get3A_64 = arith.constant 0 : index
    %get3A_65 = arith.constant 0 : index
    %get3A_66 = vector.load %arg8[%get3A_64, %get3A_65] : memref<1x272xf32, #tpu.memory_space<vmem>>, vector<1x272xf32>
    %div3A = arith.constant 3.200000e+05 : f32
    %div3A_67 = vector.broadcast %div3A : f32 to vector<1x272xf32>
    %div3A_68 = arith.divf %get3A_66, %div3A_67 : vector<1x272xf32>
    %get3A_69 = arith.constant 0 : index
    %get3A_70 = arith.constant 0 : index
    %get3A_71 = vector.load %arg9[%get3A_69, %get3A_70] : memref<1x272xf32, #tpu.memory_space<vmem>>, vector<1x272xf32>
    %div3A_72 = arith.constant 3.200000e+05 : f32
    %div3A_73 = vector.broadcast %div3A_72 : f32 to vector<1x272xf32>
    %div3A_74 = arith.divf %get3A_71, %div3A_73 : vector<1x272xf32>
    %mul3A = arith.mulf %div3A_68, %div3A_68 : vector<1x272xf32>
    %sub3A = arith.subf %div3A_74, %mul3A : vector<1x272xf32>
    %get3A_75 = arith.constant 0 : index
    %get3A_76 = arith.constant 0 : index
    %get3A_77 = vector.load %arg10[%get3A_75, %get3A_76] : memref<1x272xf32, #tpu.memory_space<vmem>>, vector<1x272xf32>
    %add3A_78 = arith.constant 9.99999974E-6 : f32
    %add3A_79 = vector.broadcast %add3A_78 : f32 to vector<1x272xf32>
    %add3A_80 = arith.addf %sub3A, %add3A_79 : vector<1x272xf32>
    %rsqrt3A = math.rsqrt %add3A_80 : vector<1x272xf32>
    %mul3A_81 = arith.mulf %get3A_77, %rsqrt3A : vector<1x272xf32>
    %get3A_82 = arith.constant 0 : index
    %get3A_83 = arith.constant 0 : index
    %get3A_84 = vector.load %arg11[%get3A_82, %get3A_83] : memref<1x272xf32, #tpu.memory_space<vmem>>, vector<1x272xf32>
    %mul3A_85 = arith.mulf %div3A_68, %mul3A_81 : vector<1x272xf32>
    %sub3A_86 = arith.subf %get3A_84, %mul3A_85 : vector<1x272xf32>
    %slice3A_87 = vector.extract_strided_slice %mul3A_81 {offsets = [0, 0], sizes = [1, 128], strides = [1, 1]} : vector<1x272xf32> to vector<1x128xf32>
    %mul3A_88 = vector.broadcast %slice3A_87 : vector<1x128xf32> to vector<6400x128xf32>
    %mul3A_89 = arith.mulf %add3A_47, %mul3A_88 : vector<6400x128xf32>
    %slice3A_90 = vector.extract_strided_slice %sub3A_86 {offsets = [0, 0], sizes = [1, 128], strides = [1, 1]} : vector<1x272xf32> to vector<1x128xf32>
    %add3A_91 = vector.broadcast %slice3A_90 : vector<1x128xf32> to vector<6400x128xf32>
    %add3A_92 = arith.addf %mul3A_89, %add3A_91 : vector<6400x128xf32>
    %reshape3A_93 = vector.shape_cast %add3A_92 : vector<6400x128xf32> to vector<32x200x128xf32>
    %slice3A_94 = vector.extract_strided_slice %mul3A_81 {offsets = [0, 128], sizes = [1, 128], strides = [1, 1]} : vector<1x272xf32> to vector<1x128xf32>
    %mul3A_95 = vector.broadcast %slice3A_94 : vector<1x128xf32> to vector<6400x128xf32>
    %mul3A_96 = arith.mulf %add3A_55, %mul3A_95 : vector<6400x128xf32>
    %slice3A_97 = vector.extract_strided_slice %sub3A_86 {offsets = [0, 128], sizes = [1, 128], strides = [1, 1]} : vector<1x272xf32> to vector<1x128xf32>
    %add3A_98 = vector.broadcast %slice3A_97 : vector<1x128xf32> to vector<6400x128xf32>
    %add3A_99 = arith.addf %mul3A_96, %add3A_98 : vector<6400x128xf32>
    %reshape3A_100 = vector.shape_cast %add3A_99 : vector<6400x128xf32> to vector<32x200x128xf32>
    %slice3A_101 = vector.extract_strided_slice %mul3A_81 {offsets = [0, 256], sizes = [1, 16], strides = [1, 1]} : vector<1x272xf32> to vector<1x16xf32>
    %mul3A_102 = vector.broadcast %slice3A_101 : vector<1x16xf32> to vector<6400x16xf32>
    %mul3A_103 = arith.mulf %add3A_63, %mul3A_102 : vector<6400x16xf32>
    %slice3A_104 = vector.extract_strided_slice %sub3A_86 {offsets = [0, 256], sizes = [1, 16], strides = [1, 1]} : vector<1x272xf32> to vector<1x16xf32>
    %add3A_105 = vector.broadcast %slice3A_104 : vector<1x16xf32> to vector<6400x16xf32>
    %add3A_106 = arith.addf %mul3A_103, %add3A_105 : vector<6400x16xf32>
    %reshape3A_107 = vector.shape_cast %add3A_106 : vector<6400x16xf32> to vector<32x200x16xf32>
    %slice3A_108 = vector.extract_strided_slice %reshape3A_93 {offsets = [0, 0, 0], sizes = [1, 200, 128], strides = [1, 1, 1]} : vector<32x200x128xf32> to vector<1x200x128xf32>
    %squeeze3A = vector.shape_cast %slice3A_108 : vector<1x200x128xf32> to vector<200x128xf32>
    %slice3A_109 = vector.extract_strided_slice %reshape3A_93 {offsets = [1, 0, 0], sizes = [1, 200, 128], strides = [1, 1, 1]} : vector<32x200x128xf32> to vector<1x200x128xf32>
    %squeeze3A_110 = vector.shape_cast %slice3A_109 : vector<1x200x128xf32> to vector<200x128xf32>
    %max3A = arith.maximumf %squeeze3A, %squeeze3A_110 : vector<200x128xf32>
    %slice3A_111 = vector.extract_strided_slice %reshape3A_93 {offsets = [2, 0, 0], sizes = [1, 200, 128], strides = [1, 1, 1]} : vector<32x200x128xf32> to vector<1x200x128xf32>
    %squeeze3A_112 = vector.shape_cast %slice3A_111 : vector<1x200x128xf32> to vector<200x128xf32>
    %max3A_113 = arith.maximumf %max3A, %squeeze3A_112 : vector<200x128xf32>
    %slice3A_114 = vector.extract_strided_slice %reshape3A_93 {offsets = [3, 0, 0], sizes = [1, 200, 128], strides = [1, 1, 1]} : vector<32x200x128xf32> to vector<1x200x128xf32>
    %squeeze3A_115 = vector.shape_cast %slice3A_114 : vector<1x200x128xf32> to vector<200x128xf32>
    %max3A_116 = arith.maximumf %max3A_113, %squeeze3A_115 : vector<200x128xf32>
    %slice3A_117 = vector.extract_strided_slice %reshape3A_93 {offsets = [4, 0, 0], sizes = [1, 200, 128], strides = [1, 1, 1]} : vector<32x200x128xf32> to vector<1x200x128xf32>
    %squeeze3A_118 = vector.shape_cast %slice3A_117 : vector<1x200x128xf32> to vector<200x128xf32>
    %max3A_119 = arith.maximumf %max3A_116, %squeeze3A_118 : vector<200x128xf32>
    %slice3A_120 = vector.extract_strided_slice %reshape3A_93 {offsets = [5, 0, 0], sizes = [1, 200, 128], strides = [1, 1, 1]} : vector<32x200x128xf32> to vector<1x200x128xf32>
    %squeeze3A_121 = vector.shape_cast %slice3A_120 : vector<1x200x128xf32> to vector<200x128xf32>
    %max3A_122 = arith.maximumf %max3A_119, %squeeze3A_121 : vector<200x128xf32>
    %slice3A_123 = vector.extract_strided_slice %reshape3A_93 {offsets = [6, 0, 0], sizes = [1, 200, 128], strides = [1, 1, 1]} : vector<32x200x128xf32> to vector<1x200x128xf32>
    %squeeze3A_124 = vector.shape_cast %slice3A_123 : vector<1x200x128xf32> to vector<200x128xf32>
    %max3A_125 = arith.maximumf %max3A_122, %squeeze3A_124 : vector<200x128xf32>
    %slice3A_126 = vector.extract_strided_slice %reshape3A_93 {offsets = [7, 0, 0], sizes = [1, 200, 128], strides = [1, 1, 1]} : vector<32x200x128xf32> to vector<1x200x128xf32>
    %squeeze3A_127 = vector.shape_cast %slice3A_126 : vector<1x200x128xf32> to vector<200x128xf32>
    %max3A_128 = arith.maximumf %max3A_125, %squeeze3A_127 : vector<200x128xf32>
    %slice3A_129 = vector.extract_strided_slice %reshape3A_93 {offsets = [8, 0, 0], sizes = [1, 200, 128], strides = [1, 1, 1]} : vector<32x200x128xf32> to vector<1x200x128xf32>
    %squeeze3A_130 = vector.shape_cast %slice3A_129 : vector<1x200x128xf32> to vector<200x128xf32>
    %max3A_131 = arith.maximumf %max3A_128, %squeeze3A_130 : vector<200x128xf32>
    %slice3A_132 = vector.extract_strided_slice %reshape3A_93 {offsets = [9, 0, 0], sizes = [1, 200, 128], strides = [1, 1, 1]} : vector<32x200x128xf32> to vector<1x200x128xf32>
    %squeeze3A_133 = vector.shape_cast %slice3A_132 : vector<1x200x128xf32> to vector<200x128xf32>
    %max3A_134 = arith.maximumf %max3A_131, %squeeze3A_133 : vector<200x128xf32>
    %slice3A_135 = vector.extract_strided_slice %reshape3A_93 {offsets = [10, 0, 0], sizes = [1, 200, 128], strides = [1, 1, 1]} : vector<32x200x128xf32> to vector<1x200x128xf32>
    %squeeze3A_136 = vector.shape_cast %slice3A_135 : vector<1x200x128xf32> to vector<200x128xf32>
    %max3A_137 = arith.maximumf %max3A_134, %squeeze3A_136 : vector<200x128xf32>
    %slice3A_138 = vector.extract_strided_slice %reshape3A_93 {offsets = [11, 0, 0], sizes = [1, 200, 128], strides = [1, 1, 1]} : vector<32x200x128xf32> to vector<1x200x128xf32>
    %squeeze3A_139 = vector.shape_cast %slice3A_138 : vector<1x200x128xf32> to vector<200x128xf32>
    %max3A_140 = arith.maximumf %max3A_137, %squeeze3A_139 : vector<200x128xf32>
    %slice3A_141 = vector.extract_strided_slice %reshape3A_93 {offsets = [12, 0, 0], sizes = [1, 200, 128], strides = [1, 1, 1]} : vector<32x200x128xf32> to vector<1x200x128xf32>
    %squeeze3A_142 = vector.shape_cast %slice3A_141 : vector<1x200x128xf32> to vector<200x128xf32>
    %max3A_143 = arith.maximumf %max3A_140, %squeeze3A_142 : vector<200x128xf32>
    %slice3A_144 = vector.extract_strided_slice %reshape3A_93 {offsets = [13, 0, 0], sizes = [1, 200, 128], strides = [1, 1, 1]} : vector<32x200x128xf32> to vector<1x200x128xf32>
    %squeeze3A_145 = vector.shape_cast %slice3A_144 : vector<1x200x128xf32> to vector<200x128xf32>
    %max3A_146 = arith.maximumf %max3A_143, %squeeze3A_145 : vector<200x128xf32>
    %slice3A_147 = vector.extract_strided_slice %reshape3A_93 {offsets = [14, 0, 0], sizes = [1, 200, 128], strides = [1, 1, 1]} : vector<32x200x128xf32> to vector<1x200x128xf32>
    %squeeze3A_148 = vector.shape_cast %slice3A_147 : vector<1x200x128xf32> to vector<200x128xf32>
    %max3A_149 = arith.maximumf %max3A_146, %squeeze3A_148 : vector<200x128xf32>
    %slice3A_150 = vector.extract_strided_slice %reshape3A_93 {offsets = [15, 0, 0], sizes = [1, 200, 128], strides = [1, 1, 1]} : vector<32x200x128xf32> to vector<1x200x128xf32>
    %squeeze3A_151 = vector.shape_cast %slice3A_150 : vector<1x200x128xf32> to vector<200x128xf32>
    %max3A_152 = arith.maximumf %max3A_149, %squeeze3A_151 : vector<200x128xf32>
    %slice3A_153 = vector.extract_strided_slice %reshape3A_93 {offsets = [16, 0, 0], sizes = [1, 200, 128], strides = [1, 1, 1]} : vector<32x200x128xf32> to vector<1x200x128xf32>
    %squeeze3A_154 = vector.shape_cast %slice3A_153 : vector<1x200x128xf32> to vector<200x128xf32>
    %max3A_155 = arith.maximumf %max3A_152, %squeeze3A_154 : vector<200x128xf32>
    %slice3A_156 = vector.extract_strided_slice %reshape3A_93 {offsets = [17, 0, 0], sizes = [1, 200, 128], strides = [1, 1, 1]} : vector<32x200x128xf32> to vector<1x200x128xf32>
    %squeeze3A_157 = vector.shape_cast %slice3A_156 : vector<1x200x128xf32> to vector<200x128xf32>
    %max3A_158 = arith.maximumf %max3A_155, %squeeze3A_157 : vector<200x128xf32>
    %slice3A_159 = vector.extract_strided_slice %reshape3A_93 {offsets = [18, 0, 0], sizes = [1, 200, 128], strides = [1, 1, 1]} : vector<32x200x128xf32> to vector<1x200x128xf32>
    %squeeze3A_160 = vector.shape_cast %slice3A_159 : vector<1x200x128xf32> to vector<200x128xf32>
    %max3A_161 = arith.maximumf %max3A_158, %squeeze3A_160 : vector<200x128xf32>
    %slice3A_162 = vector.extract_strided_slice %reshape3A_93 {offsets = [19, 0, 0], sizes = [1, 200, 128], strides = [1, 1, 1]} : vector<32x200x128xf32> to vector<1x200x128xf32>
    %squeeze3A_163 = vector.shape_cast %slice3A_162 : vector<1x200x128xf32> to vector<200x128xf32>
    %max3A_164 = arith.maximumf %max3A_161, %squeeze3A_163 : vector<200x128xf32>
    %slice3A_165 = vector.extract_strided_slice %reshape3A_93 {offsets = [20, 0, 0], sizes = [1, 200, 128], strides = [1, 1, 1]} : vector<32x200x128xf32> to vector<1x200x128xf32>
    %squeeze3A_166 = vector.shape_cast %slice3A_165 : vector<1x200x128xf32> to vector<200x128xf32>
    %max3A_167 = arith.maximumf %max3A_164, %squeeze3A_166 : vector<200x128xf32>
    %slice3A_168 = vector.extract_strided_slice %reshape3A_93 {offsets = [21, 0, 0], sizes = [1, 200, 128], strides = [1, 1, 1]} : vector<32x200x128xf32> to vector<1x200x128xf32>
    %squeeze3A_169 = vector.shape_cast %slice3A_168 : vector<1x200x128xf32> to vector<200x128xf32>
    %max3A_170 = arith.maximumf %max3A_167, %squeeze3A_169 : vector<200x128xf32>
    %slice3A_171 = vector.extract_strided_slice %reshape3A_93 {offsets = [22, 0, 0], sizes = [1, 200, 128], strides = [1, 1, 1]} : vector<32x200x128xf32> to vector<1x200x128xf32>
    %squeeze3A_172 = vector.shape_cast %slice3A_171 : vector<1x200x128xf32> to vector<200x128xf32>
    %max3A_173 = arith.maximumf %max3A_170, %squeeze3A_172 : vector<200x128xf32>
    %slice3A_174 = vector.extract_strided_slice %reshape3A_93 {offsets = [23, 0, 0], sizes = [1, 200, 128], strides = [1, 1, 1]} : vector<32x200x128xf32> to vector<1x200x128xf32>
    %squeeze3A_175 = vector.shape_cast %slice3A_174 : vector<1x200x128xf32> to vector<200x128xf32>
    %max3A_176 = arith.maximumf %max3A_173, %squeeze3A_175 : vector<200x128xf32>
    %slice3A_177 = vector.extract_strided_slice %reshape3A_93 {offsets = [24, 0, 0], sizes = [1, 200, 128], strides = [1, 1, 1]} : vector<32x200x128xf32> to vector<1x200x128xf32>
    %squeeze3A_178 = vector.shape_cast %slice3A_177 : vector<1x200x128xf32> to vector<200x128xf32>
    %max3A_179 = arith.maximumf %max3A_176, %squeeze3A_178 : vector<200x128xf32>
    %slice3A_180 = vector.extract_strided_slice %reshape3A_93 {offsets = [25, 0, 0], sizes = [1, 200, 128], strides = [1, 1, 1]} : vector<32x200x128xf32> to vector<1x200x128xf32>
    %squeeze3A_181 = vector.shape_cast %slice3A_180 : vector<1x200x128xf32> to vector<200x128xf32>
    %max3A_182 = arith.maximumf %max3A_179, %squeeze3A_181 : vector<200x128xf32>
    %slice3A_183 = vector.extract_strided_slice %reshape3A_93 {offsets = [26, 0, 0], sizes = [1, 200, 128], strides = [1, 1, 1]} : vector<32x200x128xf32> to vector<1x200x128xf32>
    %squeeze3A_184 = vector.shape_cast %slice3A_183 : vector<1x200x128xf32> to vector<200x128xf32>
    %max3A_185 = arith.maximumf %max3A_182, %squeeze3A_184 : vector<200x128xf32>
    %slice3A_186 = vector.extract_strided_slice %reshape3A_93 {offsets = [27, 0, 0], sizes = [1, 200, 128], strides = [1, 1, 1]} : vector<32x200x128xf32> to vector<1x200x128xf32>
    %squeeze3A_187 = vector.shape_cast %slice3A_186 : vector<1x200x128xf32> to vector<200x128xf32>
    %max3A_188 = arith.maximumf %max3A_185, %squeeze3A_187 : vector<200x128xf32>
    %slice3A_189 = vector.extract_strided_slice %reshape3A_93 {offsets = [28, 0, 0], sizes = [1, 200, 128], strides = [1, 1, 1]} : vector<32x200x128xf32> to vector<1x200x128xf32>
    %squeeze3A_190 = vector.shape_cast %slice3A_189 : vector<1x200x128xf32> to vector<200x128xf32>
    %max3A_191 = arith.maximumf %max3A_188, %squeeze3A_190 : vector<200x128xf32>
    %slice3A_192 = vector.extract_strided_slice %reshape3A_93 {offsets = [29, 0, 0], sizes = [1, 200, 128], strides = [1, 1, 1]} : vector<32x200x128xf32> to vector<1x200x128xf32>
    %squeeze3A_193 = vector.shape_cast %slice3A_192 : vector<1x200x128xf32> to vector<200x128xf32>
    %max3A_194 = arith.maximumf %max3A_191, %squeeze3A_193 : vector<200x128xf32>
    %slice3A_195 = vector.extract_strided_slice %reshape3A_93 {offsets = [30, 0, 0], sizes = [1, 200, 128], strides = [1, 1, 1]} : vector<32x200x128xf32> to vector<1x200x128xf32>
    %squeeze3A_196 = vector.shape_cast %slice3A_195 : vector<1x200x128xf32> to vector<200x128xf32>
    %max3A_197 = arith.maximumf %max3A_194, %squeeze3A_196 : vector<200x128xf32>
    %slice3A_198 = vector.extract_strided_slice %reshape3A_93 {offsets = [31, 0, 0], sizes = [1, 200, 128], strides = [1, 1, 1]} : vector<32x200x128xf32> to vector<1x200x128xf32>
    %squeeze3A_199 = vector.shape_cast %slice3A_198 : vector<1x200x128xf32> to vector<200x128xf32>
    %max3A_200 = arith.maximumf %max3A_197, %squeeze3A_199 : vector<200x128xf32>
    %broadcast_in_dim3A_201 = arith.constant 0.000000e+00 : f32
    %broadcast_in_dim3A_202 = vector.broadcast %broadcast_in_dim3A_201 : f32 to vector<200x128xf32>
    %broadcast_in_dim3A_203 = arith.constant 0.000000e+00 : f32
    %broadcast_in_dim3A_204 = vector.broadcast %broadcast_in_dim3A_203 : f32 to vector<200x128xf32>
    %slice3A_205 = vector.extract_strided_slice %reshape3A_93 {offsets = [0, 0, 0], sizes = [1, 200, 128], strides = [1, 1, 1]} : vector<32x200x128xf32> to vector<1x200x128xf32>
    %squeeze3A_206 = vector.shape_cast %slice3A_205 : vector<1x200x128xf32> to vector<200x128xf32>
    %sub3A_207 = arith.subf %squeeze3A_206, %max3A_200 : vector<200x128xf32>
    %exp3A = math.exp %sub3A_207 : vector<200x128xf32>
    %add3A_208 = arith.addf %broadcast_in_dim3A_202, %exp3A : vector<200x128xf32>
    %slice3A_209 = vector.extract_strided_slice %reshape3A_100 {offsets = [0, 0, 0], sizes = [1, 200, 128], strides = [1, 1, 1]} : vector<32x200x128xf32> to vector<1x200x128xf32>
    %squeeze3A_210 = vector.shape_cast %slice3A_209 : vector<1x200x128xf32> to vector<200x128xf32>
    %max3A_211 = arith.constant 0.000000e+00 : f32
    %max3A_212 = vector.broadcast %max3A_211 : f32 to vector<200x128xf32>
    %max3A_213 = arith.maximumf %squeeze3A_210, %max3A_212 : vector<200x128xf32>
    %mul3A_214 = arith.mulf %exp3A, %max3A_213 : vector<200x128xf32>
    %add3A_215 = arith.addf %broadcast_in_dim3A_204, %mul3A_214 : vector<200x128xf32>
    %slice3A_216 = vector.extract_strided_slice %reshape3A_93 {offsets = [1, 0, 0], sizes = [1, 200, 128], strides = [1, 1, 1]} : vector<32x200x128xf32> to vector<1x200x128xf32>
    %squeeze3A_217 = vector.shape_cast %slice3A_216 : vector<1x200x128xf32> to vector<200x128xf32>
    %sub3A_218 = arith.subf %squeeze3A_217, %max3A_200 : vector<200x128xf32>
    %exp3A_219 = math.exp %sub3A_218 : vector<200x128xf32>
    %add3A_220 = arith.addf %add3A_208, %exp3A_219 : vector<200x128xf32>
    %slice3A_221 = vector.extract_strided_slice %reshape3A_100 {offsets = [1, 0, 0], sizes = [1, 200, 128], strides = [1, 1, 1]} : vector<32x200x128xf32> to vector<1x200x128xf32>
    %squeeze3A_222 = vector.shape_cast %slice3A_221 : vector<1x200x128xf32> to vector<200x128xf32>
    %max3A_223 = arith.constant 0.000000e+00 : f32
    %max3A_224 = vector.broadcast %max3A_223 : f32 to vector<200x128xf32>
    %max3A_225 = arith.maximumf %squeeze3A_222, %max3A_224 : vector<200x128xf32>
    %mul3A_226 = arith.mulf %exp3A_219, %max3A_225 : vector<200x128xf32>
    %add3A_227 = arith.addf %add3A_215, %mul3A_226 : vector<200x128xf32>
    %slice3A_228 = vector.extract_strided_slice %reshape3A_93 {offsets = [2, 0, 0], sizes = [1, 200, 128], strides = [1, 1, 1]} : vector<32x200x128xf32> to vector<1x200x128xf32>
    %squeeze3A_229 = vector.shape_cast %slice3A_228 : vector<1x200x128xf32> to vector<200x128xf32>
    %sub3A_230 = arith.subf %squeeze3A_229, %max3A_200 : vector<200x128xf32>
    %exp3A_231 = math.exp %sub3A_230 : vector<200x128xf32>
    %add3A_232 = arith.addf %add3A_220, %exp3A_231 : vector<200x128xf32>
    %slice3A_233 = vector.extract_strided_slice %reshape3A_100 {offsets = [2, 0, 0], sizes = [1, 200, 128], strides = [1, 1, 1]} : vector<32x200x128xf32> to vector<1x200x128xf32>
    %squeeze3A_234 = vector.shape_cast %slice3A_233 : vector<1x200x128xf32> to vector<200x128xf32>
    %max3A_235 = arith.constant 0.000000e+00 : f32
    %max3A_236 = vector.broadcast %max3A_235 : f32 to vector<200x128xf32>
    %max3A_237 = arith.maximumf %squeeze3A_234, %max3A_236 : vector<200x128xf32>
    %mul3A_238 = arith.mulf %exp3A_231, %max3A_237 : vector<200x128xf32>
    %add3A_239 = arith.addf %add3A_227, %mul3A_238 : vector<200x128xf32>
    %slice3A_240 = vector.extract_strided_slice %reshape3A_93 {offsets = [3, 0, 0], sizes = [1, 200, 128], strides = [1, 1, 1]} : vector<32x200x128xf32> to vector<1x200x128xf32>
    %squeeze3A_241 = vector.shape_cast %slice3A_240 : vector<1x200x128xf32> to vector<200x128xf32>
    %sub3A_242 = arith.subf %squeeze3A_241, %max3A_200 : vector<200x128xf32>
    %exp3A_243 = math.exp %sub3A_242 : vector<200x128xf32>
    %add3A_244 = arith.addf %add3A_232, %exp3A_243 : vector<200x128xf32>
    %slice3A_245 = vector.extract_strided_slice %reshape3A_100 {offsets = [3, 0, 0], sizes = [1, 200, 128], strides = [1, 1, 1]} : vector<32x200x128xf32> to vector<1x200x128xf32>
    %squeeze3A_246 = vector.shape_cast %slice3A_245 : vector<1x200x128xf32> to vector<200x128xf32>
    %max3A_247 = arith.constant 0.000000e+00 : f32
    %max3A_248 = vector.broadcast %max3A_247 : f32 to vector<200x128xf32>
    %max3A_249 = arith.maximumf %squeeze3A_246, %max3A_248 : vector<200x128xf32>
    %mul3A_250 = arith.mulf %exp3A_243, %max3A_249 : vector<200x128xf32>
    %add3A_251 = arith.addf %add3A_239, %mul3A_250 : vector<200x128xf32>
    %slice3A_252 = vector.extract_strided_slice %reshape3A_93 {offsets = [4, 0, 0], sizes = [1, 200, 128], strides = [1, 1, 1]} : vector<32x200x128xf32> to vector<1x200x128xf32>
    %squeeze3A_253 = vector.shape_cast %slice3A_252 : vector<1x200x128xf32> to vector<200x128xf32>
    %sub3A_254 = arith.subf %squeeze3A_253, %max3A_200 : vector<200x128xf32>
    %exp3A_255 = math.exp %sub3A_254 : vector<200x128xf32>
    %add3A_256 = arith.addf %add3A_244, %exp3A_255 : vector<200x128xf32>
    %slice3A_257 = vector.extract_strided_slice %reshape3A_100 {offsets = [4, 0, 0], sizes = [1, 200, 128], strides = [1, 1, 1]} : vector<32x200x128xf32> to vector<1x200x128xf32>
    %squeeze3A_258 = vector.shape_cast %slice3A_257 : vector<1x200x128xf32> to vector<200x128xf32>
    %max3A_259 = arith.constant 0.000000e+00 : f32
    %max3A_260 = vector.broadcast %max3A_259 : f32 to vector<200x128xf32>
    %max3A_261 = arith.maximumf %squeeze3A_258, %max3A_260 : vector<200x128xf32>
    %mul3A_262 = arith.mulf %exp3A_255, %max3A_261 : vector<200x128xf32>
    %add3A_263 = arith.addf %add3A_251, %mul3A_262 : vector<200x128xf32>
    %slice3A_264 = vector.extract_strided_slice %reshape3A_93 {offsets = [5, 0, 0], sizes = [1, 200, 128], strides = [1, 1, 1]} : vector<32x200x128xf32> to vector<1x200x128xf32>
    %squeeze3A_265 = vector.shape_cast %slice3A_264 : vector<1x200x128xf32> to vector<200x128xf32>
    %sub3A_266 = arith.subf %squeeze3A_265, %max3A_200 : vector<200x128xf32>
    %exp3A_267 = math.exp %sub3A_266 : vector<200x128xf32>
    %add3A_268 = arith.addf %add3A_256, %exp3A_267 : vector<200x128xf32>
    %slice3A_269 = vector.extract_strided_slice %reshape3A_100 {offsets = [5, 0, 0], sizes = [1, 200, 128], strides = [1, 1, 1]} : vector<32x200x128xf32> to vector<1x200x128xf32>
    %squeeze3A_270 = vector.shape_cast %slice3A_269 : vector<1x200x128xf32> to vector<200x128xf32>
    %max3A_271 = arith.constant 0.000000e+00 : f32
    %max3A_272 = vector.broadcast %max3A_271 : f32 to vector<200x128xf32>
    %max3A_273 = arith.maximumf %squeeze3A_270, %max3A_272 : vector<200x128xf32>
    %mul3A_274 = arith.mulf %exp3A_267, %max3A_273 : vector<200x128xf32>
    %add3A_275 = arith.addf %add3A_263, %mul3A_274 : vector<200x128xf32>
    %slice3A_276 = vector.extract_strided_slice %reshape3A_93 {offsets = [6, 0, 0], sizes = [1, 200, 128], strides = [1, 1, 1]} : vector<32x200x128xf32> to vector<1x200x128xf32>
    %squeeze3A_277 = vector.shape_cast %slice3A_276 : vector<1x200x128xf32> to vector<200x128xf32>
    %sub3A_278 = arith.subf %squeeze3A_277, %max3A_200 : vector<200x128xf32>
    %exp3A_279 = math.exp %sub3A_278 : vector<200x128xf32>
    %add3A_280 = arith.addf %add3A_268, %exp3A_279 : vector<200x128xf32>
    %slice3A_281 = vector.extract_strided_slice %reshape3A_100 {offsets = [6, 0, 0], sizes = [1, 200, 128], strides = [1, 1, 1]} : vector<32x200x128xf32> to vector<1x200x128xf32>
    %squeeze3A_282 = vector.shape_cast %slice3A_281 : vector<1x200x128xf32> to vector<200x128xf32>
    %max3A_283 = arith.constant 0.000000e+00 : f32
    %max3A_284 = vector.broadcast %max3A_283 : f32 to vector<200x128xf32>
    %max3A_285 = arith.maximumf %squeeze3A_282, %max3A_284 : vector<200x128xf32>
    %mul3A_286 = arith.mulf %exp3A_279, %max3A_285 : vector<200x128xf32>
    %add3A_287 = arith.addf %add3A_275, %mul3A_286 : vector<200x128xf32>
    %slice3A_288 = vector.extract_strided_slice %reshape3A_93 {offsets = [7, 0, 0], sizes = [1, 200, 128], strides = [1, 1, 1]} : vector<32x200x128xf32> to vector<1x200x128xf32>
    %squeeze3A_289 = vector.shape_cast %slice3A_288 : vector<1x200x128xf32> to vector<200x128xf32>
    %sub3A_290 = arith.subf %squeeze3A_289, %max3A_200 : vector<200x128xf32>
    %exp3A_291 = math.exp %sub3A_290 : vector<200x128xf32>
    %add3A_292 = arith.addf %add3A_280, %exp3A_291 : vector<200x128xf32>
    %slice3A_293 = vector.extract_strided_slice %reshape3A_100 {offsets = [7, 0, 0], sizes = [1, 200, 128], strides = [1, 1, 1]} : vector<32x200x128xf32> to vector<1x200x128xf32>
    %squeeze3A_294 = vector.shape_cast %slice3A_293 : vector<1x200x128xf32> to vector<200x128xf32>
    %max3A_295 = arith.constant 0.000000e+00 : f32
    %max3A_296 = vector.broadcast %max3A_295 : f32 to vector<200x128xf32>
    %max3A_297 = arith.maximumf %squeeze3A_294, %max3A_296 : vector<200x128xf32>
    %mul3A_298 = arith.mulf %exp3A_291, %max3A_297 : vector<200x128xf32>
    %add3A_299 = arith.addf %add3A_287, %mul3A_298 : vector<200x128xf32>
    %slice3A_300 = vector.extract_strided_slice %reshape3A_93 {offsets = [8, 0, 0], sizes = [1, 200, 128], strides = [1, 1, 1]} : vector<32x200x128xf32> to vector<1x200x128xf32>
    %squeeze3A_301 = vector.shape_cast %slice3A_300 : vector<1x200x128xf32> to vector<200x128xf32>
    %sub3A_302 = arith.subf %squeeze3A_301, %max3A_200 : vector<200x128xf32>
    %exp3A_303 = math.exp %sub3A_302 : vector<200x128xf32>
    %add3A_304 = arith.addf %add3A_292, %exp3A_303 : vector<200x128xf32>
    %slice3A_305 = vector.extract_strided_slice %reshape3A_100 {offsets = [8, 0, 0], sizes = [1, 200, 128], strides = [1, 1, 1]} : vector<32x200x128xf32> to vector<1x200x128xf32>
    %squeeze3A_306 = vector.shape_cast %slice3A_305 : vector<1x200x128xf32> to vector<200x128xf32>
    %max3A_307 = arith.constant 0.000000e+00 : f32
    %max3A_308 = vector.broadcast %max3A_307 : f32 to vector<200x128xf32>
    %max3A_309 = arith.maximumf %squeeze3A_306, %max3A_308 : vector<200x128xf32>
    %mul3A_310 = arith.mulf %exp3A_303, %max3A_309 : vector<200x128xf32>
    %add3A_311 = arith.addf %add3A_299, %mul3A_310 : vector<200x128xf32>
    %slice3A_312 = vector.extract_strided_slice %reshape3A_93 {offsets = [9, 0, 0], sizes = [1, 200, 128], strides = [1, 1, 1]} : vector<32x200x128xf32> to vector<1x200x128xf32>
    %squeeze3A_313 = vector.shape_cast %slice3A_312 : vector<1x200x128xf32> to vector<200x128xf32>
    %sub3A_314 = arith.subf %squeeze3A_313, %max3A_200 : vector<200x128xf32>
    %exp3A_315 = math.exp %sub3A_314 : vector<200x128xf32>
    %add3A_316 = arith.addf %add3A_304, %exp3A_315 : vector<200x128xf32>
    %slice3A_317 = vector.extract_strided_slice %reshape3A_100 {offsets = [9, 0, 0], sizes = [1, 200, 128], strides = [1, 1, 1]} : vector<32x200x128xf32> to vector<1x200x128xf32>
    %squeeze3A_318 = vector.shape_cast %slice3A_317 : vector<1x200x128xf32> to vector<200x128xf32>
    %max3A_319 = arith.constant 0.000000e+00 : f32
    %max3A_320 = vector.broadcast %max3A_319 : f32 to vector<200x128xf32>
    %max3A_321 = arith.maximumf %squeeze3A_318, %max3A_320 : vector<200x128xf32>
    %mul3A_322 = arith.mulf %exp3A_315, %max3A_321 : vector<200x128xf32>
    %add3A_323 = arith.addf %add3A_311, %mul3A_322 : vector<200x128xf32>
    %slice3A_324 = vector.extract_strided_slice %reshape3A_93 {offsets = [10, 0, 0], sizes = [1, 200, 128], strides = [1, 1, 1]} : vector<32x200x128xf32> to vector<1x200x128xf32>
    %squeeze3A_325 = vector.shape_cast %slice3A_324 : vector<1x200x128xf32> to vector<200x128xf32>
    %sub3A_326 = arith.subf %squeeze3A_325, %max3A_200 : vector<200x128xf32>
    %exp3A_327 = math.exp %sub3A_326 : vector<200x128xf32>
    %add3A_328 = arith.addf %add3A_316, %exp3A_327 : vector<200x128xf32>
    %slice3A_329 = vector.extract_strided_slice %reshape3A_100 {offsets = [10, 0, 0], sizes = [1, 200, 128], strides = [1, 1, 1]} : vector<32x200x128xf32> to vector<1x200x128xf32>
    %squeeze3A_330 = vector.shape_cast %slice3A_329 : vector<1x200x128xf32> to vector<200x128xf32>
    %max3A_331 = arith.constant 0.000000e+00 : f32
    %max3A_332 = vector.broadcast %max3A_331 : f32 to vector<200x128xf32>
    %max3A_333 = arith.maximumf %squeeze3A_330, %max3A_332 : vector<200x128xf32>
    %mul3A_334 = arith.mulf %exp3A_327, %max3A_333 : vector<200x128xf32>
    %add3A_335 = arith.addf %add3A_323, %mul3A_334 : vector<200x128xf32>
    %slice3A_336 = vector.extract_strided_slice %reshape3A_93 {offsets = [11, 0, 0], sizes = [1, 200, 128], strides = [1, 1, 1]} : vector<32x200x128xf32> to vector<1x200x128xf32>
    %squeeze3A_337 = vector.shape_cast %slice3A_336 : vector<1x200x128xf32> to vector<200x128xf32>
    %sub3A_338 = arith.subf %squeeze3A_337, %max3A_200 : vector<200x128xf32>
    %exp3A_339 = math.exp %sub3A_338 : vector<200x128xf32>
    %add3A_340 = arith.addf %add3A_328, %exp3A_339 : vector<200x128xf32>
    %slice3A_341 = vector.extract_strided_slice %reshape3A_100 {offsets = [11, 0, 0], sizes = [1, 200, 128], strides = [1, 1, 1]} : vector<32x200x128xf32> to vector<1x200x128xf32>
    %squeeze3A_342 = vector.shape_cast %slice3A_341 : vector<1x200x128xf32> to vector<200x128xf32>
    %max3A_343 = arith.constant 0.000000e+00 : f32
    %max3A_344 = vector.broadcast %max3A_343 : f32 to vector<200x128xf32>
    %max3A_345 = arith.maximumf %squeeze3A_342, %max3A_344 : vector<200x128xf32>
    %mul3A_346 = arith.mulf %exp3A_339, %max3A_345 : vector<200x128xf32>
    %add3A_347 = arith.addf %add3A_335, %mul3A_346 : vector<200x128xf32>
    %slice3A_348 = vector.extract_strided_slice %reshape3A_93 {offsets = [12, 0, 0], sizes = [1, 200, 128], strides = [1, 1, 1]} : vector<32x200x128xf32> to vector<1x200x128xf32>
    %squeeze3A_349 = vector.shape_cast %slice3A_348 : vector<1x200x128xf32> to vector<200x128xf32>
    %sub3A_350 = arith.subf %squeeze3A_349, %max3A_200 : vector<200x128xf32>
    %exp3A_351 = math.exp %sub3A_350 : vector<200x128xf32>
    %add3A_352 = arith.addf %add3A_340, %exp3A_351 : vector<200x128xf32>
    %slice3A_353 = vector.extract_strided_slice %reshape3A_100 {offsets = [12, 0, 0], sizes = [1, 200, 128], strides = [1, 1, 1]} : vector<32x200x128xf32> to vector<1x200x128xf32>
    %squeeze3A_354 = vector.shape_cast %slice3A_353 : vector<1x200x128xf32> to vector<200x128xf32>
    %max3A_355 = arith.constant 0.000000e+00 : f32
    %max3A_356 = vector.broadcast %max3A_355 : f32 to vector<200x128xf32>
    %max3A_357 = arith.maximumf %squeeze3A_354, %max3A_356 : vector<200x128xf32>
    %mul3A_358 = arith.mulf %exp3A_351, %max3A_357 : vector<200x128xf32>
    %add3A_359 = arith.addf %add3A_347, %mul3A_358 : vector<200x128xf32>
    %slice3A_360 = vector.extract_strided_slice %reshape3A_93 {offsets = [13, 0, 0], sizes = [1, 200, 128], strides = [1, 1, 1]} : vector<32x200x128xf32> to vector<1x200x128xf32>
    %squeeze3A_361 = vector.shape_cast %slice3A_360 : vector<1x200x128xf32> to vector<200x128xf32>
    %sub3A_362 = arith.subf %squeeze3A_361, %max3A_200 : vector<200x128xf32>
    %exp3A_363 = math.exp %sub3A_362 : vector<200x128xf32>
    %add3A_364 = arith.addf %add3A_352, %exp3A_363 : vector<200x128xf32>
    %slice3A_365 = vector.extract_strided_slice %reshape3A_100 {offsets = [13, 0, 0], sizes = [1, 200, 128], strides = [1, 1, 1]} : vector<32x200x128xf32> to vector<1x200x128xf32>
    %squeeze3A_366 = vector.shape_cast %slice3A_365 : vector<1x200x128xf32> to vector<200x128xf32>
    %max3A_367 = arith.constant 0.000000e+00 : f32
    %max3A_368 = vector.broadcast %max3A_367 : f32 to vector<200x128xf32>
    %max3A_369 = arith.maximumf %squeeze3A_366, %max3A_368 : vector<200x128xf32>
    %mul3A_370 = arith.mulf %exp3A_363, %max3A_369 : vector<200x128xf32>
    %add3A_371 = arith.addf %add3A_359, %mul3A_370 : vector<200x128xf32>
    %slice3A_372 = vector.extract_strided_slice %reshape3A_93 {offsets = [14, 0, 0], sizes = [1, 200, 128], strides = [1, 1, 1]} : vector<32x200x128xf32> to vector<1x200x128xf32>
    %squeeze3A_373 = vector.shape_cast %slice3A_372 : vector<1x200x128xf32> to vector<200x128xf32>
    %sub3A_374 = arith.subf %squeeze3A_373, %max3A_200 : vector<200x128xf32>
    %exp3A_375 = math.exp %sub3A_374 : vector<200x128xf32>
    %add3A_376 = arith.addf %add3A_364, %exp3A_375 : vector<200x128xf32>
    %slice3A_377 = vector.extract_strided_slice %reshape3A_100 {offsets = [14, 0, 0], sizes = [1, 200, 128], strides = [1, 1, 1]} : vector<32x200x128xf32> to vector<1x200x128xf32>
    %squeeze3A_378 = vector.shape_cast %slice3A_377 : vector<1x200x128xf32> to vector<200x128xf32>
    %max3A_379 = arith.constant 0.000000e+00 : f32
    %max3A_380 = vector.broadcast %max3A_379 : f32 to vector<200x128xf32>
    %max3A_381 = arith.maximumf %squeeze3A_378, %max3A_380 : vector<200x128xf32>
    %mul3A_382 = arith.mulf %exp3A_375, %max3A_381 : vector<200x128xf32>
    %add3A_383 = arith.addf %add3A_371, %mul3A_382 : vector<200x128xf32>
    %slice3A_384 = vector.extract_strided_slice %reshape3A_93 {offsets = [15, 0, 0], sizes = [1, 200, 128], strides = [1, 1, 1]} : vector<32x200x128xf32> to vector<1x200x128xf32>
    %squeeze3A_385 = vector.shape_cast %slice3A_384 : vector<1x200x128xf32> to vector<200x128xf32>
    %sub3A_386 = arith.subf %squeeze3A_385, %max3A_200 : vector<200x128xf32>
    %exp3A_387 = math.exp %sub3A_386 : vector<200x128xf32>
    %add3A_388 = arith.addf %add3A_376, %exp3A_387 : vector<200x128xf32>
    %slice3A_389 = vector.extract_strided_slice %reshape3A_100 {offsets = [15, 0, 0], sizes = [1, 200, 128], strides = [1, 1, 1]} : vector<32x200x128xf32> to vector<1x200x128xf32>
    %squeeze3A_390 = vector.shape_cast %slice3A_389 : vector<1x200x128xf32> to vector<200x128xf32>
    %max3A_391 = arith.constant 0.000000e+00 : f32
    %max3A_392 = vector.broadcast %max3A_391 : f32 to vector<200x128xf32>
    %max3A_393 = arith.maximumf %squeeze3A_390, %max3A_392 : vector<200x128xf32>
    %mul3A_394 = arith.mulf %exp3A_387, %max3A_393 : vector<200x128xf32>
    %add3A_395 = arith.addf %add3A_383, %mul3A_394 : vector<200x128xf32>
    %slice3A_396 = vector.extract_strided_slice %reshape3A_93 {offsets = [16, 0, 0], sizes = [1, 200, 128], strides = [1, 1, 1]} : vector<32x200x128xf32> to vector<1x200x128xf32>
    %squeeze3A_397 = vector.shape_cast %slice3A_396 : vector<1x200x128xf32> to vector<200x128xf32>
    %sub3A_398 = arith.subf %squeeze3A_397, %max3A_200 : vector<200x128xf32>
    %exp3A_399 = math.exp %sub3A_398 : vector<200x128xf32>
    %add3A_400 = arith.addf %add3A_388, %exp3A_399 : vector<200x128xf32>
    %slice3A_401 = vector.extract_strided_slice %reshape3A_100 {offsets = [16, 0, 0], sizes = [1, 200, 128], strides = [1, 1, 1]} : vector<32x200x128xf32> to vector<1x200x128xf32>
    %squeeze3A_402 = vector.shape_cast %slice3A_401 : vector<1x200x128xf32> to vector<200x128xf32>
    %max3A_403 = arith.constant 0.000000e+00 : f32
    %max3A_404 = vector.broadcast %max3A_403 : f32 to vector<200x128xf32>
    %max3A_405 = arith.maximumf %squeeze3A_402, %max3A_404 : vector<200x128xf32>
    %mul3A_406 = arith.mulf %exp3A_399, %max3A_405 : vector<200x128xf32>
    %add3A_407 = arith.addf %add3A_395, %mul3A_406 : vector<200x128xf32>
    %slice3A_408 = vector.extract_strided_slice %reshape3A_93 {offsets = [17, 0, 0], sizes = [1, 200, 128], strides = [1, 1, 1]} : vector<32x200x128xf32> to vector<1x200x128xf32>
    %squeeze3A_409 = vector.shape_cast %slice3A_408 : vector<1x200x128xf32> to vector<200x128xf32>
    %sub3A_410 = arith.subf %squeeze3A_409, %max3A_200 : vector<200x128xf32>
    %exp3A_411 = math.exp %sub3A_410 : vector<200x128xf32>
    %add3A_412 = arith.addf %add3A_400, %exp3A_411 : vector<200x128xf32>
    %slice3A_413 = vector.extract_strided_slice %reshape3A_100 {offsets = [17, 0, 0], sizes = [1, 200, 128], strides = [1, 1, 1]} : vector<32x200x128xf32> to vector<1x200x128xf32>
    %squeeze3A_414 = vector.shape_cast %slice3A_413 : vector<1x200x128xf32> to vector<200x128xf32>
    %max3A_415 = arith.constant 0.000000e+00 : f32
    %max3A_416 = vector.broadcast %max3A_415 : f32 to vector<200x128xf32>
    %max3A_417 = arith.maximumf %squeeze3A_414, %max3A_416 : vector<200x128xf32>
    %mul3A_418 = arith.mulf %exp3A_411, %max3A_417 : vector<200x128xf32>
    %add3A_419 = arith.addf %add3A_407, %mul3A_418 : vector<200x128xf32>
    %slice3A_420 = vector.extract_strided_slice %reshape3A_93 {offsets = [18, 0, 0], sizes = [1, 200, 128], strides = [1, 1, 1]} : vector<32x200x128xf32> to vector<1x200x128xf32>
    %squeeze3A_421 = vector.shape_cast %slice3A_420 : vector<1x200x128xf32> to vector<200x128xf32>
    %sub3A_422 = arith.subf %squeeze3A_421, %max3A_200 : vector<200x128xf32>
    %exp3A_423 = math.exp %sub3A_422 : vector<200x128xf32>
    %add3A_424 = arith.addf %add3A_412, %exp3A_423 : vector<200x128xf32>
    %slice3A_425 = vector.extract_strided_slice %reshape3A_100 {offsets = [18, 0, 0], sizes = [1, 200, 128], strides = [1, 1, 1]} : vector<32x200x128xf32> to vector<1x200x128xf32>
    %squeeze3A_426 = vector.shape_cast %slice3A_425 : vector<1x200x128xf32> to vector<200x128xf32>
    %max3A_427 = arith.constant 0.000000e+00 : f32
    %max3A_428 = vector.broadcast %max3A_427 : f32 to vector<200x128xf32>
    %max3A_429 = arith.maximumf %squeeze3A_426, %max3A_428 : vector<200x128xf32>
    %mul3A_430 = arith.mulf %exp3A_423, %max3A_429 : vector<200x128xf32>
    %add3A_431 = arith.addf %add3A_419, %mul3A_430 : vector<200x128xf32>
    %slice3A_432 = vector.extract_strided_slice %reshape3A_93 {offsets = [19, 0, 0], sizes = [1, 200, 128], strides = [1, 1, 1]} : vector<32x200x128xf32> to vector<1x200x128xf32>
    %squeeze3A_433 = vector.shape_cast %slice3A_432 : vector<1x200x128xf32> to vector<200x128xf32>
    %sub3A_434 = arith.subf %squeeze3A_433, %max3A_200 : vector<200x128xf32>
    %exp3A_435 = math.exp %sub3A_434 : vector<200x128xf32>
    %add3A_436 = arith.addf %add3A_424, %exp3A_435 : vector<200x128xf32>
    %slice3A_437 = vector.extract_strided_slice %reshape3A_100 {offsets = [19, 0, 0], sizes = [1, 200, 128], strides = [1, 1, 1]} : vector<32x200x128xf32> to vector<1x200x128xf32>
    %squeeze3A_438 = vector.shape_cast %slice3A_437 : vector<1x200x128xf32> to vector<200x128xf32>
    %max3A_439 = arith.constant 0.000000e+00 : f32
    %max3A_440 = vector.broadcast %max3A_439 : f32 to vector<200x128xf32>
    %max3A_441 = arith.maximumf %squeeze3A_438, %max3A_440 : vector<200x128xf32>
    %mul3A_442 = arith.mulf %exp3A_435, %max3A_441 : vector<200x128xf32>
    %add3A_443 = arith.addf %add3A_431, %mul3A_442 : vector<200x128xf32>
    %slice3A_444 = vector.extract_strided_slice %reshape3A_93 {offsets = [20, 0, 0], sizes = [1, 200, 128], strides = [1, 1, 1]} : vector<32x200x128xf32> to vector<1x200x128xf32>
    %squeeze3A_445 = vector.shape_cast %slice3A_444 : vector<1x200x128xf32> to vector<200x128xf32>
    %sub3A_446 = arith.subf %squeeze3A_445, %max3A_200 : vector<200x128xf32>
    %exp3A_447 = math.exp %sub3A_446 : vector<200x128xf32>
    %add3A_448 = arith.addf %add3A_436, %exp3A_447 : vector<200x128xf32>
    %slice3A_449 = vector.extract_strided_slice %reshape3A_100 {offsets = [20, 0, 0], sizes = [1, 200, 128], strides = [1, 1, 1]} : vector<32x200x128xf32> to vector<1x200x128xf32>
    %squeeze3A_450 = vector.shape_cast %slice3A_449 : vector<1x200x128xf32> to vector<200x128xf32>
    %max3A_451 = arith.constant 0.000000e+00 : f32
    %max3A_452 = vector.broadcast %max3A_451 : f32 to vector<200x128xf32>
    %max3A_453 = arith.maximumf %squeeze3A_450, %max3A_452 : vector<200x128xf32>
    %mul3A_454 = arith.mulf %exp3A_447, %max3A_453 : vector<200x128xf32>
    %add3A_455 = arith.addf %add3A_443, %mul3A_454 : vector<200x128xf32>
    %slice3A_456 = vector.extract_strided_slice %reshape3A_93 {offsets = [21, 0, 0], sizes = [1, 200, 128], strides = [1, 1, 1]} : vector<32x200x128xf32> to vector<1x200x128xf32>
    %squeeze3A_457 = vector.shape_cast %slice3A_456 : vector<1x200x128xf32> to vector<200x128xf32>
    %sub3A_458 = arith.subf %squeeze3A_457, %max3A_200 : vector<200x128xf32>
    %exp3A_459 = math.exp %sub3A_458 : vector<200x128xf32>
    %add3A_460 = arith.addf %add3A_448, %exp3A_459 : vector<200x128xf32>
    %slice3A_461 = vector.extract_strided_slice %reshape3A_100 {offsets = [21, 0, 0], sizes = [1, 200, 128], strides = [1, 1, 1]} : vector<32x200x128xf32> to vector<1x200x128xf32>
    %squeeze3A_462 = vector.shape_cast %slice3A_461 : vector<1x200x128xf32> to vector<200x128xf32>
    %max3A_463 = arith.constant 0.000000e+00 : f32
    %max3A_464 = vector.broadcast %max3A_463 : f32 to vector<200x128xf32>
    %max3A_465 = arith.maximumf %squeeze3A_462, %max3A_464 : vector<200x128xf32>
    %mul3A_466 = arith.mulf %exp3A_459, %max3A_465 : vector<200x128xf32>
    %add3A_467 = arith.addf %add3A_455, %mul3A_466 : vector<200x128xf32>
    %slice3A_468 = vector.extract_strided_slice %reshape3A_93 {offsets = [22, 0, 0], sizes = [1, 200, 128], strides = [1, 1, 1]} : vector<32x200x128xf32> to vector<1x200x128xf32>
    %squeeze3A_469 = vector.shape_cast %slice3A_468 : vector<1x200x128xf32> to vector<200x128xf32>
    %sub3A_470 = arith.subf %squeeze3A_469, %max3A_200 : vector<200x128xf32>
    %exp3A_471 = math.exp %sub3A_470 : vector<200x128xf32>
    %add3A_472 = arith.addf %add3A_460, %exp3A_471 : vector<200x128xf32>
    %slice3A_473 = vector.extract_strided_slice %reshape3A_100 {offsets = [22, 0, 0], sizes = [1, 200, 128], strides = [1, 1, 1]} : vector<32x200x128xf32> to vector<1x200x128xf32>
    %squeeze3A_474 = vector.shape_cast %slice3A_473 : vector<1x200x128xf32> to vector<200x128xf32>
    %max3A_475 = arith.constant 0.000000e+00 : f32
    %max3A_476 = vector.broadcast %max3A_475 : f32 to vector<200x128xf32>
    %max3A_477 = arith.maximumf %squeeze3A_474, %max3A_476 : vector<200x128xf32>
    %mul3A_478 = arith.mulf %exp3A_471, %max3A_477 : vector<200x128xf32>
    %add3A_479 = arith.addf %add3A_467, %mul3A_478 : vector<200x128xf32>
    %slice3A_480 = vector.extract_strided_slice %reshape3A_93 {offsets = [23, 0, 0], sizes = [1, 200, 128], strides = [1, 1, 1]} : vector<32x200x128xf32> to vector<1x200x128xf32>
    %squeeze3A_481 = vector.shape_cast %slice3A_480 : vector<1x200x128xf32> to vector<200x128xf32>
    %sub3A_482 = arith.subf %squeeze3A_481, %max3A_200 : vector<200x128xf32>
    %exp3A_483 = math.exp %sub3A_482 : vector<200x128xf32>
    %add3A_484 = arith.addf %add3A_472, %exp3A_483 : vector<200x128xf32>
    %slice3A_485 = vector.extract_strided_slice %reshape3A_100 {offsets = [23, 0, 0], sizes = [1, 200, 128], strides = [1, 1, 1]} : vector<32x200x128xf32> to vector<1x200x128xf32>
    %squeeze3A_486 = vector.shape_cast %slice3A_485 : vector<1x200x128xf32> to vector<200x128xf32>
    %max3A_487 = arith.constant 0.000000e+00 : f32
    %max3A_488 = vector.broadcast %max3A_487 : f32 to vector<200x128xf32>
    %max3A_489 = arith.maximumf %squeeze3A_486, %max3A_488 : vector<200x128xf32>
    %mul3A_490 = arith.mulf %exp3A_483, %max3A_489 : vector<200x128xf32>
    %add3A_491 = arith.addf %add3A_479, %mul3A_490 : vector<200x128xf32>
    %slice3A_492 = vector.extract_strided_slice %reshape3A_93 {offsets = [24, 0, 0], sizes = [1, 200, 128], strides = [1, 1, 1]} : vector<32x200x128xf32> to vector<1x200x128xf32>
    %squeeze3A_493 = vector.shape_cast %slice3A_492 : vector<1x200x128xf32> to vector<200x128xf32>
    %sub3A_494 = arith.subf %squeeze3A_493, %max3A_200 : vector<200x128xf32>
    %exp3A_495 = math.exp %sub3A_494 : vector<200x128xf32>
    %add3A_496 = arith.addf %add3A_484, %exp3A_495 : vector<200x128xf32>
    %slice3A_497 = vector.extract_strided_slice %reshape3A_100 {offsets = [24, 0, 0], sizes = [1, 200, 128], strides = [1, 1, 1]} : vector<32x200x128xf32> to vector<1x200x128xf32>
    %squeeze3A_498 = vector.shape_cast %slice3A_497 : vector<1x200x128xf32> to vector<200x128xf32>
    %max3A_499 = arith.constant 0.000000e+00 : f32
    %max3A_500 = vector.broadcast %max3A_499 : f32 to vector<200x128xf32>
    %max3A_501 = arith.maximumf %squeeze3A_498, %max3A_500 : vector<200x128xf32>
    %mul3A_502 = arith.mulf %exp3A_495, %max3A_501 : vector<200x128xf32>
    %add3A_503 = arith.addf %add3A_491, %mul3A_502 : vector<200x128xf32>
    %slice3A_504 = vector.extract_strided_slice %reshape3A_93 {offsets = [25, 0, 0], sizes = [1, 200, 128], strides = [1, 1, 1]} : vector<32x200x128xf32> to vector<1x200x128xf32>
    %squeeze3A_505 = vector.shape_cast %slice3A_504 : vector<1x200x128xf32> to vector<200x128xf32>
    %sub3A_506 = arith.subf %squeeze3A_505, %max3A_200 : vector<200x128xf32>
    %exp3A_507 = math.exp %sub3A_506 : vector<200x128xf32>
    %add3A_508 = arith.addf %add3A_496, %exp3A_507 : vector<200x128xf32>
    %slice3A_509 = vector.extract_strided_slice %reshape3A_100 {offsets = [25, 0, 0], sizes = [1, 200, 128], strides = [1, 1, 1]} : vector<32x200x128xf32> to vector<1x200x128xf32>
    %squeeze3A_510 = vector.shape_cast %slice3A_509 : vector<1x200x128xf32> to vector<200x128xf32>
    %max3A_511 = arith.constant 0.000000e+00 : f32
    %max3A_512 = vector.broadcast %max3A_511 : f32 to vector<200x128xf32>
    %max3A_513 = arith.maximumf %squeeze3A_510, %max3A_512 : vector<200x128xf32>
    %mul3A_514 = arith.mulf %exp3A_507, %max3A_513 : vector<200x128xf32>
    %add3A_515 = arith.addf %add3A_503, %mul3A_514 : vector<200x128xf32>
    %slice3A_516 = vector.extract_strided_slice %reshape3A_93 {offsets = [26, 0, 0], sizes = [1, 200, 128], strides = [1, 1, 1]} : vector<32x200x128xf32> to vector<1x200x128xf32>
    %squeeze3A_517 = vector.shape_cast %slice3A_516 : vector<1x200x128xf32> to vector<200x128xf32>
    %sub3A_518 = arith.subf %squeeze3A_517, %max3A_200 : vector<200x128xf32>
    %exp3A_519 = math.exp %sub3A_518 : vector<200x128xf32>
    %add3A_520 = arith.addf %add3A_508, %exp3A_519 : vector<200x128xf32>
    %slice3A_521 = vector.extract_strided_slice %reshape3A_100 {offsets = [26, 0, 0], sizes = [1, 200, 128], strides = [1, 1, 1]} : vector<32x200x128xf32> to vector<1x200x128xf32>
    %squeeze3A_522 = vector.shape_cast %slice3A_521 : vector<1x200x128xf32> to vector<200x128xf32>
    %max3A_523 = arith.constant 0.000000e+00 : f32
    %max3A_524 = vector.broadcast %max3A_523 : f32 to vector<200x128xf32>
    %max3A_525 = arith.maximumf %squeeze3A_522, %max3A_524 : vector<200x128xf32>
    %mul3A_526 = arith.mulf %exp3A_519, %max3A_525 : vector<200x128xf32>
    %add3A_527 = arith.addf %add3A_515, %mul3A_526 : vector<200x128xf32>
    %slice3A_528 = vector.extract_strided_slice %reshape3A_93 {offsets = [27, 0, 0], sizes = [1, 200, 128], strides = [1, 1, 1]} : vector<32x200x128xf32> to vector<1x200x128xf32>
    %squeeze3A_529 = vector.shape_cast %slice3A_528 : vector<1x200x128xf32> to vector<200x128xf32>
    %sub3A_530 = arith.subf %squeeze3A_529, %max3A_200 : vector<200x128xf32>
    %exp3A_531 = math.exp %sub3A_530 : vector<200x128xf32>
    %add3A_532 = arith.addf %add3A_520, %exp3A_531 : vector<200x128xf32>
    %slice3A_533 = vector.extract_strided_slice %reshape3A_100 {offsets = [27, 0, 0], sizes = [1, 200, 128], strides = [1, 1, 1]} : vector<32x200x128xf32> to vector<1x200x128xf32>
    %squeeze3A_534 = vector.shape_cast %slice3A_533 : vector<1x200x128xf32> to vector<200x128xf32>
    %max3A_535 = arith.constant 0.000000e+00 : f32
    %max3A_536 = vector.broadcast %max3A_535 : f32 to vector<200x128xf32>
    %max3A_537 = arith.maximumf %squeeze3A_534, %max3A_536 : vector<200x128xf32>
    %mul3A_538 = arith.mulf %exp3A_531, %max3A_537 : vector<200x128xf32>
    %add3A_539 = arith.addf %add3A_527, %mul3A_538 : vector<200x128xf32>
    %slice3A_540 = vector.extract_strided_slice %reshape3A_93 {offsets = [28, 0, 0], sizes = [1, 200, 128], strides = [1, 1, 1]} : vector<32x200x128xf32> to vector<1x200x128xf32>
    %squeeze3A_541 = vector.shape_cast %slice3A_540 : vector<1x200x128xf32> to vector<200x128xf32>
    %sub3A_542 = arith.subf %squeeze3A_541, %max3A_200 : vector<200x128xf32>
    %exp3A_543 = math.exp %sub3A_542 : vector<200x128xf32>
    %add3A_544 = arith.addf %add3A_532, %exp3A_543 : vector<200x128xf32>
    %slice3A_545 = vector.extract_strided_slice %reshape3A_100 {offsets = [28, 0, 0], sizes = [1, 200, 128], strides = [1, 1, 1]} : vector<32x200x128xf32> to vector<1x200x128xf32>
    %squeeze3A_546 = vector.shape_cast %slice3A_545 : vector<1x200x128xf32> to vector<200x128xf32>
    %max3A_547 = arith.constant 0.000000e+00 : f32
    %max3A_548 = vector.broadcast %max3A_547 : f32 to vector<200x128xf32>
    %max3A_549 = arith.maximumf %squeeze3A_546, %max3A_548 : vector<200x128xf32>
    %mul3A_550 = arith.mulf %exp3A_543, %max3A_549 : vector<200x128xf32>
    %add3A_551 = arith.addf %add3A_539, %mul3A_550 : vector<200x128xf32>
    %slice3A_552 = vector.extract_strided_slice %reshape3A_93 {offsets = [29, 0, 0], sizes = [1, 200, 128], strides = [1, 1, 1]} : vector<32x200x128xf32> to vector<1x200x128xf32>
    %squeeze3A_553 = vector.shape_cast %slice3A_552 : vector<1x200x128xf32> to vector<200x128xf32>
    %sub3A_554 = arith.subf %squeeze3A_553, %max3A_200 : vector<200x128xf32>
    %exp3A_555 = math.exp %sub3A_554 : vector<200x128xf32>
    %add3A_556 = arith.addf %add3A_544, %exp3A_555 : vector<200x128xf32>
    %slice3A_557 = vector.extract_strided_slice %reshape3A_100 {offsets = [29, 0, 0], sizes = [1, 200, 128], strides = [1, 1, 1]} : vector<32x200x128xf32> to vector<1x200x128xf32>
    %squeeze3A_558 = vector.shape_cast %slice3A_557 : vector<1x200x128xf32> to vector<200x128xf32>
    %max3A_559 = arith.constant 0.000000e+00 : f32
    %max3A_560 = vector.broadcast %max3A_559 : f32 to vector<200x128xf32>
    %max3A_561 = arith.maximumf %squeeze3A_558, %max3A_560 : vector<200x128xf32>
    %mul3A_562 = arith.mulf %exp3A_555, %max3A_561 : vector<200x128xf32>
    %add3A_563 = arith.addf %add3A_551, %mul3A_562 : vector<200x128xf32>
    %slice3A_564 = vector.extract_strided_slice %reshape3A_93 {offsets = [30, 0, 0], sizes = [1, 200, 128], strides = [1, 1, 1]} : vector<32x200x128xf32> to vector<1x200x128xf32>
    %squeeze3A_565 = vector.shape_cast %slice3A_564 : vector<1x200x128xf32> to vector<200x128xf32>
    %sub3A_566 = arith.subf %squeeze3A_565, %max3A_200 : vector<200x128xf32>
    %exp3A_567 = math.exp %sub3A_566 : vector<200x128xf32>
    %add3A_568 = arith.addf %add3A_556, %exp3A_567 : vector<200x128xf32>
    %slice3A_569 = vector.extract_strided_slice %reshape3A_100 {offsets = [30, 0, 0], sizes = [1, 200, 128], strides = [1, 1, 1]} : vector<32x200x128xf32> to vector<1x200x128xf32>
    %squeeze3A_570 = vector.shape_cast %slice3A_569 : vector<1x200x128xf32> to vector<200x128xf32>
    %max3A_571 = arith.constant 0.000000e+00 : f32
    %max3A_572 = vector.broadcast %max3A_571 : f32 to vector<200x128xf32>
    %max3A_573 = arith.maximumf %squeeze3A_570, %max3A_572 : vector<200x128xf32>
    %mul3A_574 = arith.mulf %exp3A_567, %max3A_573 : vector<200x128xf32>
    %add3A_575 = arith.addf %add3A_563, %mul3A_574 : vector<200x128xf32>
    %slice3A_576 = vector.extract_strided_slice %reshape3A_93 {offsets = [31, 0, 0], sizes = [1, 200, 128], strides = [1, 1, 1]} : vector<32x200x128xf32> to vector<1x200x128xf32>
    %squeeze3A_577 = vector.shape_cast %slice3A_576 : vector<1x200x128xf32> to vector<200x128xf32>
    %sub3A_578 = arith.subf %squeeze3A_577, %max3A_200 : vector<200x128xf32>
    %exp3A_579 = math.exp %sub3A_578 : vector<200x128xf32>
    %add3A_580 = arith.addf %add3A_568, %exp3A_579 : vector<200x128xf32>
    %slice3A_581 = vector.extract_strided_slice %reshape3A_100 {offsets = [31, 0, 0], sizes = [1, 200, 128], strides = [1, 1, 1]} : vector<32x200x128xf32> to vector<1x200x128xf32>
    %squeeze3A_582 = vector.shape_cast %slice3A_581 : vector<1x200x128xf32> to vector<200x128xf32>
    %max3A_583 = arith.constant 0.000000e+00 : f32
    %max3A_584 = vector.broadcast %max3A_583 : f32 to vector<200x128xf32>
    %max3A_585 = arith.maximumf %squeeze3A_582, %max3A_584 : vector<200x128xf32>
    %mul3A_586 = arith.mulf %exp3A_579, %max3A_585 : vector<200x128xf32>
    %add3A_587 = arith.addf %add3A_575, %mul3A_586 : vector<200x128xf32>
    %div3A_588 = arith.divf %add3A_587, %add3A_580 : vector<200x128xf32>
    %swap3A = arith.constant 0 : index
    %swap3A_589 = arith.constant 0 : index
    %swap3A_590 = vector.load %arg12[%swap3A, %swap3A_589] : memref<200x128xf32, #tpu.memory_space<vmem>>, vector<200x128xf32>
    tpu.vector_store %arg12[%swap3A, %swap3A_589], %div3A_588 {strides = array<i32>} : memref<200x128xf32, #tpu.memory_space<vmem>>, vector<200x128xf32>,
    %get3A_591 = arith.constant 0 : index
    %get3A_592 = arith.constant 0 : index
    %get3A_593 = arith.constant 0 : index
    %get3A_594 = vector.load %arg4[%get3A_591, %get3A_592, %get3A_593] : memref<32x200x16xf32, #tpu.memory_space<vmem>>, vector<32x200x16xf32>
    %add3A_595 = arith.addf %reshape3A_107, %get3A_594 : vector<32x200x16xf32>
    %swap3A_596 = arith.constant 0 : index
    %swap3A_597 = arith.constant 0 : index
    %swap3A_598 = arith.constant 0 : index
    %swap3A_599 = vector.load %arg13[%swap3A_596, %swap3A_597, %swap3A_598] : memref<32x200x16xf32, #tpu.memory_space<vmem>>, vector<32x200x16xf32>
    tpu.vector_store %arg13[%swap3A_596, %swap3A_597, %swap3A_598], %add3A_595 {strides = array<i32>} : memref<32x200x16xf32, #tpu.memory_space<vmem>>, vector<32x200x16xf32>,
    %eq3A = arith.constant 0 : i32
    %eq3A_600 = arith.cmpi eq, %arg0, %eq3A : i32
    %convert_element_type3A = arith.extui %eq3A_600 : i1 to i32
    %cond3A = arith.constant 0 : i32
    %cond3A_601 = arith.cmpi ne, %convert_element_type3A, %cond3A : i32
    scf.if %cond3A_601 {
      %broadcast_in_dim3A_622 = arith.constant 0.000000e+00 : f32
      %broadcast_in_dim3A_623 = vector.broadcast %broadcast_in_dim3A_622 : f32 to vector<1x128xf32>
      %swap3A_624 = arith.constant 0 : index
      %swap3A_625 = arith.constant 0 : index
      %swap3A_626 = vector.load %arg14[%swap3A_624, %swap3A_625] : memref<1x128xf32, #tpu.memory_space<vmem>>, vector<1x128xf32>
      tpu.vector_store %arg14[%swap3A_624, %swap3A_625], %broadcast_in_dim3A_623 {strides = array<i32>} : memref<1x128xf32, #tpu.memory_space<vmem>>, vector<1x128xf32>,
      %broadcast_in_dim3A_627 = arith.constant 0.000000e+00 : f32
      %broadcast_in_dim3A_628 = vector.broadcast %broadcast_in_dim3A_627 : f32 to vector<1x128xf32>
      %swap3A_629 = arith.constant 0 : index
      %swap3A_630 = arith.constant 0 : index
      %swap3A_631 = vector.load %arg15[%swap3A_629, %swap3A_630] : memref<1x128xf32, #tpu.memory_space<vmem>>, vector<1x128xf32>
      tpu.vector_store %arg15[%swap3A_629, %swap3A_630], %broadcast_in_dim3A_628 {strides = array<i32>} : memref<1x128xf32, #tpu.memory_space<vmem>>, vector<1x128xf32>,
    } else {
    }
    %get3A_602 = arith.constant 0 : index
    %get3A_603 = arith.constant 0 : index
    %get3A_604 = vector.load %arg14[%get3A_602, %get3A_603] : memref<1x128xf32, #tpu.memory_space<vmem>>, vector<1x128xf32>
    %reduce_sum3A = arith.constant dense<0.000000e+00> : vector<128xf32>
    %reduce_sum3A_605 = vector.multi_reduction <add>, %div3A_588, %reduce_sum3A [0] : vector<200x128xf32> to vector<128xf32>
    %broadcast_in_dim3A_606 = vector.shape_cast %reduce_sum3A_605 : vector<128xf32> to vector<1x128xf32>
    %add3A_607 = arith.addf %get3A_604, %broadcast_in_dim3A_606 : vector<1x128xf32>
    %swap3A_608 = arith.constant 0 : index
    %swap3A_609 = arith.constant 0 : index
    %swap3A_610 = vector.load %arg14[%swap3A_608, %swap3A_609] : memref<1x128xf32, #tpu.memory_space<vmem>>, vector<1x128xf32>
    tpu.vector_store %arg14[%swap3A_608, %swap3A_609], %add3A_607 {strides = array<i32>} : memref<1x128xf32, #tpu.memory_space<vmem>>, vector<1x128xf32>,
    %get3A_611 = arith.constant 0 : index
    %get3A_612 = arith.constant 0 : index
    %get3A_613 = vector.load %arg15[%get3A_611, %get3A_612] : memref<1x128xf32, #tpu.memory_space<vmem>>, vector<1x128xf32>
    %mul3A_614 = arith.mulf %div3A_588, %div3A_588 : vector<200x128xf32>
    %reduce_sum3A_615 = arith.constant dense<0.000000e+00> : vector<128xf32>
    %reduce_sum3A_616 = vector.multi_reduction <add>, %mul3A_614, %reduce_sum3A_615 [0] : vector<200x128xf32> to vector<128xf32>
    %broadcast_in_dim3A_617 = vector.shape_cast %reduce_sum3A_616 : vector<128xf32> to vector<1x128xf32>
    %add3A_618 = arith.addf %get3A_613, %broadcast_in_dim3A_617 : vector<1x128xf32>
    %swap3A_619 = arith.constant 0 : index
    %swap3A_620 = arith.constant 0 : index
    %swap3A_621 = vector.load %arg15[%swap3A_619, %swap3A_620] : memref<1x128xf32, #tpu.memory_space<vmem>>, vector<1x128xf32>
    tpu.vector_store %arg15[%swap3A_619, %swap3A_620], %add3A_618 {strides = array<i32>} : memref<1x128xf32, #tpu.memory_space<vmem>>, vector<1x128xf32>,
    return
  }
  func.func @transform_0(%arg0: i32) -> (i32, i32) {
    %c0_i32 = arith.constant 0 : i32
    %c0_i32_0 = arith.constant 0 : i32
    return %arg0, %c0_i32 : i32, i32
  }
  func.func @transform_1(%arg0: i32) -> (i32, i32, i32) {
    %c0_i32 = arith.constant 0 : i32
    %c0_i32_0 = arith.constant 0 : i32
    %c0_i32_1 = arith.constant 0 : i32
    return %c0_i32, %arg0, %c0_i32_0 : i32, i32, i32
  }
  func.func @transform_2(%arg0: i32) -> (i32, i32, i32) {
    %c0_i32 = arith.constant 0 : i32
    %c0_i32_0 = arith.constant 0 : i32
    %c0_i32_1 = arith.constant 0 : i32
    return %c0_i32, %arg0, %c0_i32_0 : i32, i32, i32
  }
  func.func @transform_3(%arg0: i32) -> (i32, i32, i32) {
    %c0_i32 = arith.constant 0 : i32
    %c0_i32_0 = arith.constant 0 : i32
    %c0_i32_1 = arith.constant 0 : i32
    return %c0_i32, %arg0, %c0_i32_0 : i32, i32, i32
  }
  func.func @transform_4(%arg0: i32) -> (i32, i32) {
    %c0_i32 = arith.constant 0 : i32
    %c0_i32_0 = arith.constant 0 : i32
    %c0_i32_1 = arith.constant 0 : i32
    return %c0_i32, %c0_i32_0 : i32, i32
  }
  func.func @transform_5(%arg0: i32) -> (i32, i32) {
    %c0_i32 = arith.constant 0 : i32
    %c0_i32_0 = arith.constant 0 : i32
    %c0_i32_1 = arith.constant 0 : i32
    return %c0_i32, %c0_i32_0 : i32, i32
  }
  func.func @transform_6(%arg0: i32) -> (i32, i32) {
    %c0_i32 = arith.constant 0 : i32
    %c0_i32_0 = arith.constant 0 : i32
    %c0_i32_1 = arith.constant 0 : i32
    return %c0_i32, %c0_i32_0 : i32, i32
  }
  func.func @transform_7(%arg0: i32) -> (i32, i32) {
    %c0_i32 = arith.constant 0 : i32
    %c0_i32_0 = arith.constant 0 : i32
    %c0_i32_1 = arith.constant 0 : i32
    return %c0_i32, %c0_i32_0 : i32, i32
  }
  func.func @transform_8(%arg0: i32) -> (i32, i32) {
    %c0_i32 = arith.constant 0 : i32
    %c0_i32_0 = arith.constant 0 : i32
    %c0_i32_1 = arith.constant 0 : i32
    return %c0_i32, %c0_i32_0 : i32, i32
  }
  func.func @transform_9(%arg0: i32) -> (i32, i32) {
    %c0_i32 = arith.constant 0 : i32
    %c0_i32_0 = arith.constant 0 : i32
    %c0_i32_1 = arith.constant 0 : i32
    return %c0_i32, %c0_i32_0 : i32, i32
  }
  func.func @transform_10(%arg0: i32) -> (i32, i32) {
    %c0_i32 = arith.constant 0 : i32
    %c0_i32_0 = arith.constant 0 : i32
    %c0_i32_1 = arith.constant 0 : i32
    return %c0_i32, %c0_i32_0 : i32, i32
  }
  func.func @transform_11(%arg0: i32) -> (i32, i32) {
    %c0_i32 = arith.constant 0 : i32
    %c0_i32_0 = arith.constant 0 : i32
    return %arg0, %c0_i32 : i32, i32
  }
  func.func @transform_12(%arg0: i32) -> (i32, i32, i32) {
    %c0_i32 = arith.constant 0 : i32
    %c0_i32_0 = arith.constant 0 : i32
    %c0_i32_1 = arith.constant 0 : i32
    return %c0_i32, %arg0, %c0_i32_0 : i32, i32, i32
  }
  func.func @transform_13(%arg0: i32) -> (i32, i32) {
    %c0_i32 = arith.constant 0 : i32
    %c0_i32_0 = arith.constant 0 : i32
    %c0_i32_1 = arith.constant 0 : i32
    return %c0_i32, %c0_i32_0 : i32, i32
  }
  func.func @transform_14(%arg0: i32) -> (i32, i32) {
    %c0_i32 = arith.constant 0 : i32
    %c0_i32_0 = arith.constant 0 : i32
    %c0_i32_1 = arith.constant 0 : i32
    return %c0_i32, %c0_i32_0 : i32, i32
  }
}

module attributes {stable_mosaic.version = 14 : i64} {
  func.func @_bn2_body(%arg0: i32, %arg1: memref<1000x128xf32, #tpu.memory_space<vmem>>, %arg2: memref<1000x128xf32, #tpu.memory_space<vmem>>, %arg3: memref<1x128xf32, #tpu.memory_space<vmem>>, %arg4: memref<1x128xf32, #tpu.memory_space<vmem>>, %arg5: memref<1x128xf32, #tpu.memory_space<vmem>>, %arg6: memref<1x128xf32, #tpu.memory_space<vmem>>, %arg7: memref<1000x128xf32, #tpu.memory_space<vmem>>) attributes {dimension_semantics = [#tpu.dimension_semantics<arbitrary>], iteration_bounds = array<i64: 10>, scalar_prefetch = 0 : i64, scratch_operands = 0 : i64, tpu.core_type = #tpu.core_type<tc>, window_params = [{transform_indices = @transform_0, window_bounds = array<i64: 1000, 128>}, {transform_indices = @transform_1, window_bounds = array<i64: 1000, 128>}, {pipeline_mode = #tpu.pipeline_mode<synchronous>, transform_indices = @transform_2, window_bounds = array<i64: 1, 128>}, {pipeline_mode = #tpu.pipeline_mode<synchronous>, transform_indices = @transform_3, window_bounds = array<i64: 1, 128>}, {pipeline_mode = #tpu.pipeline_mode<synchronous>, transform_indices = @transform_4, window_bounds = array<i64: 1, 128>}, {pipeline_mode = #tpu.pipeline_mode<synchronous>, transform_indices = @transform_5, window_bounds = array<i64: 1, 128>}, {transform_indices = @transform_6, window_bounds = array<i64: 1000, 128>}]} {
    %get3A = arith.constant 0 : index
    %get3A_0 = arith.constant 0 : index
    %get3A_1 = vector.load %arg3[%get3A, %get3A_0] : memref<1x128xf32, #tpu.memory_space<vmem>>, vector<1x128xf32>
    %div3A = arith.constant 1.000000e+04 : f32
    %div3A_2 = vector.broadcast %div3A : f32 to vector<1x128xf32>
    %div3A_3 = arith.divf %get3A_1, %div3A_2 : vector<1x128xf32>
    %get3A_4 = arith.constant 0 : index
    %get3A_5 = arith.constant 0 : index
    %get3A_6 = vector.load %arg4[%get3A_4, %get3A_5] : memref<1x128xf32, #tpu.memory_space<vmem>>, vector<1x128xf32>
    %div3A_7 = arith.constant 1.000000e+04 : f32
    %div3A_8 = vector.broadcast %div3A_7 : f32 to vector<1x128xf32>
    %div3A_9 = arith.divf %get3A_6, %div3A_8 : vector<1x128xf32>
    %mul3A = arith.mulf %div3A_3, %div3A_3 : vector<1x128xf32>
    %sub3A = arith.subf %div3A_9, %mul3A : vector<1x128xf32>
    %get3A_10 = arith.constant 0 : index
    %get3A_11 = arith.constant 0 : index
    %get3A_12 = vector.load %arg5[%get3A_10, %get3A_11] : memref<1x128xf32, #tpu.memory_space<vmem>>, vector<1x128xf32>
    %add3A = arith.constant 9.99999974E-6 : f32
    %add3A_13 = vector.broadcast %add3A : f32 to vector<1x128xf32>
    %add3A_14 = arith.addf %sub3A, %add3A_13 : vector<1x128xf32>
    %rsqrt3A = math.rsqrt %add3A_14 : vector<1x128xf32>
    %mul3A_15 = arith.mulf %get3A_12, %rsqrt3A : vector<1x128xf32>
    %get3A_16 = arith.constant 0 : index
    %get3A_17 = arith.constant 0 : index
    %get3A_18 = vector.load %arg6[%get3A_16, %get3A_17] : memref<1x128xf32, #tpu.memory_space<vmem>>, vector<1x128xf32>
    %mul3A_19 = arith.mulf %div3A_3, %mul3A_15 : vector<1x128xf32>
    %sub3A_20 = arith.subf %get3A_18, %mul3A_19 : vector<1x128xf32>
    %get3A_21 = arith.constant 0 : index
    %get3A_22 = arith.constant 0 : index
    %get3A_23 = vector.load %arg1[%get3A_21, %get3A_22] : memref<1000x128xf32, #tpu.memory_space<vmem>>, vector<1000x128xf32>
    %get3A_24 = arith.constant 0 : index
    %get3A_25 = arith.constant 0 : index
    %get3A_26 = vector.load %arg2[%get3A_24, %get3A_25] : memref<1000x128xf32, #tpu.memory_space<vmem>>, vector<1000x128xf32>
    %mul3A_27 = vector.broadcast %mul3A_15 : vector<1x128xf32> to vector<1000x128xf32>
    %mul3A_28 = arith.mulf %get3A_26, %mul3A_27 : vector<1000x128xf32>
    %add3A_29 = arith.addf %get3A_23, %mul3A_28 : vector<1000x128xf32>
    %add3A_30 = vector.broadcast %sub3A_20 : vector<1x128xf32> to vector<1000x128xf32>
    %add3A_31 = arith.addf %add3A_29, %add3A_30 : vector<1000x128xf32>
    %swap3A = arith.constant 0 : index
    %swap3A_32 = arith.constant 0 : index
    %swap3A_33 = vector.load %arg7[%swap3A, %swap3A_32] : memref<1000x128xf32, #tpu.memory_space<vmem>>, vector<1000x128xf32>
    tpu.vector_store %arg7[%swap3A, %swap3A_32], %add3A_31 {strides = array<i32>} : memref<1000x128xf32, #tpu.memory_space<vmem>>, vector<1000x128xf32>,
    return
  }
  func.func @transform_0(%arg0: i32) -> (i32, i32) {
    %c0_i32 = arith.constant 0 : i32
    %c0_i32_0 = arith.constant 0 : i32
    return %arg0, %c0_i32 : i32, i32
  }
  func.func @transform_1(%arg0: i32) -> (i32, i32) {
    %c0_i32 = arith.constant 0 : i32
    %c0_i32_0 = arith.constant 0 : i32
    return %arg0, %c0_i32 : i32, i32
  }
  func.func @transform_2(%arg0: i32) -> (i32, i32) {
    %c0_i32 = arith.constant 0 : i32
    %c0_i32_0 = arith.constant 0 : i32
    %c0_i32_1 = arith.constant 0 : i32
    return %c0_i32, %c0_i32_0 : i32, i32
  }
  func.func @transform_3(%arg0: i32) -> (i32, i32) {
    %c0_i32 = arith.constant 0 : i32
    %c0_i32_0 = arith.constant 0 : i32
    %c0_i32_1 = arith.constant 0 : i32
    return %c0_i32, %c0_i32_0 : i32, i32
  }
  func.func @transform_4(%arg0: i32) -> (i32, i32) {
    %c0_i32 = arith.constant 0 : i32
    %c0_i32_0 = arith.constant 0 : i32
    %c0_i32_1 = arith.constant 0 : i32
    return %c0_i32, %c0_i32_0 : i32, i32
  }
  func.func @transform_5(%arg0: i32) -> (i32, i32) {
    %c0_i32 = arith.constant 0 : i32
    %c0_i32_0 = arith.constant 0 : i32
    %c0_i32_1 = arith.constant 0 : i32
    return %c0_i32, %c0_i32_0 : i32, i32
  }
  func.func @transform_6(%arg0: i32) -> (i32, i32) {
    %c0_i32 = arith.constant 0 : i32
    %c0_i32_0 = arith.constant 0 : i32
    return %arg0, %c0_i32 : i32, i32
  }
}

</mosaic_0001>

<sc_bundles>
// kernel: kernel.7.cloned.1.call-start
scs
__scs_entry_jumppad:
0x0: {  	(pc) =	sbr.rel $0x88, $3  }
0x1: {  	(tag) =	ssettag $0x0;
	lr =	simm.s32 $0x1  }
0x2: {  	[smem:$0x3F98] =	sst lr;
	_ =	strace $0xD0000000  }
0x3: {  	_ = 	snop  }
0x4: {  	_ = 	snop  }
0x5: {  	_ = 	snop  }
0x6: {  	_ = 	snop  }
0x7: {  	_ = 	snop  }
__scs_overlays_trampoline_lowered:
0x8: {  	[smem:$0x3FA7] =	sst s0  }
0x9: {  	[smem:$0x3FA8] =	sst s1  }
0xa: {  	[smem:$0x3FA9] =	sst s2  }
0xb: {  	[smem:$0x3FAA] =	sst s3  }
0xc: {  	[smem:$0x3FAB] =	sst s4  }
0xd: {  	[smem:$0x3FAC] =	sst s5  }
0xe: {  	[smem:$0x3FAD] =	sst s6  }
0xf: {  	[smem:$0x3FAE] =	sst s7  }
0x10: {  	[smem:$0x3FAF] =	sst s8  }
0x11: {  	[smem:$0x3FB0] =	sst s9;
	s0 =	simm.s32 @!p0 $0x0  }
0x12: {  	s1 =	sld [smem:$0x3F96];
	s0 =	simm.s32 @p0 $0x1  }
0x13: {  	[smem:$0x3FB1] =	sst s0;
	s0 =	simm.s32 @!p1 $0x0  }
0x14: {  	s2 =	sld [smem:$0x3F95];
	s0 =	simm.s32 @p1 $0x1  }
0x15: {  	[smem:$0x3FB2] =	sst s0;
	s0 =	simm.s32 @!p2 $0x0  }
0x16: {  	s3 =	sld [smem:$0x3FDB];
	s0 =	simm.s32 @p2 $0x1  }
0x17: {  	s4 =	simm.s32 $0x1BF5;
	[smem:$0x3FB4] =	sst s0  }
0x18: {  	s0 =	sld [smem:$0x3F97];
	_ =	swait.ge [sflag:s4], $0x0  }
0x19: {  	s7 =	sld [smem:$0x3F98]  }
0x1a: {  	s8 =	sadd.s32 $0xFFFFE003, lr  }
0x1b: {  	s9 =	sadd.s32 $0xFFFFFEF7, lr;
	s5 =	simm.s32 $0xFFFFFFFF;
	p2 =	slt.u32 s8, $0xFFFFF086  }
0x1c: {  	p1 =	slt.u32 s9, $0xF7A;
	s5 =	simm.s32 @!p2 $0x0  }
0x1d: {  	s5 =	simm.s32 @p1 $0x1;
	p0 =	seq.s32 s7, s2  }
0x1e: {  	s7 =	smul.u32 @!p0 $0xF7A, s2;
	p2 =	seq.s32 @!p0 s5, $0x0  }
0x1f: {  	s9 =	smul.u32 $0xF7A, s1;
	s8 =	simm.s32 @!p0 $0x1BF5;
	p2 =	por !p2, p0  }
0x20: {  	[sflag:s8] =	ssyncset.s32 @!p0 $0xFFFFF086;
	s6 =	sadd.s32 @!p0 s3, s7;
	s7 =	simm.s32 @!p0 $0x108  }
0x21: {  	s3 =	sadd.s32 s3, s9;
	s6 =	sadd.s32 @!p0 $0x88, s6;
	s7 =	simm.s32 @p2 $0x1082  }
0x22: {  	[simem:s7], [sflag:s8] =	dma.local @!p0 [hbm:s6], $0xF7A  }
0x23: {  	s9 =	sor.u32 $0xD0000000, s2;
	s6 =	simm.s32 $0x108;
	_ =	swait.ge @!p0 [sflag:s8], $0x0  }
0x24: {  	s3 =	sadd.s32 $0x88, s3;
	s6 =	simm.s32 @!p1 $0x1082;
	[sflag:s4] =	ssyncset.s32 $0xFFFFF086  }
0x25: {  	[simem:s6], [sflag:s4] =	dma.local [hbm:s3], $0xF7A  }
0x26: {  	[smem:$0x3F98] =	sst s1;
	(tag) =	ssettag s2;
	_ =	strace s9  }
0x27: {  	s1 =	sld [smem:$0x3FA8]  }
0x28: {  	s2 =	sld [smem:$0x3FA9]  }
0x29: {  	s4 =	sld [smem:$0x3FAB]  }
0x2a: {  	p0 =	seq.s32 s5, $0x0;
	s5 =	sld [smem:$0x3FAC]  }
0x2b: {  	s6 =	sld [smem:$0x3FAD]  }
0x2c: {  	s7 =	sld [smem:$0x3FAE]  }
0x2d: {  	s3 =	simm.s32 $0x108;
	s8 =	sld [smem:$0x3FAF]  }
0x2e: {  	s3 =	simm.s32 @!p0 $0x1082;
	s9 =	sld [smem:$0x3FB0]  }
0x2f: {  	lr =	sadd.s32 s0, s3;
	s0 =	sld [smem:$0x3FA7]  }
0x30: {  	s3 =	sld [smem:$0x3FAA]  }
0x31: {  	[smem:$0x3FB3] =	sst s10  }
0x32: {  	s10 =	sld [smem:$0x3FB1];
	_ =	sdelay $0x3  }
0x33: {  	p0 =	seq.s32 s10, $0x1;
	s10 =	sld [smem:$0x3FB3];
	_ =	sdelay $0x3  }
0x34: {  	[smem:$0x3FB3] =	sst s10  }
0x35: {  	s10 =	sld [smem:$0x3FB2];
	_ =	sdelay $0x3  }
0x36: {  	p1 =	seq.s32 s10, $0x1;
	s10 =	sld [smem:$0x3FB3];
	_ =	sdelay $0x3  }
0x37: {  	[smem:$0x3FB3] =	sst s10  }
0x38: {  	s10 =	sld [smem:$0x3FB4]  }
0x39: {  	_ = 	snop;
	(pc) =	sbr.ind lr, $3  }
0x3a: {  	_ = 	snop  }
0x3b: {  	_ = 	snop  }
0x3c: {  	p2 =	seq.s32 s10, $0x1;
	s10 =	sld [smem:$0x3FB3]  }
0x3d: {  	_ =	shalt  }
0x3e: {  	_ =	shalt  }
0x3f: {  	_ =	shalt  }
0x40: {  	_ =	shalt  }
0x41: {  	_ =	shalt  }
0x42: {  	_ =	shalt  }
0x43: {  	_ =	shalt  }
0x44: {  	_ =	shalt  }
0x45: {  	_ =	shalt  }
0x46: {  	_ =	shalt  }
0x47: {  	_ =	shalt  }
0x48: {  	_ =	shalt  }
0x49: {  	_ =	shalt  }
0x4a: {  	_ =	shalt  }
0x4b: {  	_ =	shalt  }
0x4c: {  	_ =	shalt  }
0x4d: {  	_ =	shalt  }
0x4e: {  	_ =	shalt  }
0x4f: {  	_ =	shalt  }
0x50: {  	_ =	shalt  }
0x51: {  	_ =	shalt  }
0x52: {  	_ =	shalt  }
0x53: {  	_ =	shalt  }
0x54: {  	_ =	shalt  }
0x55: {  	_ =	shalt  }
0x56: {  	_ =	shalt  }
0x57: {  	_ =	shalt  }
0x58: {  	_ =	shalt  }
0x59: {  	_ =	shalt  }
0x5a: {  	_ =	shalt  }
0x5b: {  	_ =	shalt  }
0x5c: {  	_ =	shalt  }
0x5d: {  	_ =	shalt  }
0x5e: {  	_ =	shalt  }
0x5f: {  	_ =	shalt  }
0x60: {  	_ =	shalt  }
0x61: {  	_ =	shalt  }
0x62: {  	_ =	shalt  }
0x63: {  	_ =	shalt  }
0x64: {  	_ =	shalt  }
0x65: {  	_ =	shalt  }
0x66: {  	_ =	shalt  }
0x67: {  	_ =	shalt  }
0x68: {  	_ =	shalt  }
0x69: {  	_ =	shalt  }
0x6a: {  	_ =	shalt  }
0x6b: {  	_ =	shalt  }
0x6c: {  	_ =	shalt  }
0x6d: {  	_ =	shalt  }
0x6e: {  	_ =	shalt  }
0x6f: {  	_ =	shalt  }
0x70: {  	_ =	shalt  }
0x71: {  	_ =	shalt  }
0x72: {  	_ =	shalt  }
0x73: {  	_ =	shalt  }
0x74: {  	_ =	shalt  }
0x75: {  	_ =	shalt  }
0x76: {  	_ =	shalt  }
0x77: {  	_ =	shalt  }
0x78: {  	_ =	shalt  }
0x79: {  	_ =	shalt  }
0x7a: {  	_ =	shalt  }
0x7b: {  	_ =	shalt  }
0x7c: {  	_ =	shalt  }
0x7d: {  	_ =	shalt  }
0x7e: {  	_ =	shalt  }
0x7f: {  	_ =	shalt  }
0x80: {  	_ =	shalt  }
0x81: {  	_ =	shalt  }
0x82: {  	_ =	shalt  }
0x83: {  	_ =	shalt  }
0x84: {  	_ =	shalt  }
0x85: {  	_ =	shalt  }
0x86: {  	_ =	shalt  }
0x87: {  	_ =	shalt  }
.Lfunc_end0:
.L_simem_size_0:
called_computation_lowered:
.L_overlay_start_0:
0x88: {  	s2 =	sld [smem:$0x3FD9]  }
0x89: {  	s3 =	sld [smem:$0x3FFE];
	_ =	sdelay $0x1  }
0x8a: {  	s1 =	srdreg.scid  }
0x8b: {  	s0 =	sand.u32 $0x1, s1  }
0x8c: {  	s14 =	sshll.u32 s0, $0xA;
	s2 =	sadd.s32 s3, s2  }
0x8d: {  	s2 =	sadd.s32 s2, s14  }
0x8e: {  	[smem:$0x3FBF] =	sst s2  }
0x8f: {  	_ = 	snop  }
0x90: {  	s2 =	sld [smem:$0x3FD0];
	_ =	sdelay $0x2  }
0x91: {  	s15 =	simm.s32 $0xA;
	s4 =	simm.s32 $0x10  }
0x92: {  	[smem:s4], [sflag:s15] =	dma.local [hbm:s2], $0x1  }
0x93: {  	_ =	swait.eq [sflag:s15], $0x1  }
0x94: {  	[sflag:s15] =	ssyncset.done $0x0  }
0x95: {  	s16 =	sld [smem:$0x10];
	[sflag:s15] =	ssyncadd.s32 $0xFFFFFFFF  }
0x96: {  	s17 =	sld [smem:$0x11];
	(tm) =	ssettm $0x1  }
0x97: {  	s18 =	sld [smem:$0x3FFB];
	_ =	sdelay $0x3  }
0x98: {  	_ =	strace s18  }
0x99: {  	s4 =	sld [smem:$0x3FFC];
	_ =	sdelay $0x3  }
0x9a: {  	_ =	strace s4  }
0x9b: {  	s4 =	sld [smem:$0x3FFD];
	_ =	sdelay $0x3  }
0x9c: {  	_ =	strace s4  }
0x9d: {  	_ =	strace $0x8FFFFFFF  }
0x9e: {  	s19 =	sld [smem:$0x3FDB];
	_ =	sdelay $0x1  }
0x9f: {  	s5 =	simm.s32 $_scs_section_size  }
0xa0: {  	s6 =	simm.s32 $_size__tile_overlayer_lowered;
	s7 =	simm.s32 $_tile_overlayer_lowered  }
0xa1: {  	s22 =	simm.s32 $0x1BFF;
	s21 =	sshll.u32 s7, $0x1;
	s4 =	sadd.s32 s5, s19  }
0xa2: {  	s8 =	simm.s32 $0x0;
	s20 =	sshll.u32 s6, $0x1;
	s6 =	sadd.s32 s21, s4  }
0xa3: {  	[timem:s8], [sflag:s22] =	dma.local [hbm:s6], s20  }
0xa4: {  	_ =	swait.ge [sflag:s22], s20  }
0xa5: {  	s5 =	ssub.s32 $0x0, s20;
	[sflag:s22] =	ssyncset.done $0x0  }
0xa6: {  	[sflag:s22] =	ssyncadd.s32 s5;
	_ =	sdelay $0x1  }
0xa7: {  	s23 =	simm.s32 $0x1B8B  }
0xa8: {  	_ =	swait.ge [sflag:s23], $0x1  }
0xa9: {  	[sflag:s23] =	ssyncset.done $0x0  }
0xaa: {  	s25 =	simm.s32 $0x1B8E;
	s24 =	sld [smem:$0x3FFE];
	[sflag:s23] =	ssyncadd.s32 $0xFFFFFFFF  }
0xab: {  	s26 =	simm.s32 $execute0_lowered;
	[smem:$0x3FD2] =	sst s25  }
0xac: {  	s6 =	sshll.u32 s26, $0x1;
	_ =	strace $0x80000046;
	[dreg:$0x1] =	wrdreg $0xFFFFFFFF  }
0xad: {  	s28 =	simm.s32 $_size_execute0_lowered;
	s4 =	sadd.s32 s4, s6;
	[dreg:$0x0] =	wrdreg $0x0  }
0xae: {  	s6 =	sshll.u32 s28, $0x1;
	[dreg:$0x2] =	wrdreg s4  }
0xaf: {  	[dreg:$0x3] =	wrdreg s6  }
0xb0: {  	[dreg:$0x4] =	wrdreg $0xC0  }
0xb1: {  	_ =	task [dreg:s8], $0x5FFFF  }
0xb2: {  	[dreg:$0x1] =	wrdreg $0xFFFFFFFF  }
0xb3: {  	[dreg:$0x0] =	wrdreg $0x60  }
0xb4: {  	[dreg:$0x2] =	wrdreg s16  }
0xb5: {  	[dreg:$0x3] =	wrdreg s24  }
0xb6: {  	[dreg:$0x4] =	wrdreg s17  }
0xb7: {  	[dreg:$0x5] =	wrdreg $0x9  }
0xb8: {  	_ =	task.clear_ibuf [dreg:s8], $0x6FFFF;
	_ =	strace $0x90000046  }
0xb9: {  	s29 =	simm.s32 $0x9;
	_ =	strace $0x80000048  }
0xba: {  	_ =	swait.ge [sflag:s29], $0x1  }
0xbb: {  	[sflag:s29] =	ssyncadd.s32 $0xFFFFFFFF  }
0xbc: {  	_ =	strace $0x90000048  }
0xbd: {  	_ =	sfence  }
0xbe: {  	s30 =	sld [smem:$0x0];
	_ =	sdelay $0x2  }
0xbf: {  	s31 =	sshll.u32 s1, $0xD;
	s1 =	sshrl.u32 s1, $0x2  }
0xc0: {  	s3 =	sand.u32 $0x4000, s31;
	s1 =	sadd.s32 s1, s30  }
0xc1: {  	s0 =	sor.u32 s3, s0;
	s1 =	sshll.u32 s1, $0x11  }
0xc2: {  	s0 =	sor.u32 s1, s0  }
0xc3: {  	s0 =	sadd.s32 $0x8F2B, s0  }
0xc4: {  	[sflag:s0] =	ssyncadd.remote.s32 $0x1  }
0xc5: {  	_ =	sfence.sel $0xFFFF  }
0xc6: {  	[dreg:$0x0] =	wrdreg $0xFFFFFFFF;
	(pc) =	sbr.abs _section_cstart, $3  }
0xc7: {  	[dreg:$0x1] =	wrdreg $0xFFFFFFFF  }
0xc8: {  	_ =	task.clear_ibuf [dreg:s8], $0x2FFFF;
	_ =	strace $0x9FFFFFFF  }
0xc9: {  	(tm) =	ssettm $0x7FFFFFFF  }
tec
execute0_lowered:
.L_overlay_start_1:
0x0: {  	(tag) =	ssettag $0x1  }
0x1: {  	v0 =	vlaneseq.u32  }
0x2: {  	s2 =	srdreg.scid;
	s1 =	rddreg [dreg:$0x0];
	v0 =	vmul.u32 $0x8, v0  }
0x3: {  	s0 =	stileid.u32;
	s5 =	rddreg [dreg:$0x1]  }
0x4: {  	s8 =	rddreg [dreg:$0x2];
	s3 =	simm.s32 $0x0;
	s17 =	simm.s32 $0x1;
	v1 =	vor.u32 $0x1, v0;
	v2 =	vor.u32 $0x2, v0;
	v3 =	vor.u32 $0x3, v0  }
0x5: {  	s18 =	simm.s32 $0x2;
	s19 =	simm.s32 $0x0;
	s11 =	smul.u32 $0x4E200, s0;
	v4 =	vor.u32 $0x4, v0;
	v5 =	vor.u32 $0x5, v0;
	v6 =	vor.u32 $0x6, v0  }
0x6: {  	s7 =	sand.u32 $0x1, s2;
	s28 =	sshll.u32 s0, $0x1;
	s15 =	smul.u32 $0x4E20, s0;
	v7 =	vor.u32 $0x7, v0;
	v8 =	vor.u32 $0x80, v0;
	v9 =	vor.u32 $0x81, v0  }
0x7: {  	[smem:$0x7FF] =	sst s3;
	s4 =	sadd.s32 $0xCA00, s5;
	s14 =	smul.u32 $0x27100, s7;
	v10 =	vor.u32 $0x82, v0;
	v11 =	vor.u32 $0x83, v0;
	v12 =	vor.u32 $0x84, v0  }
0x8: {  	s10 =	sadd.s32 $0xF200, s5;
	s2 =	sor.u32 s7, s28;
	s16 =	smul.u32 $0x2710, s7;
	v13 =	vor.u32 $0x85, v0;
	v14 =	vor.u32 $0x86, v0;
	v15 =	vor.u32 $0x87, v0  }
0x9: {  	s29 =	ssub.s32 $0x2, s7;
	s6 =	smul.u32 $0x2710, s2;
	s2 =	rddreg [dreg:$0x3];
	v16 =	vor.u32 $0x100, v0;
	v17 =	vor.u32 $0x101, v0;
	v18 =	vor.u32 $0x102, v0  }
0xa: {  	_ =	strace $0x80000047;
	s12 =	sshrl.u32 s29, $0x1;
	v19 =	vor.u32 $0x103, v0;
	v20 =	vor.u32 $0x104, v0;
	v21 =	vor.u32 $0x105, v0;
	s30 =	sadd.s32 s11, s10  }
0xb: {  	v22 =	vor.u32 $0x106, v0;
	v23 =	vor.u32 $0x107, v0;
	v24 =	vor.u32 $0x180, v0;
	s31 =	sadd.s32 s15, s8;
	s11 =	simm.s32 $0x7A00;
	s15 =	simm.s32 $0x4F80  }
0xc: {  	v25 =	vor.u32 $0x181, v0;
	v26 =	vor.u32 $0x182, v0;
	v27 =	vor.u32 $0x183, v0;
	s12 =	ssub.s32 s29, s12;
	s9 =	sshrl.u32 s6, $0x3;
	s13 =	sadd.s32 $0x26C0, s6  }
0xd: {  	v28 =	vor.u32 $0x184, v0;
	v29 =	vor.u32 $0x185, v0;
	v30 =	vor.u32 $0x186, v0;
	s9 =	sadd.s32 s9, s5;
	s6 =	sshll.u32 s13, $0x4;
	s7 =	sadd.s32 s8, s13  }
0xe: {  	v31 =	vor.u32 $0x187, v0;
	v32 =	vor.u32 $0x200, v0;
	v33 =	vor.u32 $0x201, v0;
	s8 =	smax.u32 s12, $0x1;
	s12 =	simm.s32 $0x3;
	s13 =	simm.s32 $0x2780  }
0xf: {  	v34 =	vor.u32 $0x202, v0;
	v35 =	vor.u32 $0x203, v0;
	v36 =	vor.u32 $0x204, v0;
	s5 =	sadd.s32 $0x2C00, s9;
	s6 =	sadd.s32 s10, s6;
	s9 =	sadd.s32 s14, s30  }
0x10: {  	v37 =	vor.u32 $0x205, v0;
	v38 =	vor.u32 $0x206, v0;
	v39 =	vor.u32 $0x207, v0;
	s10 =	sadd.s32 s16, s31;
	s14 =	simm.s32 $0x50;
	s16 =	simm.s32 $0x7780  }
.LBB2_1:
0x11: {  	[tilespmem:s11], [sflag:$0x3] =	stream.linear.gather [hbm4b:s4+s3], $0x13880, $0x38;
	[tilespmem:$0x1B280] =	vst v63  }
0x12: {  	_ =	swait.ge [sflag:s12], $0x13880  }
0x13: {  	[sflag:s12] =	ssyncset.done $0x0  }
0x14: {  	[sflag:s12] =	ssyncadd.s32 $0xFFFEC780  }
0x15: {  	[tilespmem:s3], [sflag:$0x3] =	stream.linear.gather [hbm4b:s5+s3], $0x2710, $0x38;
	[tilespmem:$0x1B280] =	vst v63  }
0x16: {  	_ =	swait.ge [sflag:s12], $0x2710  }
0x17: {  	s20 =	smov.u32 s9;
	[sflag:s12] =	ssyncset.done $0x0  }
0x18: {  	s21 =	simm.s32 $0x50;
	s22 =	simm.s32 $0x0;
	[sflag:s12] =	ssyncadd.s32 $0xFFFFD8F0  }
0x19: {  	[tilespmem:s13], [sflag:$0x1] =	stream.indirect.gather [hbm4b:s1+s14], $0x80, s3, s14, $0xb8;
	[tilespmem:$0x1B280] =	vst v63  }
.LBB2_2:
0x1a: {  	[tilespmem:s15], [sflag:$0x2] =	stream.indirect.gather [hbm4b:s1+s14], $0x80, s21, s14, $0xb8;
	[tilespmem:$0x1B280] =	vst v63  }
0x1b: {  	v40 =	vld [tilespmem:s21+$0xFFFFFFB0];
	_ =	sdelay $0x4  }
0x1c: {  	v40 =	vshll.u32 v40, $0x3;
	_ =	sdelay $0x4  }
0x1d: {  	v41 =	vld.idx.msk [tilespmem:v40+s11+$0x0], $0xffff  }
0x1e: {  	v42 =	vor.u32 $0x1, v40;
	_ =	sdelay $0x3  }
0x1f: {  	[tilespmem:v0+s16+$0x0] =	vst.idx.msk $0xffff, v41  }
0x20: {  	v41 =	vld.idx.msk [tilespmem:v42+s11+$0x0], $0xffff  }
0x21: {  	v60 =	vor.u32 $0x2, v40;
	_ =	sdelay $0x3  }
0x22: {  	[tilespmem:v1+s16+$0x0] =	vst.idx.msk $0xffff, v41  }
0x23: {  	v41 =	vld.idx.msk [tilespmem:v60+s11+$0x0], $0xffff  }
0x24: {  	v61 =	vor.u32 $0x3, v40;
	_ =	sdelay $0x3  }
0x25: {  	[tilespmem:v2+s16+$0x0] =	vst.idx.msk $0xffff, v41  }
0x26: {  	v41 =	vld.idx.msk [tilespmem:v61+s11+$0x0], $0xffff  }
0x27: {  	v62 =	vor.u32 $0x4, v40;
	_ =	sdelay $0x3  }
0x28: {  	[tilespmem:v3+s16+$0x0] =	vst.idx.msk $0xffff, v41  }
0x29: {  	v41 =	vld.idx.msk [tilespmem:v62+s11+$0x0], $0xffff  }
0x2a: {  	v63 =	vor.u32 $0x5, v40;
	_ =	sdelay $0x3  }
0x2b: {  	[tilespmem:v4+s16+$0x0] =	vst.idx.msk $0xffff, v41  }
0x2c: {  	v41 =	vld.idx.msk [tilespmem:v63+s11+$0x0], $0xffff  }
0x2d: {  	v45 =	vor.u32 $0x6, v40;
	_ =	sdelay $0x3  }
0x2e: {  	[tilespmem:v5+s16+$0x0] =	vst.idx.msk $0xffff, v41  }
0x2f: {  	v41 =	vld.idx.msk [tilespmem:v45+s11+$0x0], $0xffff  }
0x30: {  	v40 =	vor.u32 $0x7, v40;
	_ =	sdelay $0x3  }
0x31: {  	[tilespmem:v6+s16+$0x0] =	vst.idx.msk $0xffff, v41  }
0x32: {  	v40 =	vld.idx.msk [tilespmem:v40+s11+$0x0], $0xffff;
	_ =	sdelay $0x4  }
0x33: {  	[tilespmem:v7+s16+$0x0] =	vst.idx.msk $0xffff, v40  }
0x34: {  	v40 =	vld [tilespmem:s21+$0xFFFFFFC0];
	_ =	sdelay $0x4  }
0x35: {  	v40 =	vshll.u32 v40, $0x3;
	_ =	sdelay $0x4  }
0x36: {  	v41 =	vld.idx.msk [tilespmem:v40+s11+$0x0], $0xffff  }
0x37: {  	v46 =	vor.u32 $0x1, v40;
	_ =	sdelay $0x3  }
0x38: {  	[tilespmem:v8+s16+$0x0] =	vst.idx.msk $0xffff, v41  }
0x39: {  	v41 =	vld.idx.msk [tilespmem:v46+s11+$0x0], $0xffff  }
0x3a: {  	v47 =	vor.u32 $0x2, v40;
	_ =	sdelay $0x3  }
0x3b: {  	[tilespmem:v9+s16+$0x0] =	vst.idx.msk $0xffff, v41  }
0x3c: {  	v41 =	vld.idx.msk [tilespmem:v47+s11+$0x0], $0xffff  }
0x3d: {  	v48 =	vor.u32 $0x3, v40;
	_ =	sdelay $0x3  }
0x3e: {  	[tilespmem:v10+s16+$0x0] =	vst.idx.msk $0xffff, v41  }
0x3f: {  	v41 =	vld.idx.msk [tilespmem:v48+s11+$0x0], $0xffff  }
0x40: {  	v49 =	vor.u32 $0x4, v40;
	_ =	sdelay $0x3  }
0x41: {  	[tilespmem:v11+s16+$0x0] =	vst.idx.msk $0xffff, v41  }
0x42: {  	v41 =	vld.idx.msk [tilespmem:v49+s11+$0x0], $0xffff  }
0x43: {  	v50 =	vor.u32 $0x5, v40;
	_ =	sdelay $0x3  }
0x44: {  	[tilespmem:v12+s16+$0x0] =	vst.idx.msk $0xffff, v41  }
0x45: {  	v41 =	vld.idx.msk [tilespmem:v50+s11+$0x0], $0xffff  }
0x46: {  	v51 =	vor.u32 $0x6, v40;
	_ =	sdelay $0x3  }
0x47: {  	[tilespmem:v13+s16+$0x0] =	vst.idx.msk $0xffff, v41  }
0x48: {  	v41 =	vld.idx.msk [tilespmem:v51+s11+$0x0], $0xffff  }
0x49: {  	v40 =	vor.u32 $0x7, v40;
	_ =	sdelay $0x3  }
0x4a: {  	[tilespmem:v14+s16+$0x0] =	vst.idx.msk $0xffff, v41  }
0x4b: {  	v40 =	vld.idx.msk [tilespmem:v40+s11+$0x0], $0xffff;
	_ =	sdelay $0x4  }
0x4c: {  	[tilespmem:v15+s16+$0x0] =	vst.idx.msk $0xffff, v40  }
0x4d: {  	v40 =	vld [tilespmem:s21+$0xFFFFFFD0];
	_ =	sdelay $0x4  }
0x4e: {  	v40 =	vshll.u32 v40, $0x3;
	_ =	sdelay $0x4  }
0x4f: {  	v41 =	vld.idx.msk [tilespmem:v40+s11+$0x0], $0xffff  }
0x50: {  	v52 =	vor.u32 $0x1, v40;
	_ =	sdelay $0x3  }
0x51: {  	[tilespmem:v16+s16+$0x0] =	vst.idx.msk $0xffff, v41  }
0x52: {  	v41 =	vld.idx.msk [tilespmem:v52+s11+$0x0], $0xffff  }
0x53: {  	v53 =	vor.u32 $0x2, v40;
	_ =	sdelay $0x3  }
0x54: {  	[tilespmem:v17+s16+$0x0] =	vst.idx.msk $0xffff, v41  }
0x55: {  	v41 =	vld.idx.msk [tilespmem:v53+s11+$0x0], $0xffff  }
0x56: {  	v54 =	vor.u32 $0x3, v40;
	_ =	sdelay $0x3  }
0x57: {  	[tilespmem:v18+s16+$0x0] =	vst.idx.msk $0xffff, v41  }
0x58: {  	v41 =	vld.idx.msk [tilespmem:v54+s11+$0x0], $0xffff  }
0x59: {  	v55 =	vor.u32 $0x4, v40;
	_ =	sdelay $0x3  }
0x5a: {  	[tilespmem:v19+s16+$0x0] =	vst.idx.msk $0xffff, v41  }
0x5b: {  	v41 =	vld.idx.msk [tilespmem:v55+s11+$0x0], $0xffff  }
0x5c: {  	v56 =	vor.u32 $0x5, v40;
	_ =	sdelay $0x3  }
0x5d: {  	[tilespmem:v20+s16+$0x0] =	vst.idx.msk $0xffff, v41  }
0x5e: {  	v41 =	vld.idx.msk [tilespmem:v56+s11+$0x0], $0xffff  }
0x5f: {  	v57 =	vor.u32 $0x6, v40;
	_ =	sdelay $0x3  }
0x60: {  	[tilespmem:v21+s16+$0x0] =	vst.idx.msk $0xffff, v41  }
0x61: {  	v41 =	vld.idx.msk [tilespmem:v57+s11+$0x0], $0xffff  }
0x62: {  	v40 =	vor.u32 $0x7, v40;
	_ =	sdelay $0x3  }
0x63: {  	[tilespmem:v22+s16+$0x0] =	vst.idx.msk $0xffff, v41  }
0x64: {  	v40 =	vld.idx.msk [tilespmem:v40+s11+$0x0], $0xffff;
	_ =	sdelay $0x4  }
0x65: {  	[tilespmem:v23+s16+$0x0] =	vst.idx.msk $0xffff, v40  }
0x66: {  	v40 =	vld [tilespmem:s21+$0xFFFFFFE0];
	_ =	sdelay $0x4  }
0x67: {  	v40 =	vshll.u32 v40, $0x3;
	_ =	sdelay $0x4  }
0x68: {  	v41 =	vld.idx.msk [tilespmem:v40+s11+$0x0], $0xffff  }
0x69: {  	v58 =	vor.u32 $0x1, v40;
	_ =	sdelay $0x3  }
0x6a: {  	[tilespmem:v24+s16+$0x0] =	vst.idx.msk $0xffff, v41  }
0x6b: {  	v41 =	vld.idx.msk [tilespmem:v58+s11+$0x0], $0xffff  }
0x6c: {  	v59 =	vor.u32 $0x2, v40;
	_ =	sdelay $0x3  }
0x6d: {  	[tilespmem:v25+s16+$0x0] =	vst.idx.msk $0xffff, v41  }
0x6e: {  	v41 =	vld.idx.msk [tilespmem:v59+s11+$0x0], $0xffff  }
0x6f: {  	v60 =	vor.u32 $0x3, v40;
	_ =	sdelay $0x3  }
0x70: {  	[tilespmem:v26+s16+$0x0] =	vst.idx.msk $0xffff, v41  }
0x71: {  	v41 =	vld.idx.msk [tilespmem:v60+s11+$0x0], $0xffff  }
0x72: {  	v61 =	vor.u32 $0x4, v40;
	_ =	sdelay $0x3  }
0x73: {  	[tilespmem:v27+s16+$0x0] =	vst.idx.msk $0xffff, v41  }
0x74: {  	v41 =	vld.idx.msk [tilespmem:v61+s11+$0x0], $0xffff  }
0x75: {  	v62 =	vor.u32 $0x5, v40;
	_ =	sdelay $0x3  }
0x76: {  	[tilespmem:v28+s16+$0x0] =	vst.idx.msk $0xffff, v41  }
0x77: {  	v41 =	vld.idx.msk [tilespmem:v62+s11+$0x0], $0xffff  }
0x78: {  	v63 =	vor.u32 $0x6, v40;
	_ =	sdelay $0x3  }
0x79: {  	[tilespmem:v29+s16+$0x0] =	vst.idx.msk $0xffff, v41  }
0x7a: {  	v41 =	vld.idx.msk [tilespmem:v63+s11+$0x0], $0xffff  }
0x7b: {  	v40 =	vor.u32 $0x7, v40;
	_ =	sdelay $0x3  }
0x7c: {  	[tilespmem:v30+s16+$0x0] =	vst.idx.msk $0xffff, v41  }
0x7d: {  	v40 =	vld.idx.msk [tilespmem:v40+s11+$0x0], $0xffff;
	_ =	sdelay $0x4  }
0x7e: {  	[tilespmem:v31+s16+$0x0] =	vst.idx.msk $0xffff, v40  }
0x7f: {  	v40 =	vld [tilespmem:s21+$0xFFFFFFF0];
	_ =	sdelay $0x4  }
0x80: {  	v40 =	vshll.u32 v40, $0x3;
	_ =	sdelay $0x4  }
0x81: {  	v41 =	vld.idx.msk [tilespmem:v40+s11+$0x0], $0xffff  }
0x82: {  	v45 =	vor.u32 $0x1, v40;
	_ =	sdelay $0x3  }
0x83: {  	[tilespmem:v32+s16+$0x0] =	vst.idx.msk $0xffff, v41  }
0x84: {  	v41 =	vld.idx.msk [tilespmem:v45+s11+$0x0], $0xffff  }
0x85: {  	v46 =	vor.u32 $0x2, v40;
	_ =	sdelay $0x3  }
0x86: {  	[tilespmem:v33+s16+$0x0] =	vst.idx.msk $0xffff, v41  }
0x87: {  	v41 =	vld.idx.msk [tilespmem:v46+s11+$0x0], $0xffff  }
0x88: {  	v47 =	vor.u32 $0x3, v40;
	_ =	sdelay $0x3  }
0x89: {  	[tilespmem:v34+s16+$0x0] =	vst.idx.msk $0xffff, v41  }
0x8a: {  	v41 =	vld.idx.msk [tilespmem:v47+s11+$0x0], $0xffff  }
0x8b: {  	v48 =	vor.u32 $0x4, v40;
	_ =	sdelay $0x3  }
0x8c: {  	[tilespmem:v35+s16+$0x0] =	vst.idx.msk $0xffff, v41  }
0x8d: {  	v41 =	vld.idx.msk [tilespmem:v48+s11+$0x0], $0xffff  }
0x8e: {  	v49 =	vor.u32 $0x5, v40;
	_ =	sdelay $0x3  }
0x8f: {  	[tilespmem:v36+s16+$0x0] =	vst.idx.msk $0xffff, v41  }
0x90: {  	v41 =	vld.idx.msk [tilespmem:v49+s11+$0x0], $0xffff  }
0x91: {  	v50 =	vor.u32 $0x6, v40;
	_ =	sdelay $0x3  }
0x92: {  	[tilespmem:v37+s16+$0x0] =	vst.idx.msk $0xffff, v41  }
0x93: {  	v41 =	vld.idx.msk [tilespmem:v50+s11+$0x0], $0xffff  }
0x94: {  	v40 =	vor.u32 $0x7, v40;
	_ =	sdelay $0x3  }
0x95: {  	[tilespmem:v38+s16+$0x0] =	vst.idx.msk $0xffff, v41  }
0x96: {  	v40 =	vld.idx.msk [tilespmem:v40+s11+$0x0], $0xffff;
	_ =	sdelay $0x4  }
0x97: {  	[tilespmem:v39+s16+$0x0] =	vst.idx.msk $0xffff, v40  }
0x98: {  	_ =	swait.ge [sflag:s17], $0x2800  }
0x99: {  	[sflag:s17] =	ssyncset.done $0x0  }
0x9a: {  	[sflag:s17] =	ssyncadd.s32 $0xFFFFD800  }
0x9b: {  	[hbm4b:s20+s3] =	stream.linear.scatter [tilespmem:s13], [sflag:$0x3], $0x2800, $0x38;
	[tilespmem:$0x1B280] =	vst v63  }
0x9c: {  	_ =	swait.ge [sflag:s12], $0x2800  }
0x9d: {  	[sflag:s12] =	ssyncset.done $0x0  }
0x9e: {  	s23 =	sadd.s32 s22, s10;
	[sflag:s12] =	ssyncadd.s32 $0xFFFFD800  }
0x9f: {  	[hbm4b:s23+s3] =	stream.linear.scatter [tilespmem:s16], [sflag:$0x3], $0x280, $0x38;
	[tilespmem:$0x1B280] =	vst v63  }
0xa0: {  	_ =	swait.ge [sflag:s12], $0x280  }
0xa1: {  	[sflag:s12] =	ssyncset.done $0x0  }
0xa2: {  	s24 =	sadd.s32 $0x50, s21;
	[sflag:s12] =	ssyncadd.s32 $0xFFFFFD80  }
0xa3: {  	[tilespmem:s13], [sflag:$0x1] =	stream.indirect.gather [hbm4b:s1+s14], $0x80, s24, s14, $0xb8;
	[tilespmem:$0x1B280] =	vst v63  }
0xa4: {  	v51 =	vld [tilespmem:s21+$0x0];
	_ =	sdelay $0x4  }
0xa5: {  	v40 =	vshll.u32 v51, $0x3;
	_ =	sdelay $0x4  }
0xa6: {  	v52 =	vld.idx.msk [tilespmem:v40+s11+$0x0], $0xffff  }
0xa7: {  	v53 =	vor.u32 $0x1, v40;
	_ =	sdelay $0x3  }
0xa8: {  	[tilespmem:v0+s16+$0x0] =	vst.idx.msk $0xffff, v52  }
0xa9: {  	v41 =	vld.idx.msk [tilespmem:v53+s11+$0x0], $0xffff  }
0xaa: {  	v54 =	vor.u32 $0x2, v40;
	_ =	sdelay $0x3  }
0xab: {  	[tilespmem:v1+s16+$0x0] =	vst.idx.msk $0xffff, v41  }
0xac: {  	v41 =	vld.idx.msk [tilespmem:v54+s11+$0x0], $0xffff  }
0xad: {  	v55 =	vor.u32 $0x3, v40;
	_ =	sdelay $0x3  }
0xae: {  	[tilespmem:v2+s16+$0x0] =	vst.idx.msk $0xffff, v41  }
0xaf: {  	v41 =	vld.idx.msk [tilespmem:v55+s11+$0x0], $0xffff  }
0xb0: {  	v56 =	vor.u32 $0x4, v40;
	_ =	sdelay $0x3  }
0xb1: {  	[tilespmem:v3+s16+$0x0] =	vst.idx.msk $0xffff, v41  }
0xb2: {  	v41 =	vld.idx.msk [tilespmem:v56+s11+$0x0], $0xffff  }
0xb3: {  	v57 =	vor.u32 $0x5, v40;
	_ =	sdelay $0x3  }
0xb4: {  	[tilespmem:v4+s16+$0x0] =	vst.idx.msk $0xffff, v41  }
0xb5: {  	v41 =	vld.idx.msk [tilespmem:v57+s11+$0x0], $0xffff  }
0xb6: {  	v58 =	vor.u32 $0x6, v40;
	_ =	sdelay $0x3  }
0xb7: {  	[tilespmem:v5+s16+$0x0] =	vst.idx.msk $0xffff, v41  }
0xb8: {  	v41 =	vld.idx.msk [tilespmem:v58+s11+$0x0], $0xffff  }
0xb9: {  	v40 =	vor.u32 $0x7, v40;
	_ =	sdelay $0x3  }
0xba: {  	[tilespmem:v6+s16+$0x0] =	vst.idx.msk $0xffff, v41  }
0xbb: {  	v40 =	vld.idx.msk [tilespmem:v40+s11+$0x0], $0xffff;
	_ =	sdelay $0x4  }
0xbc: {  	[tilespmem:v7+s16+$0x0] =	vst.idx.msk $0xffff, v40  }
0xbd: {  	v40 =	vld [tilespmem:s21+$0x10];
	_ =	sdelay $0x4  }
0xbe: {  	v40 =	vshll.u32 v40, $0x3;
	_ =	sdelay $0x4  }
0xbf: {  	v41 =	vld.idx.msk [tilespmem:v40+s11+$0x0], $0xffff  }
0xc0: {  	v59 =	vor.u32 $0x1, v40;
	_ =	sdelay $0x3  }
0xc1: {  	[tilespmem:v8+s16+$0x0] =	vst.idx.msk $0xffff, v41  }
0xc2: {  	v41 =	vld.idx.msk [tilespmem:v59+s11+$0x0], $0xffff  }
0xc3: {  	v60 =	vor.u32 $0x2, v40;
	_ =	sdelay $0x3  }
0xc4: {  	[tilespmem:v9+s16+$0x0] =	vst.idx.msk $0xffff, v41  }
0xc5: {  	v41 =	vld.idx.msk [tilespmem:v60+s11+$0x0], $0xffff  }
0xc6: {  	v61 =	vor.u32 $0x3, v40;
	_ =	sdelay $0x3  }
0xc7: {  	[tilespmem:v10+s16+$0x0] =	vst.idx.msk $0xffff, v41  }
0xc8: {  	v41 =	vld.idx.msk [tilespmem:v61+s11+$0x0], $0xffff  }
0xc9: {  	v62 =	vor.u32 $0x4, v40;
	_ =	sdelay $0x3  }
0xca: {  	[tilespmem:v11+s16+$0x0] =	vst.idx.msk $0xffff, v41  }
0xcb: {  	v41 =	vld.idx.msk [tilespmem:v62+s11+$0x0], $0xffff  }
0xcc: {  	v63 =	vor.u32 $0x5, v40;
	_ =	sdelay $0x3  }
0xcd: {  	[tilespmem:v12+s16+$0x0] =	vst.idx.msk $0xffff, v41  }
0xce: {  	v41 =	vld.idx.msk [tilespmem:v63+s11+$0x0], $0xffff  }
0xcf: {  	v45 =	vor.u32 $0x6, v40;
	_ =	sdelay $0x3  }
0xd0: {  	[tilespmem:v13+s16+$0x0] =	vst.idx.msk $0xffff, v41  }
0xd1: {  	v41 =	vld.idx.msk [tilespmem:v45+s11+$0x0], $0xffff  }
0xd2: {  	v40 =	vor.u32 $0x7, v40;
	_ =	sdelay $0x3  }
0xd3: {  	[tilespmem:v14+s16+$0x0] =	vst.idx.msk $0xffff, v41  }
0xd4: {  	v40 =	vld.idx.msk [tilespmem:v40+s11+$0x0], $0xffff;
	_ =	sdelay $0x4  }
0xd5: {  	[tilespmem:v15+s16+$0x0] =	vst.idx.msk $0xffff, v40  }
0xd6: {  	v40 =	vld [tilespmem:s21+$0x20];
	_ =	sdelay $0x4  }
0xd7: {  	v40 =	vshll.u32 v40, $0x3;
	_ =	sdelay $0x4  }
0xd8: {  	v41 =	vld.idx.msk [tilespmem:v40+s11+$0x0], $0xffff  }
0xd9: {  	v46 =	vor.u32 $0x1, v40;
	_ =	sdelay $0x3  }
0xda: {  	[tilespmem:v16+s16+$0x0] =	vst.idx.msk $0xffff, v41  }
0xdb: {  	v41 =	vld.idx.msk [tilespmem:v46+s11+$0x0], $0xffff  }
0xdc: {  	v47 =	vor.u32 $0x2, v40;
	_ =	sdelay $0x3  }
0xdd: {  	[tilespmem:v17+s16+$0x0] =	vst.idx.msk $0xffff, v41  }
0xde: {  	v41 =	vld.idx.msk [tilespmem:v47+s11+$0x0], $0xffff  }
0xdf: {  	v48 =	vor.u32 $0x3, v40;
	_ =	sdelay $0x3  }
0xe0: {  	[tilespmem:v18+s16+$0x0] =	vst.idx.msk $0xffff, v41  }
0xe1: {  	v41 =	vld.idx.msk [tilespmem:v48+s11+$0x0], $0xffff  }
0xe2: {  	v49 =	vor.u32 $0x4, v40;
	_ =	sdelay $0x3  }
0xe3: {  	[tilespmem:v19+s16+$0x0] =	vst.idx.msk $0xffff, v41  }
0xe4: {  	v41 =	vld.idx.msk [tilespmem:v49+s11+$0x0], $0xffff  }
0xe5: {  	v50 =	vor.u32 $0x5, v40;
	_ =	sdelay $0x3  }
0xe6: {  	[tilespmem:v20+s16+$0x0] =	vst.idx.msk $0xffff, v41  }
0xe7: {  	v41 =	vld.idx.msk [tilespmem:v50+s11+$0x0], $0xffff  }
0xe8: {  	v51 =	vor.u32 $0x6, v40;
	_ =	sdelay $0x3  }
0xe9: {  	[tilespmem:v21+s16+$0x0] =	vst.idx.msk $0xffff, v41  }
0xea: {  	v41 =	vld.idx.msk [tilespmem:v51+s11+$0x0], $0xffff  }
0xeb: {  	v40 =	vor.u32 $0x7, v40;
	_ =	sdelay $0x3  }
0xec: {  	[tilespmem:v22+s16+$0x0] =	vst.idx.msk $0xffff, v41  }
0xed: {  	v40 =	vld.idx.msk [tilespmem:v40+s11+$0x0], $0xffff;
	_ =	sdelay $0x4  }
0xee: {  	s30 =	sand.u32 $0x3FE0, s22;
	[tilespmem:v23+s16+$0x0] =	vst.idx.msk $0xffff, v40  }
0xef: {  	v40 =	vld [tilespmem:s30+$0x80];
	_ =	sdelay $0x4  }
0xf0: {  	v40 =	vshll.u32 v40, $0x3;
	_ =	sdelay $0x4  }
0xf1: {  	v41 =	vld.idx.msk [tilespmem:v40+s11+$0x0], $0xffff  }
0xf2: {  	v52 =	vor.u32 $0x1, v40;
	_ =	sdelay $0x3  }
0xf3: {  	[tilespmem:v24+s16+$0x0] =	vst.idx.msk $0xffff, v41  }
0xf4: {  	v41 =	vld.idx.msk [tilespmem:v52+s11+$0x0], $0xffff  }
0xf5: {  	v53 =	vor.u32 $0x2, v40;
	_ =	sdelay $0x3  }
0xf6: {  	[tilespmem:v25+s16+$0x0] =	vst.idx.msk $0xffff, v41  }
0xf7: {  	v41 =	vld.idx.msk [tilespmem:v53+s11+$0x0], $0xffff  }
0xf8: {  	v54 =	vor.u32 $0x3, v40;
	_ =	sdelay $0x3  }
0xf9: {  	[tilespmem:v26+s16+$0x0] =	vst.idx.msk $0xffff, v41  }
0xfa: {  	v41 =	vld.idx.msk [tilespmem:v54+s11+$0x0], $0xffff  }
0xfb: {  	v55 =	vor.u32 $0x4, v40;
	_ =	sdelay $0x3  }
0xfc: {  	[tilespmem:v27+s16+$0x0] =	vst.idx.msk $0xffff, v41  }
0xfd: {  	v41 =	vld.idx.msk [tilespmem:v55+s11+$0x0], $0xffff  }
0xfe: {  	v56 =	vor.u32 $0x5, v40;
	_ =	sdelay $0x3  }
0xff: {  	[tilespmem:v28+s16+$0x0] =	vst.idx.msk $0xffff, v41  }
0x100: {  	v41 =	vld.idx.msk [tilespmem:v56+s11+$0x0], $0xffff  }
0x101: {  	v57 =	vor.u32 $0x6, v40;
	_ =	sdelay $0x3  }
0x102: {  	[tilespmem:v29+s16+$0x0] =	vst.idx.msk $0xffff, v41  }
0x103: {  	v41 =	vld.idx.msk [tilespmem:v57+s11+$0x0], $0xffff  }
0x104: {  	v40 =	vor.u32 $0x7, v40;
	_ =	sdelay $0x3  }
0x105: {  	[tilespmem:v30+s16+$0x0] =	vst.idx.msk $0xffff, v41  }
0x106: {  	v40 =	vld.idx.msk [tilespmem:v40+s11+$0x0], $0xffff;
	_ =	sdelay $0x4  }
0x107: {  	[tilespmem:v31+s16+$0x0] =	vst.idx.msk $0xffff, v40  }
0x108: {  	v40 =	vld [tilespmem:s21+$0x40];
	_ =	sdelay $0x4  }
0x109: {  	v40 =	vshll.u32 v40, $0x3;
	_ =	sdelay $0x4  }
0x10a: {  	v41 =	vld.idx.msk [tilespmem:v40+s11+$0x0], $0xffff  }
0x10b: {  	v58 =	vor.u32 $0x1, v40;
	_ =	sdelay $0x3  }
0x10c: {  	[tilespmem:v32+s16+$0x0] =	vst.idx.msk $0xffff, v41  }
0x10d: {  	v41 =	vld.idx.msk [tilespmem:v58+s11+$0x0], $0xffff  }
0x10e: {  	v59 =	vor.u32 $0x2, v40;
	_ =	sdelay $0x3  }
0x10f: {  	[tilespmem:v33+s16+$0x0] =	vst.idx.msk $0xffff, v41  }
0x110: {  	v41 =	vld.idx.msk [tilespmem:v59+s11+$0x0], $0xffff  }
0x111: {  	v60 =	vor.u32 $0x3, v40;
	_ =	sdelay $0x3  }
0x112: {  	[tilespmem:v34+s16+$0x0] =	vst.idx.msk $0xffff, v41  }
0x113: {  	v41 =	vld.idx.msk [tilespmem:v60+s11+$0x0], $0xffff  }
0x114: {  	v61 =	vor.u32 $0x4, v40;
	_ =	sdelay $0x3  }
0x115: {  	[tilespmem:v35+s16+$0x0] =	vst.idx.msk $0xffff, v41  }
0x116: {  	v41 =	vld.idx.msk [tilespmem:v61+s11+$0x0], $0xffff  }
0x117: {  	v62 =	vor.u32 $0x5, v40;
	_ =	sdelay $0x3  }
0x118: {  	[tilespmem:v36+s16+$0x0] =	vst.idx.msk $0xffff, v41  }
0x119: {  	v41 =	vld.idx.msk [tilespmem:v62+s11+$0x0], $0xffff  }
0x11a: {  	v63 =	vor.u32 $0x6, v40;
	_ =	sdelay $0x3  }
0x11b: {  	[tilespmem:v37+s16+$0x0] =	vst.idx.msk $0xffff, v41  }
0x11c: {  	v41 =	vld.idx.msk [tilespmem:v63+s11+$0x0], $0xffff  }
0x11d: {  	v40 =	vor.u32 $0x7, v40;
	_ =	sdelay $0x3  }
0x11e: {  	[tilespmem:v38+s16+$0x0] =	vst.idx.msk $0xffff, v41  }
0x11f: {  	v40 =	vld.idx.msk [tilespmem:v40+s11+$0x0], $0xffff;
	_ =	sdelay $0x4  }
0x120: {  	[tilespmem:v39+s16+$0x0] =	vst.idx.msk $0xffff, v40  }
0x121: {  	_ =	swait.ge [sflag:s18], $0x2800  }
0x122: {  	[sflag:s18] =	ssyncset.done $0x0  }
0x123: {  	s31 =	sadd.s32 $0x500, s20;
	[sflag:s18] =	ssyncadd.s32 $0xFFFFD800  }
0x124: {  	[hbm4b:s31+s3] =	stream.linear.scatter [tilespmem:s15], [sflag:$0x3], $0x2800, $0x38;
	[tilespmem:$0x1B280] =	vst v63  }
0x125: {  	_ =	swait.ge [sflag:s12], $0x2800  }
0x126: {  	p0 =	sne.s32 s22, $0x2620;
	[sflag:s12] =	ssyncset.done $0x0  }
.Ltmp0:
0x127: {  	s23 =	sadd.s32 $0x50, s23;
	[sflag:s12] =	ssyncadd.s32 $0xFFFFD800;
	(pc) =	sbr.rel @p0 .LBB2_2-.Ltmp0, $4  }
0x128: {  	[hbm4b:s23+s3] =	stream.linear.scatter [tilespmem:s16], [sflag:$0x3], $0x280, $0x38;
	[tilespmem:$0x1B280] =	vst v63  }
0x129: {  	_ =	swait.ge [sflag:s12], $0x280  }
0x12a: {  	s22 =	sadd.s32 $0xA0, s22;
	[sflag:s12] =	ssyncset.done $0x0  }
0x12b: {  	s20 =	sadd.s32 $0xA00, s20;
	s21 =	sadd.s32 $0xA0, s21;
	[sflag:s12] =	ssyncadd.s32 $0xFFFFFD80  }
0x12c: {  	v40 =	vld [tilespmem:$0x26C0];
	_ =	sdelay $0x4  }
0x12d: {  	v40 =	vshll.u32 v40, $0x3;
	_ =	sdelay $0x4  }
0x12e: {  	v41 =	vld.idx.msk [tilespmem:v40+s11+$0x0], $0xffff  }
0x12f: {  	v42 =	vor.u32 $0x1, v40;
	_ =	sdelay $0x3  }
0x130: {  	[tilespmem:v0+s16+$0x0] =	vst.idx.msk $0xffff, v41  }
0x131: {  	v41 =	vld.idx.msk [tilespmem:v42+s11+$0x0], $0xffff  }
0x132: {  	v54 =	vor.u32 $0x2, v40;
	_ =	sdelay $0x3  }
0x133: {  	[tilespmem:v1+s16+$0x0] =	vst.idx.msk $0xffff, v41  }
0x134: {  	v41 =	vld.idx.msk [tilespmem:v54+s11+$0x0], $0xffff  }
0x135: {  	v55 =	vor.u32 $0x3, v40;
	_ =	sdelay $0x3  }
0x136: {  	[tilespmem:v2+s16+$0x0] =	vst.idx.msk $0xffff, v41  }
0x137: {  	v41 =	vld.idx.msk [tilespmem:v55+s11+$0x0], $0xffff  }
0x138: {  	v56 =	vor.u32 $0x4, v40;
	_ =	sdelay $0x3  }
0x139: {  	[tilespmem:v3+s16+$0x0] =	vst.idx.msk $0xffff, v41  }
0x13a: {  	v41 =	vld.idx.msk [tilespmem:v56+s11+$0x0], $0xffff  }
0x13b: {  	v57 =	vor.u32 $0x5, v40;
	_ =	sdelay $0x3  }
0x13c: {  	[tilespmem:v4+s16+$0x0] =	vst.idx.msk $0xffff, v41  }
0x13d: {  	v41 =	vld.idx.msk [tilespmem:v57+s11+$0x0], $0xffff  }
0x13e: {  	v58 =	vor.u32 $0x6, v40;
	_ =	sdelay $0x3  }
0x13f: {  	[tilespmem:v5+s16+$0x0] =	vst.idx.msk $0xffff, v41  }
0x140: {  	v41 =	vld.idx.msk [tilespmem:v58+s11+$0x0], $0xffff  }
0x141: {  	v40 =	vor.u32 $0x7, v40;
	_ =	sdelay $0x3  }
0x142: {  	[tilespmem:v6+s16+$0x0] =	vst.idx.msk $0xffff, v41  }
0x143: {  	v40 =	vld.idx.msk [tilespmem:v40+s11+$0x0], $0xffff;
	_ =	sdelay $0x4  }
0x144: {  	[tilespmem:v7+s16+$0x0] =	vst.idx.msk $0xffff, v40  }
0x145: {  	v40 =	vld [tilespmem:$0x26D0];
	_ =	sdelay $0x4  }
0x146: {  	v40 =	vshll.u32 v40, $0x3;
	_ =	sdelay $0x4  }
0x147: {  	v41 =	vld.idx.msk [tilespmem:v40+s11+$0x0], $0xffff  }
0x148: {  	v59 =	vor.u32 $0x1, v40;
	_ =	sdelay $0x3  }
0x149: {  	[tilespmem:v8+s16+$0x0] =	vst.idx.msk $0xffff, v41  }
0x14a: {  	v41 =	vld.idx.msk [tilespmem:v59+s11+$0x0], $0xffff  }
0x14b: {  	v60 =	vor.u32 $0x2, v40;
	_ =	sdelay $0x3  }
0x14c: {  	[tilespmem:v9+s16+$0x0] =	vst.idx.msk $0xffff, v41  }
0x14d: {  	v41 =	vld.idx.msk [tilespmem:v60+s11+$0x0], $0xffff  }
0x14e: {  	v61 =	vor.u32 $0x3, v40;
	_ =	sdelay $0x3  }
0x14f: {  	[tilespmem:v10+s16+$0x0] =	vst.idx.msk $0xffff, v41  }
0x150: {  	v41 =	vld.idx.msk [tilespmem:v61+s11+$0x0], $0xffff  }
0x151: {  	v62 =	vor.u32 $0x4, v40;
	_ =	sdelay $0x3  }
0x152: {  	[tilespmem:v11+s16+$0x0] =	vst.idx.msk $0xffff, v41  }
0x153: {  	v41 =	vld.idx.msk [tilespmem:v62+s11+$0x0], $0xffff  }
0x154: {  	v63 =	vor.u32 $0x5, v40;
	_ =	sdelay $0x3  }
0x155: {  	[tilespmem:v12+s16+$0x0] =	vst.idx.msk $0xffff, v41  }
0x156: {  	v41 =	vld.idx.msk [tilespmem:v63+s11+$0x0], $0xffff  }
0x157: {  	v45 =	vor.u32 $0x6, v40;
	_ =	sdelay $0x3  }
0x158: {  	[tilespmem:v13+s16+$0x0] =	vst.idx.msk $0xffff, v41  }
0x159: {  	v41 =	vld.idx.msk [tilespmem:v45+s11+$0x0], $0xffff  }
0x15a: {  	v40 =	vor.u32 $0x7, v40;
	_ =	sdelay $0x3  }
0x15b: {  	[tilespmem:v14+s16+$0x0] =	vst.idx.msk $0xffff, v41  }
0x15c: {  	v40 =	vld.idx.msk [tilespmem:v40+s11+$0x0], $0xffff;
	_ =	sdelay $0x4  }
0x15d: {  	[tilespmem:v15+s16+$0x0] =	vst.idx.msk $0xffff, v40  }
0x15e: {  	v40 =	vld [tilespmem:$0x26E0];
	_ =	sdelay $0x4  }
0x15f: {  	v40 =	vshll.u32 v40, $0x3;
	_ =	sdelay $0x4  }
0x160: {  	v41 =	vld.idx.msk [tilespmem:v40+s11+$0x0], $0xffff  }
0x161: {  	v46 =	vor.u32 $0x1, v40;
	_ =	sdelay $0x3  }
0x162: {  	[tilespmem:v16+s16+$0x0] =	vst.idx.msk $0xffff, v41  }
0x163: {  	v41 =	vld.idx.msk [tilespmem:v46+s11+$0x0], $0xffff  }
0x164: {  	v47 =	vor.u32 $0x2, v40;
	_ =	sdelay $0x3  }
0x165: {  	[tilespmem:v17+s16+$0x0] =	vst.idx.msk $0xffff, v41  }
0x166: {  	v41 =	vld.idx.msk [tilespmem:v47+s11+$0x0], $0xffff  }
0x167: {  	v48 =	vor.u32 $0x3, v40;
	_ =	sdelay $0x3  }
0x168: {  	[tilespmem:v18+s16+$0x0] =	vst.idx.msk $0xffff, v41  }
0x169: {  	v41 =	vld.idx.msk [tilespmem:v48+s11+$0x0], $0xffff  }
0x16a: {  	v49 =	vor.u32 $0x4, v40;
	_ =	sdelay $0x3  }
0x16b: {  	[tilespmem:v19+s16+$0x0] =	vst.idx.msk $0xffff, v41  }
0x16c: {  	v41 =	vld.idx.msk [tilespmem:v49+s11+$0x0], $0xffff  }
0x16d: {  	v50 =	vor.u32 $0x5, v40;
	_ =	sdelay $0x3  }
0x16e: {  	[tilespmem:v20+s16+$0x0] =	vst.idx.msk $0xffff, v41  }
0x16f: {  	v41 =	vld.idx.msk [tilespmem:v50+s11+$0x0], $0xffff  }
0x170: {  	v51 =	vor.u32 $0x6, v40;
	_ =	sdelay $0x3  }
0x171: {  	[tilespmem:v21+s16+$0x0] =	vst.idx.msk $0xffff, v41  }
0x172: {  	v41 =	vld.idx.msk [tilespmem:v51+s11+$0x0], $0xffff  }
0x173: {  	v40 =	vor.u32 $0x7, v40;
	_ =	sdelay $0x3  }
0x174: {  	[tilespmem:v22+s16+$0x0] =	vst.idx.msk $0xffff, v41  }
0x175: {  	v40 =	vld.idx.msk [tilespmem:v40+s11+$0x0], $0xffff;
	_ =	sdelay $0x4  }
0x176: {  	[tilespmem:v23+s16+$0x0] =	vst.idx.msk $0xffff, v40  }
0x177: {  	v40 =	vld [tilespmem:$0x26F0];
	_ =	sdelay $0x4  }
0x178: {  	v40 =	vshll.u32 v40, $0x3;
	_ =	sdelay $0x4  }
0x179: {  	v41 =	vld.idx.msk [tilespmem:v40+s11+$0x0], $0xffff  }
0x17a: {  	v52 =	vor.u32 $0x1, v40;
	_ =	sdelay $0x3  }
0x17b: {  	[tilespmem:v24+s16+$0x0] =	vst.idx.msk $0xffff, v41  }
0x17c: {  	v41 =	vld.idx.msk [tilespmem:v52+s11+$0x0], $0xffff  }
0x17d: {  	v53 =	vor.u32 $0x2, v40;
	_ =	sdelay $0x3  }
0x17e: {  	[tilespmem:v25+s16+$0x0] =	vst.idx.msk $0xffff, v41  }
0x17f: {  	v41 =	vld.idx.msk [tilespmem:v53+s11+$0x0], $0xffff  }
0x180: {  	v54 =	vor.u32 $0x3, v40;
	_ =	sdelay $0x3  }
0x181: {  	[tilespmem:v26+s16+$0x0] =	vst.idx.msk $0xffff, v41  }
0x182: {  	v41 =	vld.idx.msk [tilespmem:v54+s11+$0x0], $0xffff  }
0x183: {  	v55 =	vor.u32 $0x4, v40;
	_ =	sdelay $0x3  }
0x184: {  	[tilespmem:v27+s16+$0x0] =	vst.idx.msk $0xffff, v41  }
0x185: {  	v41 =	vld.idx.msk [tilespmem:v55+s11+$0x0], $0xffff  }
0x186: {  	v56 =	vor.u32 $0x5, v40;
	_ =	sdelay $0x3  }
0x187: {  	[tilespmem:v28+s16+$0x0] =	vst.idx.msk $0xffff, v41  }
0x188: {  	v41 =	vld.idx.msk [tilespmem:v56+s11+$0x0], $0xffff  }
0x189: {  	v57 =	vor.u32 $0x6, v40;
	_ =	sdelay $0x3  }
0x18a: {  	[tilespmem:v29+s16+$0x0] =	vst.idx.msk $0xffff, v41  }
0x18b: {  	v41 =	vld.idx.msk [tilespmem:v57+s11+$0x0], $0xffff  }
0x18c: {  	v40 =	vor.u32 $0x7, v40;
	_ =	sdelay $0x3  }
0x18d: {  	[tilespmem:v30+s16+$0x0] =	vst.idx.msk $0xffff, v41  }
0x18e: {  	v40 =	vld.idx.msk [tilespmem:v40+s11+$0x0], $0xffff;
	_ =	sdelay $0x4  }
0x18f: {  	[tilespmem:v31+s16+$0x0] =	vst.idx.msk $0xffff, v40  }
0x190: {  	v40 =	vld [tilespmem:$0x2700];
	_ =	sdelay $0x4  }
0x191: {  	v40 =	vshll.u32 v40, $0x3;
	_ =	sdelay $0x4  }
0x192: {  	v41 =	vld.idx.msk [tilespmem:v40+s11+$0x0], $0xffff  }
0x193: {  	v58 =	vor.u32 $0x1, v40;
	_ =	sdelay $0x3  }
0x194: {  	[tilespmem:v32+s16+$0x0] =	vst.idx.msk $0xffff, v41  }
0x195: {  	v41 =	vld.idx.msk [tilespmem:v58+s11+$0x0], $0xffff  }
0x196: {  	v59 =	vor.u32 $0x2, v40;
	_ =	sdelay $0x3  }
0x197: {  	[tilespmem:v33+s16+$0x0] =	vst.idx.msk $0xffff, v41  }
0x198: {  	v41 =	vld.idx.msk [tilespmem:v59+s11+$0x0], $0xffff  }
0x199: {  	v60 =	vor.u32 $0x3, v40;
	_ =	sdelay $0x3  }
0x19a: {  	[tilespmem:v34+s16+$0x0] =	vst.idx.msk $0xffff, v41  }
0x19b: {  	v41 =	vld.idx.msk [tilespmem:v60+s11+$0x0], $0xffff  }
0x19c: {  	v61 =	vor.u32 $0x4, v40;
	_ =	sdelay $0x3  }
0x19d: {  	[tilespmem:v35+s16+$0x0] =	vst.idx.msk $0xffff, v41  }
0x19e: {  	v41 =	vld.idx.msk [tilespmem:v61+s11+$0x0], $0xffff  }
0x19f: {  	v62 =	vor.u32 $0x5, v40;
	_ =	sdelay $0x3  }
0x1a0: {  	[tilespmem:v36+s16+$0x0] =	vst.idx.msk $0xffff, v41  }
0x1a1: {  	v41 =	vld.idx.msk [tilespmem:v62+s11+$0x0], $0xffff  }
0x1a2: {  	v63 =	vor.u32 $0x6, v40;
	_ =	sdelay $0x3  }
0x1a3: {  	[tilespmem:v37+s16+$0x0] =	vst.idx.msk $0xffff, v41  }
0x1a4: {  	v41 =	vld.idx.msk [tilespmem:v63+s11+$0x0], $0xffff  }
0x1a5: {  	v40 =	vor.u32 $0x7, v40;
	_ =	sdelay $0x3  }
0x1a6: {  	[tilespmem:v38+s16+$0x0] =	vst.idx.msk $0xffff, v41  }
0x1a7: {  	v40 =	vld.idx.msk [tilespmem:v40+s11+$0x0], $0xffff;
	_ =	sdelay $0x4  }
0x1a8: {  	[tilespmem:v39+s16+$0x0] =	vst.idx.msk $0xffff, v40  }
0x1a9: {  	_ =	swait.ge [sflag:s17], $0x2800  }
0x1aa: {  	[sflag:s17] =	ssyncset.done $0x0  }
0x1ab: {  	[sflag:s17] =	ssyncadd.s32 $0xFFFFD800  }
0x1ac: {  	[hbm4b:s6+s3] =	stream.linear.scatter [tilespmem:s13], [sflag:$0x3], $0x2800, $0x38;
	[tilespmem:$0x1B280] =	vst v63  }
0x1ad: {  	s19 =	sadd.s32 $0x1, s19;
	_ =	swait.ge [sflag:s12], $0x2800  }
0x1ae: {  	p0 =	sne.s32 s19, s8;
	[sflag:s12] =	ssyncset.done $0x0  }
.Ltmp1:
0x1af: {  	[sflag:s12] =	ssyncadd.s32 $0xFFFFD800;
	(pc) =	sbr.rel @p0 .LBB2_1-.Ltmp1, $4  }
0x1b0: {  	[hbm4b:s7+s3] =	stream.linear.scatter [tilespmem:s16], [sflag:$0x3], $0x280, $0x38;
	[tilespmem:$0x1B280] =	vst v63  }
0x1b1: {  	_ =	swait.ge [sflag:s12], $0x280  }
0x1b2: {  	[sflag:s12] =	ssyncset.done $0x0  }
0x1b3: {  	[sflag:s12] =	ssyncadd.s32 $0xFFFFFD80  }
0x1b4: {  	_ =	sfence.sel $0x180000  }
0x1b5: {  	[bflag:$0x0] =	sbarrier.arrive $0xFFFF  }
0x1b6: {  	p0 =	sne.s32 s0, $0x0;
	_ =	strace $0x90000047  }
0x1b7: {  	s0 =	sadd.s32 @!p0 $0x100000, s2;
	[bflag:$0x2] =	sbarrier.arrive $0xFFFF  }
0x1b8: {  	[sflag:s0] =	ssyncadd.tile.s32 @!p0 $0x1;
	_ =	shalt  }
.Lfunc_end2:
_tile_overlayer_lowered:
.L_overlay_start_2:
0x1b9: {  	(tag) =	ssettag $0x2  }
0x1ba: {  	s0 =	rddreg [dreg:$0x0];
	s2 =	stileid.u32  }
0x1bb: {  	s1 =	rddreg [dreg:$0x1];
	p0 =	sne.s32 s2, $0x0  }
0x1bc: {  	s3 =	rddreg [dreg:$0x2];
	[bflag:$0x3] =	sbarrier.arrive $0xFFFF;
	s2 =	simm.s32 @!p0 $0x1C03  }
0x1bd: {  	[timem:s3], [sflag:s2] =	dma.local @!p0 [hbm:s0], s1  }
0x1be: {  	s0 =	simm.s32 @!p0 $0x3  }
0x1bf: {  	_ =	swait.ge @!p0 [sflag:s0], s1  }
0x1c0: {  	s1 =	ssub.s32 @!p0 $0x0, s1;
	[sflag:s0] =	ssyncset.done @!p0 $0x0  }
0x1c1: {  	[sflag:s0] =	ssyncadd.s32 @!p0 s1  }
0x1c2: {  	[bflag:$0x3] =	sbarrier.arrive $0xFFFF  }
0x1c3: {  	_ =	shalt  }

</sc_bundles>
